<compile_context>
chip_gen: v7x
topology: tpu7x:2x2x1
jax: 0.10.2.dev20260603
libtpu: 0.0.44.dev20260713+nightly
codegen_flags: <defaults>
</compile_context>

<pallas_src>
import functools

import jax
import jax.numpy as jnp
import numpy as np
from jax import lax
from jax.experimental import pallas as pl
from jax.experimental.pallas import tpu as pltpu
from jax.experimental.pallas import tpu_sc as plsc

_DIMS = np.array(
    [6, 7, 8, 9, 10, 11, 12, 13, 14, 15, 16, 17, 21, 22, 23, 24, 25, 26,
     27, 28, 29, 30, 31, 32, 36, 37, 38, 39, 40, 41, 42, 43, 44, 45, 46,
     47, 51, 52, 53, 54, 55, 56, 57, 58, 59, 63, 64, 65, 66, 67, 68, 75,
     76, 77, 78, 79, 80, 81, 82, 83, 87, 88, 89, 90, 91, 92],
    dtype=np.int32,
)
_IN_W = 96
_OUT_W = 66
_PAD_W = 72
_NW = 32
_PC = 128


def _sc_kernel(nt: int, nb: int):
    n_jobs = nt * _OUT_W
    nbt = nb // 128
    n_pairs = n_jobs // 2
    in_tr = _IN_W // 8
    out_tr = _PAD_W // 8
    mesh = plsc.VectorSubcoreMesh(core_axis_name="c", subcore_axis_name="s")

    @functools.partial(
        pl.kernel,
        out_type=jax.ShapeDtypeStruct((nt * out_tr * nbt, 8, 128),
                                      jnp.float32),
        mesh=mesh,
        scratch_types=[
            pltpu.VMEM((2, _PC, 128), jnp.float32),
            pltpu.VMEM((2, _PC, 128), jnp.float32),
            pltpu.VMEM((_OUT_W + 14,), jnp.float32),
            pltpu.VMEM((_OUT_W + 14,), jnp.float32),
            pltpu.VMEM((_OUT_W + 14,), jnp.int32),
            pltpu.SemaphoreType.DMA,
            pltpu.SemaphoreType.DMA,
            pltpu.SemaphoreType.DMA,
            pltpu.SemaphoreType.DMA,
        ],
        compiler_params=pltpu.CompilerParams(
            needs_layout_passes=False, disable_bounds_checks=True),
    )
    def body(x_hbm, m_hbm, s_hbm, d_hbm, out_hbm, inbuf, outbuf, mbuf,
             sbuf, dbuf, sin0, sin1, sout0, sout1):
        wid = lax.axis_index("s") * mesh.num_cores + lax.axis_index("c")
        pltpu.sync_copy(m_hbm, mbuf)
        pltpu.sync_copy(s_hbm, sbuf)
        pltpu.sync_copy(d_hbm, dbuf)
        sems_in = (sin0, sin1)
        sems_out = (sout0, sout1)
        zero16 = lax.iota(jnp.int32, 16) * 0

        def src_ref(job, piece):
            t = job // _OUT_W
            j = job - t * _OUT_W
            d = jnp.max(plsc.load_gather(dbuf, [zero16 + j]))
            q0 = (t * in_tr + d // 8) * nbt
            return x_hbm.at[pl.ds(q0, _PC), d % 8]

        def dst_ref(job, piece):
            t = job // _OUT_W
            j = job - t * _OUT_W
            q0 = (t * out_tr + j // 8) * nbt
            return out_hbm.at[pl.ds(q0, _PC), j % 8]

        def start_in(job, piece, slot):
            pltpu.async_copy(src_ref(job, piece), inbuf.at[slot],
                             sems_in[slot])

        def wait_in(job, piece, slot):
            pltpu.make_async_copy(src_ref(job, piece), inbuf.at[slot],
                                  sems_in[slot]).wait()

        def start_out(job, piece, slot):
            pltpu.async_copy(outbuf.at[slot], dst_ref(job, piece),
                             sems_out[slot])

        def wait_out(job, piece, slot):
            pltpu.make_async_copy(outbuf.at[slot], dst_ref(job, piece),
                                  sems_out[slot]).wait()

        total = 2 * ((n_pairs - wid + _NW - 1) // _NW)

        def glob(i):
            pair = wid + (i // 2) * _NW
            job = 2 * pair + i % 2
            return job, 0

        def do_piece(i, slot, g):
            job, piece = glob(i)
            wait_in(job, piece, slot)
            t = job // _OUT_W
            j = job - t * _OUT_W
            mv = plsc.load_gather(mbuf, [zero16 + j])
            sv = plsc.load_gather(sbuf, [zero16 + j])

            @pl.when(g >= 1)
            def _():
                jp, pp = glob(i - 2)
                wait_out(jp, pp, slot)

            @plsc.parallel_loop(0, _PC, step=1, unroll=2)
            def _(r):
                for k in range(8):
                    x = inbuf[slot, r, pl.ds(16 * k, 16)]
                    outbuf[slot, r, pl.ds(16 * k, 16)] = (x - mv) * sv

            start_out(job, piece, slot)

        j0, p0 = glob(0)
        start_in(j0, p0, 0)

        def gstep(g, _):
            i0 = 2 * g

            @pl.when(i0 + 1 < total)
            def _():
                jn, pn = glob(i0 + 1)
                start_in(jn, pn, 1)

            do_piece(i0, 0, g)

            @pl.when(i0 + 2 < total)
            def _():
                jn, pn = glob(i0 + 2)
                start_in(jn, pn, 0)

            do_piece(i0 + 1, 1, g)
            return 0

        lax.fori_loop(0, total // 2, gstep, 0)

        jp, pp = glob(total - 2)
        wait_out(jp, pp, 0)
        jp, pp = glob(total - 1)
        wait_out(jp, pp, 1)

    return body


@jax.jit
def kernel(observed_pose, mean, std):
    b, t, w = observed_pose.shape
    nbt = b // 128
    x3 = (observed_pose.transpose(1, 2, 0)
          .reshape(t, w // 8, 8, nbt, 128)
          .transpose(0, 1, 3, 2, 4)
          .reshape(t * (w // 8) * nbt, 8, 128))
    m66 = mean.reshape(_OUT_W)
    rs66 = (1.0 / std).reshape(_OUT_W)
    dtab = jnp.asarray(_DIMS)
    pad = lambda a: jnp.pad(a, (0, 14))
    out3 = _sc_kernel(t, b)(x3, pad(m66), pad(rs66), pad(dtab))
    out = (out3.reshape(t, _PAD_W // 8, nbt, 8, 128)
           .transpose(0, 1, 3, 2, 4)
           .reshape(t, _PAD_W, b)[:, :_OUT_W, :]
           .transpose(2, 0, 1))
    return out

# --- scband reference (transcript-rebuilt; emitter-appended) ---
"""Pipeline reference for scband-human36m-preprocess-50775103373407 (READ-ONLY COPY).

The authoritative reference and input builder live on the scoring server;
editing this copy changes nothing except your own understanding.
"""

import jax, jax.numpy as jnp
import numpy as np

DIM_USED = np.array([6, 7, 8, 9, 10, 11, 12, 13, 14, 15, 16, 17, 21, 22, 23, 24, 25, 26, 27, 28, 29, 30, 31, 32, 36, 37, 38, 39, 40, 41, 42, 43, 44, 45, 46, 47, 51, 52, 53, 54, 55, 56, 57, 58, 59, 63, 64, 65, 66, 67, 68, 75, 76, 77, 78, 79, 80, 81, 82, 83, 87, 88, 89, 90, 91, 92], dtype=np.int64)
MEAN = np.array([-107.952, -334.9428, 159.4178, -59.29, -708.501, 61.4318, -61.6391, -757.3103, 189.2157, -72.0266, -761.0327, 251.2684, 151.7538, -326.8112, 161.484, 134.0947, -709.5225, 71.7927, 153.4157, -744.0466, 200.7195, 163.8421, -737.7441, 261.8018, -17.9565, 210.8857, -12.5731, -30.5735, 429.6271, 36.1767, -43.2606, 489.0777, 114.7583, -54.7775, 578.9327, 88.499, 108.9527, 394.7472, 26.0654, 237.0195, 213.8401, 44.918, 188.2216, 135.0727, 139.9878, 152.3083, 163.3067, 155.1163, 196.3242, 118.3158, 182.5405, -163.6815, 375.3079, 23.2578, -266.1268, 186.649, 53.2938, -217.2098, 156.2352, 160.8916, -200.4095, 191.2718, 165.2301, -223.5151, 149.2325, 211.9896], dtype=np.float32).reshape(1, 1, 66)
STD = np.array([65.4117, 166.9468, 160.5147, 109.2458, 295.7622, 210.9699, 122.5746, 308.4443, 228.9709, 131.0754, 310.0372, 235.9644, 74.9162, 174.3366, 163.9575, 129.1666, 296.0691, 209.0041, 154.0681, 305.1154, 224.3635, 165.3411, 304.1239, 230.2749, 19.6905, 71.2422, 64.0733, 52.6362, 150.2302, 141.1058, 68.372, 177.7844, 164.2342, 78.0215, 203.7356, 192.8816, 47.0527, 137.0687, 138.8337, 72.1145, 127.8964, 170.1875, 151.9798, 210.0934, 199.3142, 155.3852, 219.3135, 193.1652, 191.3546, 254.2903, 225.2465, 45.0912, 135.5994, 133.7429, 74.3784, 133.987, 160.7077, 143.98, 235.9862, 196.2391, 147.1276, 232.4836, 188.2, 189.1858, 308.0274, 235.1181], dtype=np.float32).reshape(1, 1, 66)


def setup_inputs(seed: int = 0) -> dict:
    key = jax.random.key(seed)
    observed_pose = jax.random.normal(key, (16384, 50, 96), dtype=jnp.float32) * 200.0
    return {
        "observed_pose": observed_pose,
        "mean": jnp.asarray(MEAN, dtype=jnp.float32),
        "std": jnp.asarray(STD, dtype=jnp.float32),
    }


def reference(observed_pose, mean, std):
    dim_used = jnp.asarray(DIM_USED)
    # gather used joint coordinates along the last dim
    pose = jnp.take(observed_pose, dim_used, axis=2)
    # normalize (normal=True path)
    out = (pose - mean) / std
    return out

if __name__ == "__main__":
    import jax
    _d = setup_inputs()
    print(jax.jit(kernel)(*tuple(_d.values())))

</pallas_src>

<mosaic_0001>
#map = affine_map<(d0, d1) -> (0, 0, 0)>
#map1 = affine_map<(d0, d1) -> (0)>
module attributes {stable_mosaic.version = 14 : i64} {
  func.func @body(%arg0: i32, %arg1: i32, %arg2: memref<76800x8x128xf32, #tpu.memory_space<hbm>>, %arg3: memref<80xf32, #tpu.memory_space<hbm>>, %arg4: memref<80xf32, #tpu.memory_space<hbm>>, %arg5: memref<80xi32, #tpu.memory_space<hbm>>, %arg6: memref<57600x8x128xf32, #tpu.memory_space<hbm>>, %arg7: memref<2x128x128xf32, #tpu.memory_space<vmem>>, %arg8: memref<2x128x128xf32, #tpu.memory_space<vmem>>, %arg9: memref<80xf32, #tpu.memory_space<vmem>>, %arg10: memref<80xf32, #tpu.memory_space<vmem>>, %arg11: memref<80xi32, #tpu.memory_space<vmem>>, %arg12: memref<!tpu.dma_semaphore, #tpu.memory_space<semaphore_mem>>, %arg13: memref<!tpu.dma_semaphore, #tpu.memory_space<semaphore_mem>>, %arg14: memref<!tpu.dma_semaphore, #tpu.memory_space<semaphore_mem>>, %arg15: memref<!tpu.dma_semaphore, #tpu.memory_space<semaphore_mem>>) attributes {dimension_semantics = [#tpu.dimension_semantics<core_parallel>, #tpu.dimension_semantics<subcore_parallel>], iteration_bounds = array<i64: 2, 16>, scalar_prefetch = 0 : i64, scratch_operands = 9 : i64, tpu.core_type = #tpu.core_type<sc_vector_subcore>, window_params = [{transform_indices = #map}, {transform_indices = #map1}, {transform_indices = #map1}, {transform_indices = #map1}, {transform_indices = #map}]} {
    %mul3A = arith.constant 2 : i32
    %mul3A_0 = arith.muli %arg1, %mul3A : i32
    %add3A = arith.addi %mul3A_0, %arg0 : i32
    "tpu.region"() ({
      %run_scoped3A = tpu.sem_alloc : memref<!tpu.dma_semaphore, #tpu.memory_space<semaphore_mem>>
      tpu.enqueue_dma source(%arg3 : memref<80xf32, #tpu.memory_space<hbm>>) target(%arg9 : memref<80xf32, #tpu.memory_space<vmem>>) target_semaphore(%run_scoped3A : memref<!tpu.dma_semaphore, #tpu.memory_space<semaphore_mem>>)
      tpu.wait_dma2 semaphore(%run_scoped3A : memref<!tpu.dma_semaphore, #tpu.memory_space<semaphore_mem>>) src(%arg3 : memref<80xf32, #tpu.memory_space<hbm>>) dst(%arg9 : memref<80xf32, #tpu.memory_space<vmem>>)
      tpu.yield
    }) : () -> ()
    "tpu.region"() ({
      %run_scoped3A = tpu.sem_alloc : memref<!tpu.dma_semaphore, #tpu.memory_space<semaphore_mem>>
      tpu.enqueue_dma source(%arg4 : memref<80xf32, #tpu.memory_space<hbm>>) target(%arg10 : memref<80xf32, #tpu.memory_space<vmem>>) target_semaphore(%run_scoped3A : memref<!tpu.dma_semaphore, #tpu.memory_space<semaphore_mem>>)
      tpu.wait_dma2 semaphore(%run_scoped3A : memref<!tpu.dma_semaphore, #tpu.memory_space<semaphore_mem>>) src(%arg4 : memref<80xf32, #tpu.memory_space<hbm>>) dst(%arg10 : memref<80xf32, #tpu.memory_space<vmem>>)
      tpu.yield
    }) : () -> ()
    "tpu.region"() ({
      %run_scoped3A = tpu.sem_alloc : memref<!tpu.dma_semaphore, #tpu.memory_space<semaphore_mem>>
      tpu.enqueue_dma source(%arg5 : memref<80xi32, #tpu.memory_space<hbm>>) target(%arg11 : memref<80xi32, #tpu.memory_space<vmem>>) target_semaphore(%run_scoped3A : memref<!tpu.dma_semaphore, #tpu.memory_space<semaphore_mem>>)
      tpu.wait_dma2 semaphore(%run_scoped3A : memref<!tpu.dma_semaphore, #tpu.memory_space<semaphore_mem>>) src(%arg5 : memref<80xi32, #tpu.memory_space<hbm>>) dst(%arg11 : memref<80xi32, #tpu.memory_space<vmem>>)
      tpu.yield
    }) : () -> ()
    %iota3A = tpu.iota {dimensions = array<i32: 0>} : vector<16xi32>
    %mul3A_1 = arith.constant 0 : i32
    %mul3A_2 = vector.broadcast %mul3A_1 : i32 to vector<16xi32>
    %mul3A_3 = arith.muli %iota3A, %mul3A_2 : vector<16xi32>
    %sub3A = arith.constant 1650 : i32
    %sub3A_4 = arith.subi %sub3A, %add3A : i32
    %add3A_5 = arith.constant 32 : i32
    %add3A_6 = arith.addi %sub3A_4, %add3A_5 : i32
    %sub3A_7 = arith.constant 1 : i32
    %sub3A_8 = arith.subi %add3A_6, %sub3A_7 : i32
    %jit3A = arith.constant 32 : i32
    %div3A = arith.divsi %sub3A_8, %jit3A : i32
    %sign3A = arith.constant 0 : i32
    %sign3A_9 = arith.cmpi sgt, %sub3A_8, %sign3A : i32
    %sign3A_10 = arith.extui %sign3A_9 : i1 to i32
    %sign3A_11 = arith.constant 0 : i32
    %sign3A_12 = arith.cmpi slt, %sub3A_8, %sign3A_11 : i32
    %sign3A_13 = arith.extui %sign3A_12 : i1 to i32
    %sign3A_14 = arith.subi %sign3A_10, %sign3A_13 : i32
    %sign3A_15 = arith.constant 0 : i32
    %sign3A_16 = arith.cmpi sgt, %jit3A, %sign3A_15 : i32
    %sign3A_17 = arith.extui %sign3A_16 : i1 to i32
    %sign3A_18 = arith.constant 0 : i32
    %sign3A_19 = arith.cmpi slt, %jit3A, %sign3A_18 : i32
    %sign3A_20 = arith.extui %sign3A_19 : i1 to i32
    %sign3A_21 = arith.subi %sign3A_17, %sign3A_20 : i32
    %ne3A = arith.cmpi ne, %sign3A_14, %sign3A_21 : i32
    %rem3A = arith.remsi %sub3A_8, %jit3A : i32
    %ne3A_22 = arith.constant 0 : i32
    %ne3A_23 = arith.cmpi ne, %rem3A, %ne3A_22 : i32
    %and3A = arith.andi %ne3A, %ne3A_23 : i1
    %sub3A_24 = arith.constant 1 : i32
    %sub3A_25 = arith.subi %div3A, %sub3A_24 : i32
    %select_n3A = arith.select %and3A, %sub3A_25, %div3A : i32
    %mul3A_26 = arith.constant 2 : i32
    %mul3A_27 = arith.muli %mul3A_26, %select_n3A : i32
    %add3A_28 = arith.constant 0 : i32
    %add3A_29 = arith.addi %add3A, %add3A_28 : i32
    %mul3A_30 = arith.constant 2 : i32
    %mul3A_31 = arith.muli %mul3A_30, %add3A_29 : i32
    %add3A_32 = arith.constant 0 : i32
    %add3A_33 = arith.addi %mul3A_31, %add3A_32 : i32
    %jit3A_34 = arith.constant 66 : i32
    %div3A_35 = arith.divsi %add3A_33, %jit3A_34 : i32
    %sign3A_36 = arith.constant 0 : i32
    %sign3A_37 = arith.cmpi sgt, %add3A_33, %sign3A_36 : i32
    %sign3A_38 = arith.extui %sign3A_37 : i1 to i32
    %sign3A_39 = arith.constant 0 : i32
    %sign3A_40 = arith.cmpi slt, %add3A_33, %sign3A_39 : i32
    %sign3A_41 = arith.extui %sign3A_40 : i1 to i32
    %sign3A_42 = arith.subi %sign3A_38, %sign3A_41 : i32
    %sign3A_43 = arith.constant 0 : i32
    %sign3A_44 = arith.cmpi sgt, %jit3A_34, %sign3A_43 : i32
    %sign3A_45 = arith.extui %sign3A_44 : i1 to i32
    %sign3A_46 = arith.constant 0 : i32
    %sign3A_47 = arith.cmpi slt, %jit3A_34, %sign3A_46 : i32
    %sign3A_48 = arith.extui %sign3A_47 : i1 to i32
    %sign3A_49 = arith.subi %sign3A_45, %sign3A_48 : i32
    %ne3A_50 = arith.cmpi ne, %sign3A_42, %sign3A_49 : i32
    %rem3A_51 = arith.remsi %add3A_33, %jit3A_34 : i32
    %ne3A_52 = arith.constant 0 : i32
    %ne3A_53 = arith.cmpi ne, %rem3A_51, %ne3A_52 : i32
    %and3A_54 = arith.andi %ne3A_50, %ne3A_53 : i1
    %sub3A_55 = arith.constant 1 : i32
    %sub3A_56 = arith.subi %div3A_35, %sub3A_55 : i32
    %select_n3A_57 = arith.select %and3A_54, %sub3A_56, %div3A_35 : i32
    %mul3A_58 = arith.constant 66 : i32
    %mul3A_59 = arith.muli %select_n3A_57, %mul3A_58 : i32
    %sub3A_60 = arith.subi %add3A_33, %mul3A_59 : i32
    %add3A_61 = vector.broadcast %sub3A_60 : i32 to vector<16xi32>
    %add3A_62 = arith.addi %mul3A_3, %add3A_61 : vector<16xi32>
    %gather3A = tpu.vector_load_idx %arg11[%add3A_62] : memref<80xi32, #tpu.memory_space<vmem>>[vector<16xi32>], vector<16xi32>,
    %reduce_max3A = arith.constant true
    %reduce_max3A_63 = vector.broadcast %reduce_max3A : i1 to vector<16xi1>
    %reduce_max3A_64 = arith.constant -2147483648 : i32
    %reduce_max3A_65 = vector.broadcast %reduce_max3A_64 : i32 to vector<16xi32>
    %reduce_max3A_66 = arith.xori %gather3A, %reduce_max3A_65 : vector<16xi32>
    %reduce_max3A_67 = tpu.scan <max>, %reduce_max3A_66 masked %reduce_max3A_63 : vector<16xi32>, vector<16xi1> -> vector<16xi32>
    %reduce_max3A_68 = arith.xori %reduce_max3A_67, %reduce_max3A_65 : vector<16xi32>
    %reduce_max3A_69 = vector.extract %reduce_max3A_68[15] : i32 from vector<16xi32>
    %mul3A_70 = arith.constant 12 : i32
    %mul3A_71 = arith.muli %select_n3A_57, %mul3A_70 : i32
    %jit3A_72 = arith.constant 8 : i32
    %div3A_73 = arith.divsi %reduce_max3A_69, %jit3A_72 : i32
    %sign3A_74 = arith.constant 0 : i32
    %sign3A_75 = arith.cmpi sgt, %reduce_max3A_69, %sign3A_74 : i32
    %sign3A_76 = arith.extui %sign3A_75 : i1 to i32
    %sign3A_77 = arith.constant 0 : i32
    %sign3A_78 = arith.cmpi slt, %reduce_max3A_69, %sign3A_77 : i32
    %sign3A_79 = arith.extui %sign3A_78 : i1 to i32
    %sign3A_80 = arith.subi %sign3A_76, %sign3A_79 : i32
    %sign3A_81 = arith.constant 0 : i32
    %sign3A_82 = arith.cmpi sgt, %jit3A_72, %sign3A_81 : i32
    %sign3A_83 = arith.extui %sign3A_82 : i1 to i32
    %sign3A_84 = arith.constant 0 : i32
    %sign3A_85 = arith.cmpi slt, %jit3A_72, %sign3A_84 : i32
    %sign3A_86 = arith.extui %sign3A_85 : i1 to i32
    %sign3A_87 = arith.subi %sign3A_83, %sign3A_86 : i32
    %ne3A_88 = arith.cmpi ne, %sign3A_80, %sign3A_87 : i32
    %rem3A_89 = arith.remsi %reduce_max3A_69, %jit3A_72 : i32
    %ne3A_90 = arith.constant 0 : i32
    %ne3A_91 = arith.cmpi ne, %rem3A_89, %ne3A_90 : i32
    %and3A_92 = arith.andi %ne3A_88, %ne3A_91 : i1
    %sub3A_93 = arith.constant 1 : i32
    %sub3A_94 = arith.subi %div3A_73, %sub3A_93 : i32
    %select_n3A_95 = arith.select %and3A_92, %sub3A_94, %div3A_73 : i32
    %add3A_96 = arith.addi %mul3A_71, %select_n3A_95 : i32
    %mul3A_97 = arith.constant 128 : i32
    %mul3A_98 = arith.muli %add3A_96, %mul3A_97 : i32
    %jit3A_99 = arith.constant 8 : i32
    %eq3A = arith.constant 0 : i32
    %eq3A_100 = arith.cmpi eq, %jit3A_99, %eq3A : i32
    %jit3A_101 = arith.constant 1 : i32
    %select_n3A_102 = arith.select %eq3A_100, %jit3A_101, %jit3A_99 : i32
    %rem3A_103 = arith.remsi %reduce_max3A_69, %select_n3A_102 : i32
    %ne3A_104 = arith.constant 0 : i32
    %ne3A_105 = arith.cmpi ne, %rem3A_103, %ne3A_104 : i32
    %lt3A = arith.constant 0 : i32
    %lt3A_106 = arith.cmpi slt, %rem3A_103, %lt3A : i32
    %lt3A_107 = arith.constant 0 : i32
    %lt3A_108 = arith.cmpi slt, %select_n3A_102, %lt3A_107 : i32
    %ne3A_109 = arith.xori %lt3A_106, %lt3A_108 : i1
    %and3A_110 = arith.andi %ne3A_109, %ne3A_105 : i1
    %add3A_111 = arith.addi %rem3A_103, %select_n3A_102 : i32
    %select_n3A_112 = arith.select %and3A_110, %add3A_111, %rem3A_103 : i32
    %dma_start3A = arith.constant 0 : i32
    %dma_start3A_113 = arith.constant 0 : i32
    %dma_start3A_114 = arith.constant 0 : i32
    %dma_start3A_115 = tpu.memref_slice %arg7[%dma_start3A, %dma_start3A_113, %dma_start3A_114] : memref<2x128x128xf32, #tpu.memory_space<vmem>> -> memref<1x128x128xf32, #tpu.memory_space<vmem>>
    %dma_start3A_116 = tpu.memref_squeeze %dma_start3A_115 : memref<1x128x128xf32, #tpu.memory_space<vmem>> -> memref<128x128xf32, #tpu.memory_space<vmem>>
    %dma_start3A_117 = arith.constant 0 : i32
    %dma_start3A_118 = tpu.memref_slice %arg2[%mul3A_98, %select_n3A_112, %dma_start3A_117] : memref<76800x8x128xf32, #tpu.memory_space<hbm>> -> memref<128x1x128xf32, #tpu.memory_space<hbm>>
    %dma_start3A_119 = tpu.memref_squeeze %dma_start3A_118 : memref<128x1x128xf32, #tpu.memory_space<hbm>> -> memref<128x128xf32, #tpu.memory_space<hbm>>
    %dma_start3A_120 = arith.constant 0 : i32
    %dma_start3A_121 = arith.constant 0 : i32
    %dma_start3A_122 = tpu.memref_slice %arg7[%dma_start3A, %dma_start3A_120, %dma_start3A_121] : memref<2x128x128xf32, #tpu.memory_space<vmem>> -> memref<1x128x128xf32, #tpu.memory_space<vmem>>
    %dma_start3A_123 = tpu.memref_squeeze %dma_start3A_122 : memref<1x128x128xf32, #tpu.memory_space<vmem>> -> memref<128x128xf32, #tpu.memory_space<vmem>>
    %dma_start3A_124 = arith.constant 0 : i32
    %dma_start3A_125 = tpu.memref_slice %arg2[%mul3A_98, %select_n3A_112, %dma_start3A_124] : memref<76800x8x128xf32, #tpu.memory_space<hbm>> -> memref<128x1x128xf32, #tpu.memory_space<hbm>>
    %dma_start3A_126 = tpu.memref_squeeze %dma_start3A_125 : memref<128x1x128xf32, #tpu.memory_space<hbm>> -> memref<128x128xf32, #tpu.memory_space<hbm>>
    tpu.enqueue_dma source(%dma_start3A_126 : memref<128x128xf32, #tpu.memory_space<hbm>>) target(%dma_start3A_123 : memref<128x128xf32, #tpu.memory_space<vmem>>) target_semaphore(%arg12 : memref<!tpu.dma_semaphore, #tpu.memory_space<semaphore_mem>>)
    %jit3A_127 = arith.constant 2 : i32
    %div3A_128 = arith.divsi %mul3A_27, %jit3A_127 : i32
    %sign3A_129 = arith.constant 0 : i32
    %sign3A_130 = arith.cmpi sgt, %mul3A_27, %sign3A_129 : i32
    %sign3A_131 = arith.extui %sign3A_130 : i1 to i32
    %sign3A_132 = arith.constant 0 : i32
    %sign3A_133 = arith.cmpi slt, %mul3A_27, %sign3A_132 : i32
    %sign3A_134 = arith.extui %sign3A_133 : i1 to i32
    %sign3A_135 = arith.subi %sign3A_131, %sign3A_134 : i32
    %sign3A_136 = arith.constant 0 : i32
    %sign3A_137 = arith.cmpi sgt, %jit3A_127, %sign3A_136 : i32
    %sign3A_138 = arith.extui %sign3A_137 : i1 to i32
    %sign3A_139 = arith.constant 0 : i32
    %sign3A_140 = arith.cmpi slt, %jit3A_127, %sign3A_139 : i32
    %sign3A_141 = arith.extui %sign3A_140 : i1 to i32
    %sign3A_142 = arith.subi %sign3A_138, %sign3A_141 : i32
    %ne3A_143 = arith.cmpi ne, %sign3A_135, %sign3A_142 : i32
    %rem3A_144 = arith.remsi %mul3A_27, %jit3A_127 : i32
    %ne3A_145 = arith.constant 0 : i32
    %ne3A_146 = arith.cmpi ne, %rem3A_144, %ne3A_145 : i32
    %and3A_147 = arith.andi %ne3A_143, %ne3A_146 : i1
    %sub3A_148 = arith.constant 1 : i32
    %sub3A_149 = arith.subi %div3A_128, %sub3A_148 : i32
    %select_n3A_150 = arith.select %and3A_147, %sub3A_149, %div3A_128 : i32
    %while3A = arith.constant 0 : i32
    %while3A_151 = arith.constant 0 : i32
    %while3A_152 = arith.subi %select_n3A_150, %while3A : i32
    %while3A_153 = arith.addi %while3A, %while3A_152 : i32
    %while3A_154 = arith.constant 1 : i32
    %while3A_155 = arith.divsi %while3A_152, %while3A_154 : i32
    %while3A_156 = arith.muli %while3A_155, %while3A_154 : i32
    %while3A_157 = arith.addi %while3A, %while3A_156 : i32
    %while3A_158 = arith.constant 1 : i32
    %while3A_159 = scf.for %while3A_431 = %while3A to %while3A_157 step %while3A_158 iter_args(%while3A_432 = %while3A_151) -> (i32)  : i32 {
      %mul3A_433 = arith.constant 2 : i32
      %mul3A_434 = arith.muli %mul3A_433, %while3A_431 : i32
      %add3A_435 = arith.constant 1 : i32
      %add3A_436 = arith.addi %mul3A_434, %add3A_435 : i32
      %lt3A_437 = arith.cmpi slt, %add3A_436, %mul3A_27 : i32
      %convert_element_type3A = arith.extui %lt3A_437 : i1 to i32
      %cond3A = arith.constant 0 : i32
      %cond3A_438 = arith.cmpi ne, %convert_element_type3A, %cond3A : i32
      scf.if %cond3A_438 {
        %add3A_990 = arith.constant 1 : i32
        %add3A_991 = arith.addi %mul3A_434, %add3A_990 : i32
        %jit3A_992 = arith.constant 2 : i32
        %div3A_993 = arith.divsi %add3A_991, %jit3A_992 : i32
        %sign3A_994 = arith.constant 0 : i32
        %sign3A_995 = arith.cmpi sgt, %add3A_991, %sign3A_994 : i32
        %sign3A_996 = arith.extui %sign3A_995 : i1 to i32
        %sign3A_997 = arith.constant 0 : i32
        %sign3A_998 = arith.cmpi slt, %add3A_991, %sign3A_997 : i32
        %sign3A_999 = arith.extui %sign3A_998 : i1 to i32
        %sign3A_1000 = arith.subi %sign3A_996, %sign3A_999 : i32
        %sign3A_1001 = arith.constant 0 : i32
        %sign3A_1002 = arith.cmpi sgt, %jit3A_992, %sign3A_1001 : i32
        %sign3A_1003 = arith.extui %sign3A_1002 : i1 to i32
        %sign3A_1004 = arith.constant 0 : i32
        %sign3A_1005 = arith.cmpi slt, %jit3A_992, %sign3A_1004 : i32
        %sign3A_1006 = arith.extui %sign3A_1005 : i1 to i32
        %sign3A_1007 = arith.subi %sign3A_1003, %sign3A_1006 : i32
        %ne3A_1008 = arith.cmpi ne, %sign3A_1000, %sign3A_1007 : i32
        %rem3A_1009 = arith.remsi %add3A_991, %jit3A_992 : i32
        %ne3A_1010 = arith.constant 0 : i32
        %ne3A_1011 = arith.cmpi ne, %rem3A_1009, %ne3A_1010 : i32
        %and3A_1012 = arith.andi %ne3A_1008, %ne3A_1011 : i1
        %sub3A_1013 = arith.constant 1 : i32
        %sub3A_1014 = arith.subi %div3A_993, %sub3A_1013 : i32
        %select_n3A_1015 = arith.select %and3A_1012, %sub3A_1014, %div3A_993 : i32
        %mul3A_1016 = arith.constant 32 : i32
        %mul3A_1017 = arith.muli %select_n3A_1015, %mul3A_1016 : i32
        %add3A_1018 = arith.addi %add3A, %mul3A_1017 : i32
        %mul3A_1019 = arith.constant 2 : i32
        %mul3A_1020 = arith.muli %mul3A_1019, %add3A_1018 : i32
        %jit3A_1021 = arith.constant 2 : i32
        %eq3A_1022 = arith.constant 0 : i32
        %eq3A_1023 = arith.cmpi eq, %jit3A_1021, %eq3A_1022 : i32
        %jit3A_1024 = arith.constant 1 : i32
        %select_n3A_1025 = arith.select %eq3A_1023, %jit3A_1024, %jit3A_1021 : i32
        %rem3A_1026 = arith.remsi %add3A_991, %select_n3A_1025 : i32
        %ne3A_1027 = arith.constant 0 : i32
        %ne3A_1028 = arith.cmpi ne, %rem3A_1026, %ne3A_1027 : i32
        %lt3A_1029 = arith.constant 0 : i32
        %lt3A_1030 = arith.cmpi slt, %rem3A_1026, %lt3A_1029 : i32
        %lt3A_1031 = arith.constant 0 : i32
        %lt3A_1032 = arith.cmpi slt, %select_n3A_1025, %lt3A_1031 : i32
        %ne3A_1033 = arith.xori %lt3A_1030, %lt3A_1032 : i1
        %and3A_1034 = arith.andi %ne3A_1033, %ne3A_1028 : i1
        %add3A_1035 = arith.addi %rem3A_1026, %select_n3A_1025 : i32
        %select_n3A_1036 = arith.select %and3A_1034, %add3A_1035, %rem3A_1026 : i32
        %add3A_1037 = arith.addi %mul3A_1020, %select_n3A_1036 : i32
        %jit3A_1038 = arith.constant 66 : i32
        %div3A_1039 = arith.divsi %add3A_1037, %jit3A_1038 : i32
        %sign3A_1040 = arith.constant 0 : i32
        %sign3A_1041 = arith.cmpi sgt, %add3A_1037, %sign3A_1040 : i32
        %sign3A_1042 = arith.extui %sign3A_1041 : i1 to i32
        %sign3A_1043 = arith.constant 0 : i32
        %sign3A_1044 = arith.cmpi slt, %add3A_1037, %sign3A_1043 : i32
        %sign3A_1045 = arith.extui %sign3A_1044 : i1 to i32
        %sign3A_1046 = arith.subi %sign3A_1042, %sign3A_1045 : i32
        %sign3A_1047 = arith.constant 0 : i32
        %sign3A_1048 = arith.cmpi sgt, %jit3A_1038, %sign3A_1047 : i32
        %sign3A_1049 = arith.extui %sign3A_1048 : i1 to i32
        %sign3A_1050 = arith.constant 0 : i32
        %sign3A_1051 = arith.cmpi slt, %jit3A_1038, %sign3A_1050 : i32
        %sign3A_1052 = arith.extui %sign3A_1051 : i1 to i32
        %sign3A_1053 = arith.subi %sign3A_1049, %sign3A_1052 : i32
        %ne3A_1054 = arith.cmpi ne, %sign3A_1046, %sign3A_1053 : i32
        %rem3A_1055 = arith.remsi %add3A_1037, %jit3A_1038 : i32
        %ne3A_1056 = arith.constant 0 : i32
        %ne3A_1057 = arith.cmpi ne, %rem3A_1055, %ne3A_1056 : i32
        %and3A_1058 = arith.andi %ne3A_1054, %ne3A_1057 : i1
        %sub3A_1059 = arith.constant 1 : i32
        %sub3A_1060 = arith.subi %div3A_1039, %sub3A_1059 : i32
        %select_n3A_1061 = arith.select %and3A_1058, %sub3A_1060, %div3A_1039 : i32
        %mul3A_1062 = arith.constant 66 : i32
        %mul3A_1063 = arith.muli %select_n3A_1061, %mul3A_1062 : i32
        %sub3A_1064 = arith.subi %add3A_1037, %mul3A_1063 : i32
        %add3A_1065 = vector.broadcast %sub3A_1064 : i32 to vector<16xi32>
        %add3A_1066 = arith.addi %mul3A_3, %add3A_1065 : vector<16xi32>
        %gather3A_1067 = tpu.vector_load_idx %arg11[%add3A_1066] : memref<80xi32, #tpu.memory_space<vmem>>[vector<16xi32>], vector<16xi32>,
        %reduce_max3A_1068 = arith.constant true
        %reduce_max3A_1069 = vector.broadcast %reduce_max3A_1068 : i1 to vector<16xi1>
        %reduce_max3A_1070 = arith.constant -2147483648 : i32
        %reduce_max3A_1071 = vector.broadcast %reduce_max3A_1070 : i32 to vector<16xi32>
        %reduce_max3A_1072 = arith.xori %gather3A_1067, %reduce_max3A_1071 : vector<16xi32>
        %reduce_max3A_1073 = tpu.scan <max>, %reduce_max3A_1072 masked %reduce_max3A_1069 : vector<16xi32>, vector<16xi1> -> vector<16xi32>
        %reduce_max3A_1074 = arith.xori %reduce_max3A_1073, %reduce_max3A_1071 : vector<16xi32>
        %reduce_max3A_1075 = vector.extract %reduce_max3A_1074[15] : i32 from vector<16xi32>
        %mul3A_1076 = arith.constant 12 : i32
        %mul3A_1077 = arith.muli %select_n3A_1061, %mul3A_1076 : i32
        %jit3A_1078 = arith.constant 8 : i32
        %div3A_1079 = arith.divsi %reduce_max3A_1075, %jit3A_1078 : i32
        %sign3A_1080 = arith.constant 0 : i32
        %sign3A_1081 = arith.cmpi sgt, %reduce_max3A_1075, %sign3A_1080 : i32
        %sign3A_1082 = arith.extui %sign3A_1081 : i1 to i32
        %sign3A_1083 = arith.constant 0 : i32
        %sign3A_1084 = arith.cmpi slt, %reduce_max3A_1075, %sign3A_1083 : i32
        %sign3A_1085 = arith.extui %sign3A_1084 : i1 to i32
        %sign3A_1086 = arith.subi %sign3A_1082, %sign3A_1085 : i32
        %sign3A_1087 = arith.constant 0 : i32
        %sign3A_1088 = arith.cmpi sgt, %jit3A_1078, %sign3A_1087 : i32
        %sign3A_1089 = arith.extui %sign3A_1088 : i1 to i32
        %sign3A_1090 = arith.constant 0 : i32
        %sign3A_1091 = arith.cmpi slt, %jit3A_1078, %sign3A_1090 : i32
        %sign3A_1092 = arith.extui %sign3A_1091 : i1 to i32
        %sign3A_1093 = arith.subi %sign3A_1089, %sign3A_1092 : i32
        %ne3A_1094 = arith.cmpi ne, %sign3A_1086, %sign3A_1093 : i32
        %rem3A_1095 = arith.remsi %reduce_max3A_1075, %jit3A_1078 : i32
        %ne3A_1096 = arith.constant 0 : i32
        %ne3A_1097 = arith.cmpi ne, %rem3A_1095, %ne3A_1096 : i32
        %and3A_1098 = arith.andi %ne3A_1094, %ne3A_1097 : i1
        %sub3A_1099 = arith.constant 1 : i32
        %sub3A_1100 = arith.subi %div3A_1079, %sub3A_1099 : i32
        %select_n3A_1101 = arith.select %and3A_1098, %sub3A_1100, %div3A_1079 : i32
        %add3A_1102 = arith.addi %mul3A_1077, %select_n3A_1101 : i32
        %mul3A_1103 = arith.constant 128 : i32
        %mul3A_1104 = arith.muli %add3A_1102, %mul3A_1103 : i32
        %jit3A_1105 = arith.constant 8 : i32
        %eq3A_1106 = arith.constant 0 : i32
        %eq3A_1107 = arith.cmpi eq, %jit3A_1105, %eq3A_1106 : i32
        %jit3A_1108 = arith.constant 1 : i32
        %select_n3A_1109 = arith.select %eq3A_1107, %jit3A_1108, %jit3A_1105 : i32
        %rem3A_1110 = arith.remsi %reduce_max3A_1075, %select_n3A_1109 : i32
        %ne3A_1111 = arith.constant 0 : i32
        %ne3A_1112 = arith.cmpi ne, %rem3A_1110, %ne3A_1111 : i32
        %lt3A_1113 = arith.constant 0 : i32
        %lt3A_1114 = arith.cmpi slt, %rem3A_1110, %lt3A_1113 : i32
        %lt3A_1115 = arith.constant 0 : i32
        %lt3A_1116 = arith.cmpi slt, %select_n3A_1109, %lt3A_1115 : i32
        %ne3A_1117 = arith.xori %lt3A_1114, %lt3A_1116 : i1
        %and3A_1118 = arith.andi %ne3A_1117, %ne3A_1112 : i1
        %add3A_1119 = arith.addi %rem3A_1110, %select_n3A_1109 : i32
        %select_n3A_1120 = arith.select %and3A_1118, %add3A_1119, %rem3A_1110 : i32
        %dma_start3A_1121 = arith.constant 1 : i32
        %dma_start3A_1122 = arith.constant 0 : i32
        %dma_start3A_1123 = arith.constant 0 : i32
        %dma_start3A_1124 = tpu.memref_slice %arg7[%dma_start3A_1121, %dma_start3A_1122, %dma_start3A_1123] : memref<2x128x128xf32, #tpu.memory_space<vmem>> -> memref<1x128x128xf32, #tpu.memory_space<vmem>>
        %dma_start3A_1125 = tpu.memref_squeeze %dma_start3A_1124 : memref<1x128x128xf32, #tpu.memory_space<vmem>> -> memref<128x128xf32, #tpu.memory_space<vmem>>
        %dma_start3A_1126 = arith.constant 0 : i32
        %dma_start3A_1127 = tpu.memref_slice %arg2[%mul3A_1104, %select_n3A_1120, %dma_start3A_1126] : memref<76800x8x128xf32, #tpu.memory_space<hbm>> -> memref<128x1x128xf32, #tpu.memory_space<hbm>>
        %dma_start3A_1128 = tpu.memref_squeeze %dma_start3A_1127 : memref<128x1x128xf32, #tpu.memory_space<hbm>> -> memref<128x128xf32, #tpu.memory_space<hbm>>
        %dma_start3A_1129 = arith.constant 0 : i32
        %dma_start3A_1130 = arith.constant 0 : i32
        %dma_start3A_1131 = tpu.memref_slice %arg7[%dma_start3A_1121, %dma_start3A_1129, %dma_start3A_1130] : memref<2x128x128xf32, #tpu.memory_space<vmem>> -> memref<1x128x128xf32, #tpu.memory_space<vmem>>
        %dma_start3A_1132 = tpu.memref_squeeze %dma_start3A_1131 : memref<1x128x128xf32, #tpu.memory_space<vmem>> -> memref<128x128xf32, #tpu.memory_space<vmem>>
        %dma_start3A_1133 = arith.constant 0 : i32
        %dma_start3A_1134 = tpu.memref_slice %arg2[%mul3A_1104, %select_n3A_1120, %dma_start3A_1133] : memref<76800x8x128xf32, #tpu.memory_space<hbm>> -> memref<128x1x128xf32, #tpu.memory_space<hbm>>
        %dma_start3A_1135 = tpu.memref_squeeze %dma_start3A_1134 : memref<128x1x128xf32, #tpu.memory_space<hbm>> -> memref<128x128xf32, #tpu.memory_space<hbm>>
        tpu.enqueue_dma source(%dma_start3A_1135 : memref<128x128xf32, #tpu.memory_space<hbm>>) target(%dma_start3A_1132 : memref<128x128xf32, #tpu.memory_space<vmem>>) target_semaphore(%arg13 : memref<!tpu.dma_semaphore, #tpu.memory_space<semaphore_mem>>)
      } else {
      }
      %jit3A_439 = arith.constant 2 : i32
      %div3A_440 = arith.divsi %mul3A_434, %jit3A_439 : i32
      %sign3A_441 = arith.constant 0 : i32
      %sign3A_442 = arith.cmpi sgt, %mul3A_434, %sign3A_441 : i32
      %sign3A_443 = arith.extui %sign3A_442 : i1 to i32
      %sign3A_444 = arith.constant 0 : i32
      %sign3A_445 = arith.cmpi slt, %mul3A_434, %sign3A_444 : i32
      %sign3A_446 = arith.extui %sign3A_445 : i1 to i32
      %sign3A_447 = arith.subi %sign3A_443, %sign3A_446 : i32
      %sign3A_448 = arith.constant 0 : i32
      %sign3A_449 = arith.cmpi sgt, %jit3A_439, %sign3A_448 : i32
      %sign3A_450 = arith.extui %sign3A_449 : i1 to i32
      %sign3A_451 = arith.constant 0 : i32
      %sign3A_452 = arith.cmpi slt, %jit3A_439, %sign3A_451 : i32
      %sign3A_453 = arith.extui %sign3A_452 : i1 to i32
      %sign3A_454 = arith.subi %sign3A_450, %sign3A_453 : i32
      %ne3A_455 = arith.cmpi ne, %sign3A_447, %sign3A_454 : i32
      %rem3A_456 = arith.remsi %mul3A_434, %jit3A_439 : i32
      %ne3A_457 = arith.constant 0 : i32
      %ne3A_458 = arith.cmpi ne, %rem3A_456, %ne3A_457 : i32
      %and3A_459 = arith.andi %ne3A_455, %ne3A_458 : i1
      %sub3A_460 = arith.constant 1 : i32
      %sub3A_461 = arith.subi %div3A_440, %sub3A_460 : i32
      %select_n3A_462 = arith.select %and3A_459, %sub3A_461, %div3A_440 : i32
      %mul3A_463 = arith.constant 32 : i32
      %mul3A_464 = arith.muli %select_n3A_462, %mul3A_463 : i32
      %add3A_465 = arith.addi %add3A, %mul3A_464 : i32
      %mul3A_466 = arith.constant 2 : i32
      %mul3A_467 = arith.muli %mul3A_466, %add3A_465 : i32
      %jit3A_468 = arith.constant 2 : i32
      %eq3A_469 = arith.constant 0 : i32
      %eq3A_470 = arith.cmpi eq, %jit3A_468, %eq3A_469 : i32
      %jit3A_471 = arith.constant 1 : i32
      %select_n3A_472 = arith.select %eq3A_470, %jit3A_471, %jit3A_468 : i32
      %rem3A_473 = arith.remsi %mul3A_434, %select_n3A_472 : i32
      %ne3A_474 = arith.constant 0 : i32
      %ne3A_475 = arith.cmpi ne, %rem3A_473, %ne3A_474 : i32
      %lt3A_476 = arith.constant 0 : i32
      %lt3A_477 = arith.cmpi slt, %rem3A_473, %lt3A_476 : i32
      %lt3A_478 = arith.constant 0 : i32
      %lt3A_479 = arith.cmpi slt, %select_n3A_472, %lt3A_478 : i32
      %ne3A_480 = arith.xori %lt3A_477, %lt3A_479 : i1
      %and3A_481 = arith.andi %ne3A_480, %ne3A_475 : i1
      %add3A_482 = arith.addi %rem3A_473, %select_n3A_472 : i32
      %select_n3A_483 = arith.select %and3A_481, %add3A_482, %rem3A_473 : i32
      %add3A_484 = arith.addi %mul3A_467, %select_n3A_483 : i32
      %jit3A_485 = arith.constant 66 : i32
      %div3A_486 = arith.divsi %add3A_484, %jit3A_485 : i32
      %sign3A_487 = arith.constant 0 : i32
      %sign3A_488 = arith.cmpi sgt, %add3A_484, %sign3A_487 : i32
      %sign3A_489 = arith.extui %sign3A_488 : i1 to i32
      %sign3A_490 = arith.constant 0 : i32
      %sign3A_491 = arith.cmpi slt, %add3A_484, %sign3A_490 : i32
      %sign3A_492 = arith.extui %sign3A_491 : i1 to i32
      %sign3A_493 = arith.subi %sign3A_489, %sign3A_492 : i32
      %sign3A_494 = arith.constant 0 : i32
      %sign3A_495 = arith.cmpi sgt, %jit3A_485, %sign3A_494 : i32
      %sign3A_496 = arith.extui %sign3A_495 : i1 to i32
      %sign3A_497 = arith.constant 0 : i32
      %sign3A_498 = arith.cmpi slt, %jit3A_485, %sign3A_497 : i32
      %sign3A_499 = arith.extui %sign3A_498 : i1 to i32
      %sign3A_500 = arith.subi %sign3A_496, %sign3A_499 : i32
      %ne3A_501 = arith.cmpi ne, %sign3A_493, %sign3A_500 : i32
      %rem3A_502 = arith.remsi %add3A_484, %jit3A_485 : i32
      %ne3A_503 = arith.constant 0 : i32
      %ne3A_504 = arith.cmpi ne, %rem3A_502, %ne3A_503 : i32
      %and3A_505 = arith.andi %ne3A_501, %ne3A_504 : i1
      %sub3A_506 = arith.constant 1 : i32
      %sub3A_507 = arith.subi %div3A_486, %sub3A_506 : i32
      %select_n3A_508 = arith.select %and3A_505, %sub3A_507, %div3A_486 : i32
      %mul3A_509 = arith.constant 66 : i32
      %mul3A_510 = arith.muli %select_n3A_508, %mul3A_509 : i32
      %sub3A_511 = arith.subi %add3A_484, %mul3A_510 : i32
      %add3A_512 = vector.broadcast %sub3A_511 : i32 to vector<16xi32>
      %add3A_513 = arith.addi %mul3A_3, %add3A_512 : vector<16xi32>
      %gather3A_514 = tpu.vector_load_idx %arg11[%add3A_513] : memref<80xi32, #tpu.memory_space<vmem>>[vector<16xi32>], vector<16xi32>,
      %reduce_max3A_515 = arith.constant true
      %reduce_max3A_516 = vector.broadcast %reduce_max3A_515 : i1 to vector<16xi1>
      %reduce_max3A_517 = arith.constant -2147483648 : i32
      %reduce_max3A_518 = vector.broadcast %reduce_max3A_517 : i32 to vector<16xi32>
      %reduce_max3A_519 = arith.xori %gather3A_514, %reduce_max3A_518 : vector<16xi32>
      %reduce_max3A_520 = tpu.scan <max>, %reduce_max3A_519 masked %reduce_max3A_516 : vector<16xi32>, vector<16xi1> -> vector<16xi32>
      %reduce_max3A_521 = arith.xori %reduce_max3A_520, %reduce_max3A_518 : vector<16xi32>
      %reduce_max3A_522 = vector.extract %reduce_max3A_521[15] : i32 from vector<16xi32>
      %mul3A_523 = arith.constant 12 : i32
      %mul3A_524 = arith.muli %select_n3A_508, %mul3A_523 : i32
      %jit3A_525 = arith.constant 8 : i32
      %div3A_526 = arith.divsi %reduce_max3A_522, %jit3A_525 : i32
      %sign3A_527 = arith.constant 0 : i32
      %sign3A_528 = arith.cmpi sgt, %reduce_max3A_522, %sign3A_527 : i32
      %sign3A_529 = arith.extui %sign3A_528 : i1 to i32
      %sign3A_530 = arith.constant 0 : i32
      %sign3A_531 = arith.cmpi slt, %reduce_max3A_522, %sign3A_530 : i32
      %sign3A_532 = arith.extui %sign3A_531 : i1 to i32
      %sign3A_533 = arith.subi %sign3A_529, %sign3A_532 : i32
      %sign3A_534 = arith.constant 0 : i32
      %sign3A_535 = arith.cmpi sgt, %jit3A_525, %sign3A_534 : i32
      %sign3A_536 = arith.extui %sign3A_535 : i1 to i32
      %sign3A_537 = arith.constant 0 : i32
      %sign3A_538 = arith.cmpi slt, %jit3A_525, %sign3A_537 : i32
      %sign3A_539 = arith.extui %sign3A_538 : i1 to i32
      %sign3A_540 = arith.subi %sign3A_536, %sign3A_539 : i32
      %ne3A_541 = arith.cmpi ne, %sign3A_533, %sign3A_540 : i32
      %rem3A_542 = arith.remsi %reduce_max3A_522, %jit3A_525 : i32
      %ne3A_543 = arith.constant 0 : i32
      %ne3A_544 = arith.cmpi ne, %rem3A_542, %ne3A_543 : i32
      %and3A_545 = arith.andi %ne3A_541, %ne3A_544 : i1
      %sub3A_546 = arith.constant 1 : i32
      %sub3A_547 = arith.subi %div3A_526, %sub3A_546 : i32
      %select_n3A_548 = arith.select %and3A_545, %sub3A_547, %div3A_526 : i32
      %add3A_549 = arith.addi %mul3A_524, %select_n3A_548 : i32
      %mul3A_550 = arith.constant 128 : i32
      %mul3A_551 = arith.muli %add3A_549, %mul3A_550 : i32
      %jit3A_552 = arith.constant 8 : i32
      %eq3A_553 = arith.constant 0 : i32
      %eq3A_554 = arith.cmpi eq, %jit3A_552, %eq3A_553 : i32
      %jit3A_555 = arith.constant 1 : i32
      %select_n3A_556 = arith.select %eq3A_554, %jit3A_555, %jit3A_552 : i32
      %rem3A_557 = arith.remsi %reduce_max3A_522, %select_n3A_556 : i32
      %ne3A_558 = arith.constant 0 : i32
      %ne3A_559 = arith.cmpi ne, %rem3A_557, %ne3A_558 : i32
      %lt3A_560 = arith.constant 0 : i32
      %lt3A_561 = arith.cmpi slt, %rem3A_557, %lt3A_560 : i32
      %lt3A_562 = arith.constant 0 : i32
      %lt3A_563 = arith.cmpi slt, %select_n3A_556, %lt3A_562 : i32
      %ne3A_564 = arith.xori %lt3A_561, %lt3A_563 : i1
      %and3A_565 = arith.andi %ne3A_564, %ne3A_559 : i1
      %add3A_566 = arith.addi %rem3A_557, %select_n3A_556 : i32
      %select_n3A_567 = arith.select %and3A_565, %add3A_566, %rem3A_557 : i32
      %dma_wait3A_568 = arith.constant 0 : i32
      %dma_wait3A_569 = arith.constant 0 : i32
      %dma_wait3A_570 = arith.constant 0 : i32
      %dma_wait3A_571 = tpu.memref_slice %arg7[%dma_wait3A_568, %dma_wait3A_569, %dma_wait3A_570] : memref<2x128x128xf32, #tpu.memory_space<vmem>> -> memref<1x128x128xf32, #tpu.memory_space<vmem>>
      %dma_wait3A_572 = tpu.memref_squeeze %dma_wait3A_571 : memref<1x128x128xf32, #tpu.memory_space<vmem>> -> memref<128x128xf32, #tpu.memory_space<vmem>>
      %dma_wait3A_573 = arith.constant 0 : i32
      %dma_wait3A_574 = tpu.memref_slice %arg2[%mul3A_551, %select_n3A_567, %dma_wait3A_573] : memref<76800x8x128xf32, #tpu.memory_space<hbm>> -> memref<128x1x128xf32, #tpu.memory_space<hbm>>
      %dma_wait3A_575 = tpu.memref_squeeze %dma_wait3A_574 : memref<128x1x128xf32, #tpu.memory_space<hbm>> -> memref<128x128xf32, #tpu.memory_space<hbm>>
      %dma_wait3A_576 = arith.constant 0 : i32
      %dma_wait3A_577 = arith.constant 0 : i32
      %dma_wait3A_578 = tpu.memref_slice %arg7[%dma_wait3A_568, %dma_wait3A_576, %dma_wait3A_577] : memref<2x128x128xf32, #tpu.memory_space<vmem>> -> memref<1x128x128xf32, #tpu.memory_space<vmem>>
      %dma_wait3A_579 = tpu.memref_squeeze %dma_wait3A_578 : memref<1x128x128xf32, #tpu.memory_space<vmem>> -> memref<128x128xf32, #tpu.memory_space<vmem>>
      %dma_wait3A_580 = arith.constant 0 : i32
      %dma_wait3A_581 = tpu.memref_slice %arg2[%mul3A_551, %select_n3A_567, %dma_wait3A_580] : memref<76800x8x128xf32, #tpu.memory_space<hbm>> -> memref<128x1x128xf32, #tpu.memory_space<hbm>>
      %dma_wait3A_582 = tpu.memref_squeeze %dma_wait3A_581 : memref<128x1x128xf32, #tpu.memory_space<hbm>> -> memref<128x128xf32, #tpu.memory_space<hbm>>
      tpu.wait_dma2 semaphore(%arg12 : memref<!tpu.dma_semaphore, #tpu.memory_space<semaphore_mem>>) src(%dma_wait3A_582 : memref<128x128xf32, #tpu.memory_space<hbm>>) dst(%dma_wait3A_579 : memref<128x128xf32, #tpu.memory_space<vmem>>)
      %jit3A_583 = arith.constant 66 : i32
      %div3A_584 = arith.divsi %add3A_484, %jit3A_583 : i32
      %sign3A_585 = arith.constant 0 : i32
      %sign3A_586 = arith.cmpi sgt, %add3A_484, %sign3A_585 : i32
      %sign3A_587 = arith.extui %sign3A_586 : i1 to i32
      %sign3A_588 = arith.constant 0 : i32
      %sign3A_589 = arith.cmpi slt, %add3A_484, %sign3A_588 : i32
      %sign3A_590 = arith.extui %sign3A_589 : i1 to i32
      %sign3A_591 = arith.subi %sign3A_587, %sign3A_590 : i32
      %sign3A_592 = arith.constant 0 : i32
      %sign3A_593 = arith.cmpi sgt, %jit3A_583, %sign3A_592 : i32
      %sign3A_594 = arith.extui %sign3A_593 : i1 to i32
      %sign3A_595 = arith.constant 0 : i32
      %sign3A_596 = arith.cmpi slt, %jit3A_583, %sign3A_595 : i32
      %sign3A_597 = arith.extui %sign3A_596 : i1 to i32
      %sign3A_598 = arith.subi %sign3A_594, %sign3A_597 : i32
      %ne3A_599 = arith.cmpi ne, %sign3A_591, %sign3A_598 : i32
      %rem3A_600 = arith.remsi %add3A_484, %jit3A_583 : i32
      %ne3A_601 = arith.constant 0 : i32
      %ne3A_602 = arith.cmpi ne, %rem3A_600, %ne3A_601 : i32
      %and3A_603 = arith.andi %ne3A_599, %ne3A_602 : i1
      %sub3A_604 = arith.constant 1 : i32
      %sub3A_605 = arith.subi %div3A_584, %sub3A_604 : i32
      %select_n3A_606 = arith.select %and3A_603, %sub3A_605, %div3A_584 : i32
      %mul3A_607 = arith.constant 66 : i32
      %mul3A_608 = arith.muli %select_n3A_606, %mul3A_607 : i32
      %sub3A_609 = arith.subi %add3A_484, %mul3A_608 : i32
      %add3A_610 = vector.broadcast %sub3A_609 : i32 to vector<16xi32>
      %add3A_611 = arith.addi %mul3A_3, %add3A_610 : vector<16xi32>
      %gather3A_612 = tpu.vector_load_idx %arg9[%add3A_611] : memref<80xf32, #tpu.memory_space<vmem>>[vector<16xi32>], vector<16xf32>,
      %add3A_613 = vector.broadcast %sub3A_609 : i32 to vector<16xi32>
      %add3A_614 = arith.addi %mul3A_3, %add3A_613 : vector<16xi32>
      %gather3A_615 = tpu.vector_load_idx %arg10[%add3A_614] : memref<80xf32, #tpu.memory_space<vmem>>[vector<16xi32>], vector<16xf32>,
      %ge3A = arith.constant 1 : i32
      %ge3A_616 = arith.cmpi sge, %while3A_431, %ge3A : i32
      %convert_element_type3A_617 = arith.extui %ge3A_616 : i1 to i32
      %cond3A_618 = arith.constant 0 : i32
      %cond3A_619 = arith.cmpi ne, %convert_element_type3A_617, %cond3A_618 : i32
      scf.if %cond3A_619 {
        %sub3A_990 = arith.constant 2 : i32
        %sub3A_991 = arith.subi %mul3A_434, %sub3A_990 : i32
        %jit3A_992 = arith.constant 2 : i32
        %div3A_993 = arith.divsi %sub3A_991, %jit3A_992 : i32
        %sign3A_994 = arith.constant 0 : i32
        %sign3A_995 = arith.cmpi sgt, %sub3A_991, %sign3A_994 : i32
        %sign3A_996 = arith.extui %sign3A_995 : i1 to i32
        %sign3A_997 = arith.constant 0 : i32
        %sign3A_998 = arith.cmpi slt, %sub3A_991, %sign3A_997 : i32
        %sign3A_999 = arith.extui %sign3A_998 : i1 to i32
        %sign3A_1000 = arith.subi %sign3A_996, %sign3A_999 : i32
        %sign3A_1001 = arith.constant 0 : i32
        %sign3A_1002 = arith.cmpi sgt, %jit3A_992, %sign3A_1001 : i32
        %sign3A_1003 = arith.extui %sign3A_1002 : i1 to i32
        %sign3A_1004 = arith.constant 0 : i32
        %sign3A_1005 = arith.cmpi slt, %jit3A_992, %sign3A_1004 : i32
        %sign3A_1006 = arith.extui %sign3A_1005 : i1 to i32
        %sign3A_1007 = arith.subi %sign3A_1003, %sign3A_1006 : i32
        %ne3A_1008 = arith.cmpi ne, %sign3A_1000, %sign3A_1007 : i32
        %rem3A_1009 = arith.remsi %sub3A_991, %jit3A_992 : i32
        %ne3A_1010 = arith.constant 0 : i32
        %ne3A_1011 = arith.cmpi ne, %rem3A_1009, %ne3A_1010 : i32
        %and3A_1012 = arith.andi %ne3A_1008, %ne3A_1011 : i1
        %sub3A_1013 = arith.constant 1 : i32
        %sub3A_1014 = arith.subi %div3A_993, %sub3A_1013 : i32
        %select_n3A_1015 = arith.select %and3A_1012, %sub3A_1014, %div3A_993 : i32
        %mul3A_1016 = arith.constant 32 : i32
        %mul3A_1017 = arith.muli %select_n3A_1015, %mul3A_1016 : i32
        %add3A_1018 = arith.addi %add3A, %mul3A_1017 : i32
        %mul3A_1019 = arith.constant 2 : i32
        %mul3A_1020 = arith.muli %mul3A_1019, %add3A_1018 : i32
        %jit3A_1021 = arith.constant 2 : i32
        %eq3A_1022 = arith.constant 0 : i32
        %eq3A_1023 = arith.cmpi eq, %jit3A_1021, %eq3A_1022 : i32
        %jit3A_1024 = arith.constant 1 : i32
        %select_n3A_1025 = arith.select %eq3A_1023, %jit3A_1024, %jit3A_1021 : i32
        %rem3A_1026 = arith.remsi %sub3A_991, %select_n3A_1025 : i32
        %ne3A_1027 = arith.constant 0 : i32
        %ne3A_1028 = arith.cmpi ne, %rem3A_1026, %ne3A_1027 : i32
        %lt3A_1029 = arith.constant 0 : i32
        %lt3A_1030 = arith.cmpi slt, %rem3A_1026, %lt3A_1029 : i32
        %lt3A_1031 = arith.constant 0 : i32
        %lt3A_1032 = arith.cmpi slt, %select_n3A_1025, %lt3A_1031 : i32
        %ne3A_1033 = arith.xori %lt3A_1030, %lt3A_1032 : i1
        %and3A_1034 = arith.andi %ne3A_1033, %ne3A_1028 : i1
        %add3A_1035 = arith.addi %rem3A_1026, %select_n3A_1025 : i32
        %select_n3A_1036 = arith.select %and3A_1034, %add3A_1035, %rem3A_1026 : i32
        %add3A_1037 = arith.addi %mul3A_1020, %select_n3A_1036 : i32
        %jit3A_1038 = arith.constant 66 : i32
        %div3A_1039 = arith.divsi %add3A_1037, %jit3A_1038 : i32
        %sign3A_1040 = arith.constant 0 : i32
        %sign3A_1041 = arith.cmpi sgt, %add3A_1037, %sign3A_1040 : i32
        %sign3A_1042 = arith.extui %sign3A_1041 : i1 to i32
        %sign3A_1043 = arith.constant 0 : i32
        %sign3A_1044 = arith.cmpi slt, %add3A_1037, %sign3A_1043 : i32
        %sign3A_1045 = arith.extui %sign3A_1044 : i1 to i32
        %sign3A_1046 = arith.subi %sign3A_1042, %sign3A_1045 : i32
        %sign3A_1047 = arith.constant 0 : i32
        %sign3A_1048 = arith.cmpi sgt, %jit3A_1038, %sign3A_1047 : i32
        %sign3A_1049 = arith.extui %sign3A_1048 : i1 to i32
        %sign3A_1050 = arith.constant 0 : i32
        %sign3A_1051 = arith.cmpi slt, %jit3A_1038, %sign3A_1050 : i32
        %sign3A_1052 = arith.extui %sign3A_1051 : i1 to i32
        %sign3A_1053 = arith.subi %sign3A_1049, %sign3A_1052 : i32
        %ne3A_1054 = arith.cmpi ne, %sign3A_1046, %sign3A_1053 : i32
        %rem3A_1055 = arith.remsi %add3A_1037, %jit3A_1038 : i32
        %ne3A_1056 = arith.constant 0 : i32
        %ne3A_1057 = arith.cmpi ne, %rem3A_1055, %ne3A_1056 : i32
        %and3A_1058 = arith.andi %ne3A_1054, %ne3A_1057 : i1
        %sub3A_1059 = arith.constant 1 : i32
        %sub3A_1060 = arith.subi %div3A_1039, %sub3A_1059 : i32
        %select_n3A_1061 = arith.select %and3A_1058, %sub3A_1060, %div3A_1039 : i32
        %mul3A_1062 = arith.constant 66 : i32
        %mul3A_1063 = arith.muli %select_n3A_1061, %mul3A_1062 : i32
        %sub3A_1064 = arith.subi %add3A_1037, %mul3A_1063 : i32
        %mul3A_1065 = arith.constant 9 : i32
        %mul3A_1066 = arith.muli %select_n3A_1061, %mul3A_1065 : i32
        %jit3A_1067 = arith.constant 8 : i32
        %div3A_1068 = arith.divsi %sub3A_1064, %jit3A_1067 : i32
        %sign3A_1069 = arith.constant 0 : i32
        %sign3A_1070 = arith.cmpi sgt, %sub3A_1064, %sign3A_1069 : i32
        %sign3A_1071 = arith.extui %sign3A_1070 : i1 to i32
        %sign3A_1072 = arith.constant 0 : i32
        %sign3A_1073 = arith.cmpi slt, %sub3A_1064, %sign3A_1072 : i32
        %sign3A_1074 = arith.extui %sign3A_1073 : i1 to i32
        %sign3A_1075 = arith.subi %sign3A_1071, %sign3A_1074 : i32
        %sign3A_1076 = arith.constant 0 : i32
        %sign3A_1077 = arith.cmpi sgt, %jit3A_1067, %sign3A_1076 : i32
        %sign3A_1078 = arith.extui %sign3A_1077 : i1 to i32
        %sign3A_1079 = arith.constant 0 : i32
        %sign3A_1080 = arith.cmpi slt, %jit3A_1067, %sign3A_1079 : i32
        %sign3A_1081 = arith.extui %sign3A_1080 : i1 to i32
        %sign3A_1082 = arith.subi %sign3A_1078, %sign3A_1081 : i32
        %ne3A_1083 = arith.cmpi ne, %sign3A_1075, %sign3A_1082 : i32
        %rem3A_1084 = arith.remsi %sub3A_1064, %jit3A_1067 : i32
        %ne3A_1085 = arith.constant 0 : i32
        %ne3A_1086 = arith.cmpi ne, %rem3A_1084, %ne3A_1085 : i32
        %and3A_1087 = arith.andi %ne3A_1083, %ne3A_1086 : i1
        %sub3A_1088 = arith.constant 1 : i32
        %sub3A_1089 = arith.subi %div3A_1068, %sub3A_1088 : i32
        %select_n3A_1090 = arith.select %and3A_1087, %sub3A_1089, %div3A_1068 : i32
        %add3A_1091 = arith.addi %mul3A_1066, %select_n3A_1090 : i32
        %mul3A_1092 = arith.constant 128 : i32
        %mul3A_1093 = arith.muli %add3A_1091, %mul3A_1092 : i32
        %jit3A_1094 = arith.constant 8 : i32
        %eq3A_1095 = arith.constant 0 : i32
        %eq3A_1096 = arith.cmpi eq, %jit3A_1094, %eq3A_1095 : i32
        %jit3A_1097 = arith.constant 1 : i32
        %select_n3A_1098 = arith.select %eq3A_1096, %jit3A_1097, %jit3A_1094 : i32
        %rem3A_1099 = arith.remsi %sub3A_1064, %select_n3A_1098 : i32
        %ne3A_1100 = arith.constant 0 : i32
        %ne3A_1101 = arith.cmpi ne, %rem3A_1099, %ne3A_1100 : i32
        %lt3A_1102 = arith.constant 0 : i32
        %lt3A_1103 = arith.cmpi slt, %rem3A_1099, %lt3A_1102 : i32
        %lt3A_1104 = arith.constant 0 : i32
        %lt3A_1105 = arith.cmpi slt, %select_n3A_1098, %lt3A_1104 : i32
        %ne3A_1106 = arith.xori %lt3A_1103, %lt3A_1105 : i1
        %and3A_1107 = arith.andi %ne3A_1106, %ne3A_1101 : i1
        %add3A_1108 = arith.addi %rem3A_1099, %select_n3A_1098 : i32
        %select_n3A_1109 = arith.select %and3A_1107, %add3A_1108, %rem3A_1099 : i32
        %dma_wait3A_1110 = arith.constant 0 : i32
        %dma_wait3A_1111 = arith.constant 0 : i32
        %dma_wait3A_1112 = arith.constant 0 : i32
        %dma_wait3A_1113 = tpu.memref_slice %arg8[%dma_wait3A_1110, %dma_wait3A_1111, %dma_wait3A_1112] : memref<2x128x128xf32, #tpu.memory_space<vmem>> -> memref<1x128x128xf32, #tpu.memory_space<vmem>>
        %dma_wait3A_1114 = tpu.memref_squeeze %dma_wait3A_1113 : memref<1x128x128xf32, #tpu.memory_space<vmem>> -> memref<128x128xf32, #tpu.memory_space<vmem>>
        %dma_wait3A_1115 = arith.constant 0 : i32
        %dma_wait3A_1116 = tpu.memref_slice %arg6[%mul3A_1093, %select_n3A_1109, %dma_wait3A_1115] : memref<57600x8x128xf32, #tpu.memory_space<hbm>> -> memref<128x1x128xf32, #tpu.memory_space<hbm>>
        %dma_wait3A_1117 = tpu.memref_squeeze %dma_wait3A_1116 : memref<128x1x128xf32, #tpu.memory_space<hbm>> -> memref<128x128xf32, #tpu.memory_space<hbm>>
        %dma_wait3A_1118 = arith.constant 0 : i32
        %dma_wait3A_1119 = tpu.memref_slice %arg6[%mul3A_1093, %select_n3A_1109, %dma_wait3A_1118] : memref<57600x8x128xf32, #tpu.memory_space<hbm>> -> memref<128x1x128xf32, #tpu.memory_space<hbm>>
        %dma_wait3A_1120 = tpu.memref_squeeze %dma_wait3A_1119 : memref<128x1x128xf32, #tpu.memory_space<hbm>> -> memref<128x128xf32, #tpu.memory_space<hbm>>
        %dma_wait3A_1121 = arith.constant 0 : i32
        %dma_wait3A_1122 = arith.constant 0 : i32
        %dma_wait3A_1123 = tpu.memref_slice %arg8[%dma_wait3A_1110, %dma_wait3A_1121, %dma_wait3A_1122] : memref<2x128x128xf32, #tpu.memory_space<vmem>> -> memref<1x128x128xf32, #tpu.memory_space<vmem>>
        %dma_wait3A_1124 = tpu.memref_squeeze %dma_wait3A_1123 : memref<1x128x128xf32, #tpu.memory_space<vmem>> -> memref<128x128xf32, #tpu.memory_space<vmem>>
        tpu.wait_dma2 semaphore(%arg14 : memref<!tpu.dma_semaphore, #tpu.memory_space<semaphore_mem>>) src(%dma_wait3A_1124 : memref<128x128xf32, #tpu.memory_space<vmem>>) dst(%dma_wait3A_1120 : memref<128x128xf32, #tpu.memory_space<hbm>>)
      } else {
      }
      %parallel_loop3A = arith.constant 0 : i32
      %parallel_loop3A_620 = arith.constant 128 : i32
      %parallel_loop3A_621 = arith.constant 1 : i32
      scf.for %parallel_loop3A_990 = %parallel_loop3A to %parallel_loop3A_620 step %parallel_loop3A_621  : i32 {
        %parallel_loop3A_991 = arith.constant 0 : i32
        %parallel_loop3A_992 = arith.index_cast %parallel_loop3A_991 : i32 to index
        %parallel_loop3A_993 = arith.index_cast %parallel_loop3A_990 : i32 to index
        %parallel_loop3A_994 = arith.constant 0 : index
        %parallel_loop3A_995 = tpu.vector_load %arg7[%parallel_loop3A_992, %parallel_loop3A_993, %parallel_loop3A_994] {strides = array<i32>} : memref<2x128x128xf32, #tpu.memory_space<vmem>>, vector<16xf32>,
        %parallel_loop3A_996 = arith.subf %parallel_loop3A_995, %gather3A_612 : vector<16xf32>
        %parallel_loop3A_997 = arith.mulf %parallel_loop3A_996, %gather3A_615 : vector<16xf32>
        %parallel_loop3A_998 = arith.constant 0 : i32
        %parallel_loop3A_999 = arith.index_cast %parallel_loop3A_998 : i32 to index
        %parallel_loop3A_1000 = arith.index_cast %parallel_loop3A_990 : i32 to index
        %parallel_loop3A_1001 = arith.constant 0 : index
        %parallel_loop3A_1002 = tpu.vector_load %arg8[%parallel_loop3A_999, %parallel_loop3A_1000, %parallel_loop3A_1001] {strides = array<i32>} : memref<2x128x128xf32, #tpu.memory_space<vmem>>, vector<16xf32>,
        tpu.vector_store %arg8[%parallel_loop3A_999, %parallel_loop3A_1000, %parallel_loop3A_1001], %parallel_loop3A_997 {strides = array<i32>} : memref<2x128x128xf32, #tpu.memory_space<vmem>>, vector<16xf32>,
        %parallel_loop3A_1003 = arith.constant 0 : i32
        %parallel_loop3A_1004 = arith.index_cast %parallel_loop3A_1003 : i32 to index
        %parallel_loop3A_1005 = arith.index_cast %parallel_loop3A_990 : i32 to index
        %parallel_loop3A_1006 = arith.constant 16 : index
        %parallel_loop3A_1007 = tpu.vector_load %arg7[%parallel_loop3A_1004, %parallel_loop3A_1005, %parallel_loop3A_1006] {strides = array<i32>} : memref<2x128x128xf32, #tpu.memory_space<vmem>>, vector<16xf32>,
        %parallel_loop3A_1008 = arith.subf %parallel_loop3A_1007, %gather3A_612 : vector<16xf32>
        %parallel_loop3A_1009 = arith.mulf %parallel_loop3A_1008, %gather3A_615 : vector<16xf32>
        %parallel_loop3A_1010 = arith.constant 0 : i32
        %parallel_loop3A_1011 = arith.index_cast %parallel_loop3A_1010 : i32 to index
        %parallel_loop3A_1012 = arith.index_cast %parallel_loop3A_990 : i32 to index
        %parallel_loop3A_1013 = arith.constant 16 : index
        %parallel_loop3A_1014 = tpu.vector_load %arg8[%parallel_loop3A_1011, %parallel_loop3A_1012, %parallel_loop3A_1013] {strides = array<i32>} : memref<2x128x128xf32, #tpu.memory_space<vmem>>, vector<16xf32>,
        tpu.vector_store %arg8[%parallel_loop3A_1011, %parallel_loop3A_1012, %parallel_loop3A_1013], %parallel_loop3A_1009 {strides = array<i32>} : memref<2x128x128xf32, #tpu.memory_space<vmem>>, vector<16xf32>,
        %parallel_loop3A_1015 = arith.constant 0 : i32
        %parallel_loop3A_1016 = arith.index_cast %parallel_loop3A_1015 : i32 to index
        %parallel_loop3A_1017 = arith.index_cast %parallel_loop3A_990 : i32 to index
        %parallel_loop3A_1018 = arith.constant 32 : index
        %parallel_loop3A_1019 = tpu.vector_load %arg7[%parallel_loop3A_1016, %parallel_loop3A_1017, %parallel_loop3A_1018] {strides = array<i32>} : memref<2x128x128xf32, #tpu.memory_space<vmem>>, vector<16xf32>,
        %parallel_loop3A_1020 = arith.subf %parallel_loop3A_1019, %gather3A_612 : vector<16xf32>
        %parallel_loop3A_1021 = arith.mulf %parallel_loop3A_1020, %gather3A_615 : vector<16xf32>
        %parallel_loop3A_1022 = arith.constant 0 : i32
        %parallel_loop3A_1023 = arith.index_cast %parallel_loop3A_1022 : i32 to index
        %parallel_loop3A_1024 = arith.index_cast %parallel_loop3A_990 : i32 to index
        %parallel_loop3A_1025 = arith.constant 32 : index
        %parallel_loop3A_1026 = tpu.vector_load %arg8[%parallel_loop3A_1023, %parallel_loop3A_1024, %parallel_loop3A_1025] {strides = array<i32>} : memref<2x128x128xf32, #tpu.memory_space<vmem>>, vector<16xf32>,
        tpu.vector_store %arg8[%parallel_loop3A_1023, %parallel_loop3A_1024, %parallel_loop3A_1025], %parallel_loop3A_1021 {strides = array<i32>} : memref<2x128x128xf32, #tpu.memory_space<vmem>>, vector<16xf32>,
        %parallel_loop3A_1027 = arith.constant 0 : i32
        %parallel_loop3A_1028 = arith.index_cast %parallel_loop3A_1027 : i32 to index
        %parallel_loop3A_1029 = arith.index_cast %parallel_loop3A_990 : i32 to index
        %parallel_loop3A_1030 = arith.constant 48 : index
        %parallel_loop3A_1031 = tpu.vector_load %arg7[%parallel_loop3A_1028, %parallel_loop3A_1029, %parallel_loop3A_1030] {strides = array<i32>} : memref<2x128x128xf32, #tpu.memory_space<vmem>>, vector<16xf32>,
        %parallel_loop3A_1032 = arith.subf %parallel_loop3A_1031, %gather3A_612 : vector<16xf32>
        %parallel_loop3A_1033 = arith.mulf %parallel_loop3A_1032, %gather3A_615 : vector<16xf32>
        %parallel_loop3A_1034 = arith.constant 0 : i32
        %parallel_loop3A_1035 = arith.index_cast %parallel_loop3A_1034 : i32 to index
        %parallel_loop3A_1036 = arith.index_cast %parallel_loop3A_990 : i32 to index
        %parallel_loop3A_1037 = arith.constant 48 : index
        %parallel_loop3A_1038 = tpu.vector_load %arg8[%parallel_loop3A_1035, %parallel_loop3A_1036, %parallel_loop3A_1037] {strides = array<i32>} : memref<2x128x128xf32, #tpu.memory_space<vmem>>, vector<16xf32>,
        tpu.vector_store %arg8[%parallel_loop3A_1035, %parallel_loop3A_1036, %parallel_loop3A_1037], %parallel_loop3A_1033 {strides = array<i32>} : memref<2x128x128xf32, #tpu.memory_space<vmem>>, vector<16xf32>,
        %parallel_loop3A_1039 = arith.constant 0 : i32
        %parallel_loop3A_1040 = arith.index_cast %parallel_loop3A_1039 : i32 to index
        %parallel_loop3A_1041 = arith.index_cast %parallel_loop3A_990 : i32 to index
        %parallel_loop3A_1042 = arith.constant 64 : index
        %parallel_loop3A_1043 = tpu.vector_load %arg7[%parallel_loop3A_1040, %parallel_loop3A_1041, %parallel_loop3A_1042] {strides = array<i32>} : memref<2x128x128xf32, #tpu.memory_space<vmem>>, vector<16xf32>,
        %parallel_loop3A_1044 = arith.subf %parallel_loop3A_1043, %gather3A_612 : vector<16xf32>
        %parallel_loop3A_1045 = arith.mulf %parallel_loop3A_1044, %gather3A_615 : vector<16xf32>
        %parallel_loop3A_1046 = arith.constant 0 : i32
        %parallel_loop3A_1047 = arith.index_cast %parallel_loop3A_1046 : i32 to index
        %parallel_loop3A_1048 = arith.index_cast %parallel_loop3A_990 : i32 to index
        %parallel_loop3A_1049 = arith.constant 64 : index
        %parallel_loop3A_1050 = tpu.vector_load %arg8[%parallel_loop3A_1047, %parallel_loop3A_1048, %parallel_loop3A_1049] {strides = array<i32>} : memref<2x128x128xf32, #tpu.memory_space<vmem>>, vector<16xf32>,
        tpu.vector_store %arg8[%parallel_loop3A_1047, %parallel_loop3A_1048, %parallel_loop3A_1049], %parallel_loop3A_1045 {strides = array<i32>} : memref<2x128x128xf32, #tpu.memory_space<vmem>>, vector<16xf32>,
        %parallel_loop3A_1051 = arith.constant 0 : i32
        %parallel_loop3A_1052 = arith.index_cast %parallel_loop3A_1051 : i32 to index
        %parallel_loop3A_1053 = arith.index_cast %parallel_loop3A_990 : i32 to index
        %parallel_loop3A_1054 = arith.constant 80 : index
        %parallel_loop3A_1055 = tpu.vector_load %arg7[%parallel_loop3A_1052, %parallel_loop3A_1053, %parallel_loop3A_1054] {strides = array<i32>} : memref<2x128x128xf32, #tpu.memory_space<vmem>>, vector<16xf32>,
        %parallel_loop3A_1056 = arith.subf %parallel_loop3A_1055, %gather3A_612 : vector<16xf32>
        %parallel_loop3A_1057 = arith.mulf %parallel_loop3A_1056, %gather3A_615 : vector<16xf32>
        %parallel_loop3A_1058 = arith.constant 0 : i32
        %parallel_loop3A_1059 = arith.index_cast %parallel_loop3A_1058 : i32 to index
        %parallel_loop3A_1060 = arith.index_cast %parallel_loop3A_990 : i32 to index
        %parallel_loop3A_1061 = arith.constant 80 : index
        %parallel_loop3A_1062 = tpu.vector_load %arg8[%parallel_loop3A_1059, %parallel_loop3A_1060, %parallel_loop3A_1061] {strides = array<i32>} : memref<2x128x128xf32, #tpu.memory_space<vmem>>, vector<16xf32>,
        tpu.vector_store %arg8[%parallel_loop3A_1059, %parallel_loop3A_1060, %parallel_loop3A_1061], %parallel_loop3A_1057 {strides = array<i32>} : memref<2x128x128xf32, #tpu.memory_space<vmem>>, vector<16xf32>,
        %parallel_loop3A_1063 = arith.constant 0 : i32
        %parallel_loop3A_1064 = arith.index_cast %parallel_loop3A_1063 : i32 to index
        %parallel_loop3A_1065 = arith.index_cast %parallel_loop3A_990 : i32 to index
        %parallel_loop3A_1066 = arith.constant 96 : index
        %parallel_loop3A_1067 = tpu.vector_load %arg7[%parallel_loop3A_1064, %parallel_loop3A_1065, %parallel_loop3A_1066] {strides = array<i32>} : memref<2x128x128xf32, #tpu.memory_space<vmem>>, vector<16xf32>,
        %parallel_loop3A_1068 = arith.subf %parallel_loop3A_1067, %gather3A_612 : vector<16xf32>
        %parallel_loop3A_1069 = arith.mulf %parallel_loop3A_1068, %gather3A_615 : vector<16xf32>
        %parallel_loop3A_1070 = arith.constant 0 : i32
        %parallel_loop3A_1071 = arith.index_cast %parallel_loop3A_1070 : i32 to index
        %parallel_loop3A_1072 = arith.index_cast %parallel_loop3A_990 : i32 to index
        %parallel_loop3A_1073 = arith.constant 96 : index
        %parallel_loop3A_1074 = tpu.vector_load %arg8[%parallel_loop3A_1071, %parallel_loop3A_1072, %parallel_loop3A_1073] {strides = array<i32>} : memref<2x128x128xf32, #tpu.memory_space<vmem>>, vector<16xf32>,
        tpu.vector_store %arg8[%parallel_loop3A_1071, %parallel_loop3A_1072, %parallel_loop3A_1073], %parallel_loop3A_1069 {strides = array<i32>} : memref<2x128x128xf32, #tpu.memory_space<vmem>>, vector<16xf32>,
        %parallel_loop3A_1075 = arith.constant 0 : i32
        %parallel_loop3A_1076 = arith.index_cast %parallel_loop3A_1075 : i32 to index
        %parallel_loop3A_1077 = arith.index_cast %parallel_loop3A_990 : i32 to index
        %parallel_loop3A_1078 = arith.constant 112 : index
        %parallel_loop3A_1079 = tpu.vector_load %arg7[%parallel_loop3A_1076, %parallel_loop3A_1077, %parallel_loop3A_1078] {strides = array<i32>} : memref<2x128x128xf32, #tpu.memory_space<vmem>>, vector<16xf32>,
        %parallel_loop3A_1080 = arith.subf %parallel_loop3A_1079, %gather3A_612 : vector<16xf32>
        %parallel_loop3A_1081 = arith.mulf %parallel_loop3A_1080, %gather3A_615 : vector<16xf32>
        %parallel_loop3A_1082 = arith.constant 0 : i32
        %parallel_loop3A_1083 = arith.index_cast %parallel_loop3A_1082 : i32 to index
        %parallel_loop3A_1084 = arith.index_cast %parallel_loop3A_990 : i32 to index
        %parallel_loop3A_1085 = arith.constant 112 : index
        %parallel_loop3A_1086 = tpu.vector_load %arg8[%parallel_loop3A_1083, %parallel_loop3A_1084, %parallel_loop3A_1085] {strides = array<i32>} : memref<2x128x128xf32, #tpu.memory_space<vmem>>, vector<16xf32>,
        tpu.vector_store %arg8[%parallel_loop3A_1083, %parallel_loop3A_1084, %parallel_loop3A_1085], %parallel_loop3A_1081 {strides = array<i32>} : memref<2x128x128xf32, #tpu.memory_space<vmem>>, vector<16xf32>,
      } {sc.loop_unroll_factor = 2 : i64, sc.parallel_access}
      %jit3A_622 = arith.constant 66 : i32
      %div3A_623 = arith.divsi %add3A_484, %jit3A_622 : i32
      %sign3A_624 = arith.constant 0 : i32
      %sign3A_625 = arith.cmpi sgt, %add3A_484, %sign3A_624 : i32
      %sign3A_626 = arith.extui %sign3A_625 : i1 to i32
      %sign3A_627 = arith.constant 0 : i32
      %sign3A_628 = arith.cmpi slt, %add3A_484, %sign3A_627 : i32
      %sign3A_629 = arith.extui %sign3A_628 : i1 to i32
      %sign3A_630 = arith.subi %sign3A_626, %sign3A_629 : i32
      %sign3A_631 = arith.constant 0 : i32
      %sign3A_632 = arith.cmpi sgt, %jit3A_622, %sign3A_631 : i32
      %sign3A_633 = arith.extui %sign3A_632 : i1 to i32
      %sign3A_634 = arith.constant 0 : i32
      %sign3A_635 = arith.cmpi slt, %jit3A_622, %sign3A_634 : i32
      %sign3A_636 = arith.extui %sign3A_635 : i1 to i32
      %sign3A_637 = arith.subi %sign3A_633, %sign3A_636 : i32
      %ne3A_638 = arith.cmpi ne, %sign3A_630, %sign3A_637 : i32
      %rem3A_639 = arith.remsi %add3A_484, %jit3A_622 : i32
      %ne3A_640 = arith.constant 0 : i32
      %ne3A_641 = arith.cmpi ne, %rem3A_639, %ne3A_640 : i32
      %and3A_642 = arith.andi %ne3A_638, %ne3A_641 : i1
      %sub3A_643 = arith.constant 1 : i32
      %sub3A_644 = arith.subi %div3A_623, %sub3A_643 : i32
      %select_n3A_645 = arith.select %and3A_642, %sub3A_644, %div3A_623 : i32
      %mul3A_646 = arith.constant 66 : i32
      %mul3A_647 = arith.muli %select_n3A_645, %mul3A_646 : i32
      %sub3A_648 = arith.subi %add3A_484, %mul3A_647 : i32
      %mul3A_649 = arith.constant 9 : i32
      %mul3A_650 = arith.muli %select_n3A_645, %mul3A_649 : i32
      %jit3A_651 = arith.constant 8 : i32
      %div3A_652 = arith.divsi %sub3A_648, %jit3A_651 : i32
      %sign3A_653 = arith.constant 0 : i32
      %sign3A_654 = arith.cmpi sgt, %sub3A_648, %sign3A_653 : i32
      %sign3A_655 = arith.extui %sign3A_654 : i1 to i32
      %sign3A_656 = arith.constant 0 : i32
      %sign3A_657 = arith.cmpi slt, %sub3A_648, %sign3A_656 : i32
      %sign3A_658 = arith.extui %sign3A_657 : i1 to i32
      %sign3A_659 = arith.subi %sign3A_655, %sign3A_658 : i32
      %sign3A_660 = arith.constant 0 : i32
      %sign3A_661 = arith.cmpi sgt, %jit3A_651, %sign3A_660 : i32
      %sign3A_662 = arith.extui %sign3A_661 : i1 to i32
      %sign3A_663 = arith.constant 0 : i32
      %sign3A_664 = arith.cmpi slt, %jit3A_651, %sign3A_663 : i32
      %sign3A_665 = arith.extui %sign3A_664 : i1 to i32
      %sign3A_666 = arith.subi %sign3A_662, %sign3A_665 : i32
      %ne3A_667 = arith.cmpi ne, %sign3A_659, %sign3A_666 : i32
      %rem3A_668 = arith.remsi %sub3A_648, %jit3A_651 : i32
      %ne3A_669 = arith.constant 0 : i32
      %ne3A_670 = arith.cmpi ne, %rem3A_668, %ne3A_669 : i32
      %and3A_671 = arith.andi %ne3A_667, %ne3A_670 : i1
      %sub3A_672 = arith.constant 1 : i32
      %sub3A_673 = arith.subi %div3A_652, %sub3A_672 : i32
      %select_n3A_674 = arith.select %and3A_671, %sub3A_673, %div3A_652 : i32
      %add3A_675 = arith.addi %mul3A_650, %select_n3A_674 : i32
      %mul3A_676 = arith.constant 128 : i32
      %mul3A_677 = arith.muli %add3A_675, %mul3A_676 : i32
      %jit3A_678 = arith.constant 8 : i32
      %eq3A_679 = arith.constant 0 : i32
      %eq3A_680 = arith.cmpi eq, %jit3A_678, %eq3A_679 : i32
      %jit3A_681 = arith.constant 1 : i32
      %select_n3A_682 = arith.select %eq3A_680, %jit3A_681, %jit3A_678 : i32
      %rem3A_683 = arith.remsi %sub3A_648, %select_n3A_682 : i32
      %ne3A_684 = arith.constant 0 : i32
      %ne3A_685 = arith.cmpi ne, %rem3A_683, %ne3A_684 : i32
      %lt3A_686 = arith.constant 0 : i32
      %lt3A_687 = arith.cmpi slt, %rem3A_683, %lt3A_686 : i32
      %lt3A_688 = arith.constant 0 : i32
      %lt3A_689 = arith.cmpi slt, %select_n3A_682, %lt3A_688 : i32
      %ne3A_690 = arith.xori %lt3A_687, %lt3A_689 : i1
      %and3A_691 = arith.andi %ne3A_690, %ne3A_685 : i1
      %add3A_692 = arith.addi %rem3A_683, %select_n3A_682 : i32
      %select_n3A_693 = arith.select %and3A_691, %add3A_692, %rem3A_683 : i32
      %dma_start3A_694 = arith.constant 0 : i32
      %dma_start3A_695 = arith.constant 0 : i32
      %dma_start3A_696 = arith.constant 0 : i32
      %dma_start3A_697 = tpu.memref_slice %arg8[%dma_start3A_694, %dma_start3A_695, %dma_start3A_696] : memref<2x128x128xf32, #tpu.memory_space<vmem>> -> memref<1x128x128xf32, #tpu.memory_space<vmem>>
      %dma_start3A_698 = tpu.memref_squeeze %dma_start3A_697 : memref<1x128x128xf32, #tpu.memory_space<vmem>> -> memref<128x128xf32, #tpu.memory_space<vmem>>
      %dma_start3A_699 = arith.constant 0 : i32
      %dma_start3A_700 = tpu.memref_slice %arg6[%mul3A_677, %select_n3A_693, %dma_start3A_699] : memref<57600x8x128xf32, #tpu.memory_space<hbm>> -> memref<128x1x128xf32, #tpu.memory_space<hbm>>
      %dma_start3A_701 = tpu.memref_squeeze %dma_start3A_700 : memref<128x1x128xf32, #tpu.memory_space<hbm>> -> memref<128x128xf32, #tpu.memory_space<hbm>>
      %dma_start3A_702 = arith.constant 0 : i32
      %dma_start3A_703 = tpu.memref_slice %arg6[%mul3A_677, %select_n3A_693, %dma_start3A_702] : memref<57600x8x128xf32, #tpu.memory_space<hbm>> -> memref<128x1x128xf32, #tpu.memory_space<hbm>>
      %dma_start3A_704 = tpu.memref_squeeze %dma_start3A_703 : memref<128x1x128xf32, #tpu.memory_space<hbm>> -> memref<128x128xf32, #tpu.memory_space<hbm>>
      %dma_start3A_705 = arith.constant 0 : i32
      %dma_start3A_706 = arith.constant 0 : i32
      %dma_start3A_707 = tpu.memref_slice %arg8[%dma_start3A_694, %dma_start3A_705, %dma_start3A_706] : memref<2x128x128xf32, #tpu.memory_space<vmem>> -> memref<1x128x128xf32, #tpu.memory_space<vmem>>
      %dma_start3A_708 = tpu.memref_squeeze %dma_start3A_707 : memref<1x128x128xf32, #tpu.memory_space<vmem>> -> memref<128x128xf32, #tpu.memory_space<vmem>>
      tpu.enqueue_dma source(%dma_start3A_708 : memref<128x128xf32, #tpu.memory_space<vmem>>) target(%dma_start3A_704 : memref<128x128xf32, #tpu.memory_space<hbm>>) target_semaphore(%arg14 : memref<!tpu.dma_semaphore, #tpu.memory_space<semaphore_mem>>)
      %add3A_709 = arith.constant 2 : i32
      %add3A_710 = arith.addi %mul3A_434, %add3A_709 : i32
      %lt3A_711 = arith.cmpi slt, %add3A_710, %mul3A_27 : i32
      %convert_element_type3A_712 = arith.extui %lt3A_711 : i1 to i32
      %cond3A_713 = arith.constant 0 : i32
      %cond3A_714 = arith.cmpi ne, %convert_element_type3A_712, %cond3A_713 : i32
      scf.if %cond3A_714 {
        %add3A_990 = arith.constant 2 : i32
        %add3A_991 = arith.addi %mul3A_434, %add3A_990 : i32
        %jit3A_992 = arith.constant 2 : i32
        %div3A_993 = arith.divsi %add3A_991, %jit3A_992 : i32
        %sign3A_994 = arith.constant 0 : i32
        %sign3A_995 = arith.cmpi sgt, %add3A_991, %sign3A_994 : i32
        %sign3A_996 = arith.extui %sign3A_995 : i1 to i32
        %sign3A_997 = arith.constant 0 : i32
        %sign3A_998 = arith.cmpi slt, %add3A_991, %sign3A_997 : i32
        %sign3A_999 = arith.extui %sign3A_998 : i1 to i32
        %sign3A_1000 = arith.subi %sign3A_996, %sign3A_999 : i32
        %sign3A_1001 = arith.constant 0 : i32
        %sign3A_1002 = arith.cmpi sgt, %jit3A_992, %sign3A_1001 : i32
        %sign3A_1003 = arith.extui %sign3A_1002 : i1 to i32
        %sign3A_1004 = arith.constant 0 : i32
        %sign3A_1005 = arith.cmpi slt, %jit3A_992, %sign3A_1004 : i32
        %sign3A_1006 = arith.extui %sign3A_1005 : i1 to i32
        %sign3A_1007 = arith.subi %sign3A_1003, %sign3A_1006 : i32
        %ne3A_1008 = arith.cmpi ne, %sign3A_1000, %sign3A_1007 : i32
        %rem3A_1009 = arith.remsi %add3A_991, %jit3A_992 : i32
        %ne3A_1010 = arith.constant 0 : i32
        %ne3A_1011 = arith.cmpi ne, %rem3A_1009, %ne3A_1010 : i32
        %and3A_1012 = arith.andi %ne3A_1008, %ne3A_1011 : i1
        %sub3A_1013 = arith.constant 1 : i32
        %sub3A_1014 = arith.subi %div3A_993, %sub3A_1013 : i32
        %select_n3A_1015 = arith.select %and3A_1012, %sub3A_1014, %div3A_993 : i32
        %mul3A_1016 = arith.constant 32 : i32
        %mul3A_1017 = arith.muli %select_n3A_1015, %mul3A_1016 : i32
        %add3A_1018 = arith.addi %add3A, %mul3A_1017 : i32
        %mul3A_1019 = arith.constant 2 : i32
        %mul3A_1020 = arith.muli %mul3A_1019, %add3A_1018 : i32
        %jit3A_1021 = arith.constant 2 : i32
        %eq3A_1022 = arith.constant 0 : i32
        %eq3A_1023 = arith.cmpi eq, %jit3A_1021, %eq3A_1022 : i32
        %jit3A_1024 = arith.constant 1 : i32
        %select_n3A_1025 = arith.select %eq3A_1023, %jit3A_1024, %jit3A_1021 : i32
        %rem3A_1026 = arith.remsi %add3A_991, %select_n3A_1025 : i32
        %ne3A_1027 = arith.constant 0 : i32
        %ne3A_1028 = arith.cmpi ne, %rem3A_1026, %ne3A_1027 : i32
        %lt3A_1029 = arith.constant 0 : i32
        %lt3A_1030 = arith.cmpi slt, %rem3A_1026, %lt3A_1029 : i32
        %lt3A_1031 = arith.constant 0 : i32
        %lt3A_1032 = arith.cmpi slt, %select_n3A_1025, %lt3A_1031 : i32
        %ne3A_1033 = arith.xori %lt3A_1030, %lt3A_1032 : i1
        %and3A_1034 = arith.andi %ne3A_1033, %ne3A_1028 : i1
        %add3A_1035 = arith.addi %rem3A_1026, %select_n3A_1025 : i32
        %select_n3A_1036 = arith.select %and3A_1034, %add3A_1035, %rem3A_1026 : i32
        %add3A_1037 = arith.addi %mul3A_1020, %select_n3A_1036 : i32
        %jit3A_1038 = arith.constant 66 : i32
        %div3A_1039 = arith.divsi %add3A_1037, %jit3A_1038 : i32
        %sign3A_1040 = arith.constant 0 : i32
        %sign3A_1041 = arith.cmpi sgt, %add3A_1037, %sign3A_1040 : i32
        %sign3A_1042 = arith.extui %sign3A_1041 : i1 to i32
        %sign3A_1043 = arith.constant 0 : i32
        %sign3A_1044 = arith.cmpi slt, %add3A_1037, %sign3A_1043 : i32
        %sign3A_1045 = arith.extui %sign3A_1044 : i1 to i32
        %sign3A_1046 = arith.subi %sign3A_1042, %sign3A_1045 : i32
        %sign3A_1047 = arith.constant 0 : i32
        %sign3A_1048 = arith.cmpi sgt, %jit3A_1038, %sign3A_1047 : i32
        %sign3A_1049 = arith.extui %sign3A_1048 : i1 to i32
        %sign3A_1050 = arith.constant 0 : i32
        %sign3A_1051 = arith.cmpi slt, %jit3A_1038, %sign3A_1050 : i32
        %sign3A_1052 = arith.extui %sign3A_1051 : i1 to i32
        %sign3A_1053 = arith.subi %sign3A_1049, %sign3A_1052 : i32
        %ne3A_1054 = arith.cmpi ne, %sign3A_1046, %sign3A_1053 : i32
        %rem3A_1055 = arith.remsi %add3A_1037, %jit3A_1038 : i32
        %ne3A_1056 = arith.constant 0 : i32
        %ne3A_1057 = arith.cmpi ne, %rem3A_1055, %ne3A_1056 : i32
        %and3A_1058 = arith.andi %ne3A_1054, %ne3A_1057 : i1
        %sub3A_1059 = arith.constant 1 : i32
        %sub3A_1060 = arith.subi %div3A_1039, %sub3A_1059 : i32
        %select_n3A_1061 = arith.select %and3A_1058, %sub3A_1060, %div3A_1039 : i32
        %mul3A_1062 = arith.constant 66 : i32
        %mul3A_1063 = arith.muli %select_n3A_1061, %mul3A_1062 : i32
        %sub3A_1064 = arith.subi %add3A_1037, %mul3A_1063 : i32
        %add3A_1065 = vector.broadcast %sub3A_1064 : i32 to vector<16xi32>
        %add3A_1066 = arith.addi %mul3A_3, %add3A_1065 : vector<16xi32>
        %gather3A_1067 = tpu.vector_load_idx %arg11[%add3A_1066] : memref<80xi32, #tpu.memory_space<vmem>>[vector<16xi32>], vector<16xi32>,
        %reduce_max3A_1068 = arith.constant true
        %reduce_max3A_1069 = vector.broadcast %reduce_max3A_1068 : i1 to vector<16xi1>
        %reduce_max3A_1070 = arith.constant -2147483648 : i32
        %reduce_max3A_1071 = vector.broadcast %reduce_max3A_1070 : i32 to vector<16xi32>
        %reduce_max3A_1072 = arith.xori %gather3A_1067, %reduce_max3A_1071 : vector<16xi32>
        %reduce_max3A_1073 = tpu.scan <max>, %reduce_max3A_1072 masked %reduce_max3A_1069 : vector<16xi32>, vector<16xi1> -> vector<16xi32>
        %reduce_max3A_1074 = arith.xori %reduce_max3A_1073, %reduce_max3A_1071 : vector<16xi32>
        %reduce_max3A_1075 = vector.extract %reduce_max3A_1074[15] : i32 from vector<16xi32>
        %mul3A_1076 = arith.constant 12 : i32
        %mul3A_1077 = arith.muli %select_n3A_1061, %mul3A_1076 : i32
        %jit3A_1078 = arith.constant 8 : i32
        %div3A_1079 = arith.divsi %reduce_max3A_1075, %jit3A_1078 : i32
        %sign3A_1080 = arith.constant 0 : i32
        %sign3A_1081 = arith.cmpi sgt, %reduce_max3A_1075, %sign3A_1080 : i32
        %sign3A_1082 = arith.extui %sign3A_1081 : i1 to i32
        %sign3A_1083 = arith.constant 0 : i32
        %sign3A_1084 = arith.cmpi slt, %reduce_max3A_1075, %sign3A_1083 : i32
        %sign3A_1085 = arith.extui %sign3A_1084 : i1 to i32
        %sign3A_1086 = arith.subi %sign3A_1082, %sign3A_1085 : i32
        %sign3A_1087 = arith.constant 0 : i32
        %sign3A_1088 = arith.cmpi sgt, %jit3A_1078, %sign3A_1087 : i32
        %sign3A_1089 = arith.extui %sign3A_1088 : i1 to i32
        %sign3A_1090 = arith.constant 0 : i32
        %sign3A_1091 = arith.cmpi slt, %jit3A_1078, %sign3A_1090 : i32
        %sign3A_1092 = arith.extui %sign3A_1091 : i1 to i32
        %sign3A_1093 = arith.subi %sign3A_1089, %sign3A_1092 : i32
        %ne3A_1094 = arith.cmpi ne, %sign3A_1086, %sign3A_1093 : i32
        %rem3A_1095 = arith.remsi %reduce_max3A_1075, %jit3A_1078 : i32
        %ne3A_1096 = arith.constant 0 : i32
        %ne3A_1097 = arith.cmpi ne, %rem3A_1095, %ne3A_1096 : i32
        %and3A_1098 = arith.andi %ne3A_1094, %ne3A_1097 : i1
        %sub3A_1099 = arith.constant 1 : i32
        %sub3A_1100 = arith.subi %div3A_1079, %sub3A_1099 : i32
        %select_n3A_1101 = arith.select %and3A_1098, %sub3A_1100, %div3A_1079 : i32
        %add3A_1102 = arith.addi %mul3A_1077, %select_n3A_1101 : i32
        %mul3A_1103 = arith.constant 128 : i32
        %mul3A_1104 = arith.muli %add3A_1102, %mul3A_1103 : i32
        %jit3A_1105 = arith.constant 8 : i32
        %eq3A_1106 = arith.constant 0 : i32
        %eq3A_1107 = arith.cmpi eq, %jit3A_1105, %eq3A_1106 : i32
        %jit3A_1108 = arith.constant 1 : i32
        %select_n3A_1109 = arith.select %eq3A_1107, %jit3A_1108, %jit3A_1105 : i32
        %rem3A_1110 = arith.remsi %reduce_max3A_1075, %select_n3A_1109 : i32
        %ne3A_1111 = arith.constant 0 : i32
        %ne3A_1112 = arith.cmpi ne, %rem3A_1110, %ne3A_1111 : i32
        %lt3A_1113 = arith.constant 0 : i32
        %lt3A_1114 = arith.cmpi slt, %rem3A_1110, %lt3A_1113 : i32
        %lt3A_1115 = arith.constant 0 : i32
        %lt3A_1116 = arith.cmpi slt, %select_n3A_1109, %lt3A_1115 : i32
        %ne3A_1117 = arith.xori %lt3A_1114, %lt3A_1116 : i1
        %and3A_1118 = arith.andi %ne3A_1117, %ne3A_1112 : i1
        %add3A_1119 = arith.addi %rem3A_1110, %select_n3A_1109 : i32
        %select_n3A_1120 = arith.select %and3A_1118, %add3A_1119, %rem3A_1110 : i32
        %dma_start3A_1121 = arith.constant 0 : i32
        %dma_start3A_1122 = arith.constant 0 : i32
        %dma_start3A_1123 = arith.constant 0 : i32
        %dma_start3A_1124 = tpu.memref_slice %arg7[%dma_start3A_1121, %dma_start3A_1122, %dma_start3A_1123] : memref<2x128x128xf32, #tpu.memory_space<vmem>> -> memref<1x128x128xf32, #tpu.memory_space<vmem>>
        %dma_start3A_1125 = tpu.memref_squeeze %dma_start3A_1124 : memref<1x128x128xf32, #tpu.memory_space<vmem>> -> memref<128x128xf32, #tpu.memory_space<vmem>>
        %dma_start3A_1126 = arith.constant 0 : i32
        %dma_start3A_1127 = tpu.memref_slice %arg2[%mul3A_1104, %select_n3A_1120, %dma_start3A_1126] : memref<76800x8x128xf32, #tpu.memory_space<hbm>> -> memref<128x1x128xf32, #tpu.memory_space<hbm>>
        %dma_start3A_1128 = tpu.memref_squeeze %dma_start3A_1127 : memref<128x1x128xf32, #tpu.memory_space<hbm>> -> memref<128x128xf32, #tpu.memory_space<hbm>>
        %dma_start3A_1129 = arith.constant 0 : i32
        %dma_start3A_1130 = arith.constant 0 : i32
        %dma_start3A_1131 = tpu.memref_slice %arg7[%dma_start3A_1121, %dma_start3A_1129, %dma_start3A_1130] : memref<2x128x128xf32, #tpu.memory_space<vmem>> -> memref<1x128x128xf32, #tpu.memory_space<vmem>>
        %dma_start3A_1132 = tpu.memref_squeeze %dma_start3A_1131 : memref<1x128x128xf32, #tpu.memory_space<vmem>> -> memref<128x128xf32, #tpu.memory_space<vmem>>
        %dma_start3A_1133 = arith.constant 0 : i32
        %dma_start3A_1134 = tpu.memref_slice %arg2[%mul3A_1104, %select_n3A_1120, %dma_start3A_1133] : memref<76800x8x128xf32, #tpu.memory_space<hbm>> -> memref<128x1x128xf32, #tpu.memory_space<hbm>>
        %dma_start3A_1135 = tpu.memref_squeeze %dma_start3A_1134 : memref<128x1x128xf32, #tpu.memory_space<hbm>> -> memref<128x128xf32, #tpu.memory_space<hbm>>
        tpu.enqueue_dma source(%dma_start3A_1135 : memref<128x128xf32, #tpu.memory_space<hbm>>) target(%dma_start3A_1132 : memref<128x128xf32, #tpu.memory_space<vmem>>) target_semaphore(%arg12 : memref<!tpu.dma_semaphore, #tpu.memory_space<semaphore_mem>>)
      } else {
      }
      %add3A_715 = arith.constant 1 : i32
      %add3A_716 = arith.addi %mul3A_434, %add3A_715 : i32
      %jit3A_717 = arith.constant 2 : i32
      %div3A_718 = arith.divsi %add3A_716, %jit3A_717 : i32
      %sign3A_719 = arith.constant 0 : i32
      %sign3A_720 = arith.cmpi sgt, %add3A_716, %sign3A_719 : i32
      %sign3A_721 = arith.extui %sign3A_720 : i1 to i32
      %sign3A_722 = arith.constant 0 : i32
      %sign3A_723 = arith.cmpi slt, %add3A_716, %sign3A_722 : i32
      %sign3A_724 = arith.extui %sign3A_723 : i1 to i32
      %sign3A_725 = arith.subi %sign3A_721, %sign3A_724 : i32
      %sign3A_726 = arith.constant 0 : i32
      %sign3A_727 = arith.cmpi sgt, %jit3A_717, %sign3A_726 : i32
      %sign3A_728 = arith.extui %sign3A_727 : i1 to i32
      %sign3A_729 = arith.constant 0 : i32
      %sign3A_730 = arith.cmpi slt, %jit3A_717, %sign3A_729 : i32
      %sign3A_731 = arith.extui %sign3A_730 : i1 to i32
      %sign3A_732 = arith.subi %sign3A_728, %sign3A_731 : i32
      %ne3A_733 = arith.cmpi ne, %sign3A_725, %sign3A_732 : i32
      %rem3A_734 = arith.remsi %add3A_716, %jit3A_717 : i32
      %ne3A_735 = arith.constant 0 : i32
      %ne3A_736 = arith.cmpi ne, %rem3A_734, %ne3A_735 : i32
      %and3A_737 = arith.andi %ne3A_733, %ne3A_736 : i1
      %sub3A_738 = arith.constant 1 : i32
      %sub3A_739 = arith.subi %div3A_718, %sub3A_738 : i32
      %select_n3A_740 = arith.select %and3A_737, %sub3A_739, %div3A_718 : i32
      %mul3A_741 = arith.constant 32 : i32
      %mul3A_742 = arith.muli %select_n3A_740, %mul3A_741 : i32
      %add3A_743 = arith.addi %add3A, %mul3A_742 : i32
      %mul3A_744 = arith.constant 2 : i32
      %mul3A_745 = arith.muli %mul3A_744, %add3A_743 : i32
      %jit3A_746 = arith.constant 2 : i32
      %eq3A_747 = arith.constant 0 : i32
      %eq3A_748 = arith.cmpi eq, %jit3A_746, %eq3A_747 : i32
      %jit3A_749 = arith.constant 1 : i32
      %select_n3A_750 = arith.select %eq3A_748, %jit3A_749, %jit3A_746 : i32
      %rem3A_751 = arith.remsi %add3A_716, %select_n3A_750 : i32
      %ne3A_752 = arith.constant 0 : i32
      %ne3A_753 = arith.cmpi ne, %rem3A_751, %ne3A_752 : i32
      %lt3A_754 = arith.constant 0 : i32
      %lt3A_755 = arith.cmpi slt, %rem3A_751, %lt3A_754 : i32
      %lt3A_756 = arith.constant 0 : i32
      %lt3A_757 = arith.cmpi slt, %select_n3A_750, %lt3A_756 : i32
      %ne3A_758 = arith.xori %lt3A_755, %lt3A_757 : i1
      %and3A_759 = arith.andi %ne3A_758, %ne3A_753 : i1
      %add3A_760 = arith.addi %rem3A_751, %select_n3A_750 : i32
      %select_n3A_761 = arith.select %and3A_759, %add3A_760, %rem3A_751 : i32
      %add3A_762 = arith.addi %mul3A_745, %select_n3A_761 : i32
      %jit3A_763 = arith.constant 66 : i32
      %div3A_764 = arith.divsi %add3A_762, %jit3A_763 : i32
      %sign3A_765 = arith.constant 0 : i32
      %sign3A_766 = arith.cmpi sgt, %add3A_762, %sign3A_765 : i32
      %sign3A_767 = arith.extui %sign3A_766 : i1 to i32
      %sign3A_768 = arith.constant 0 : i32
      %sign3A_769 = arith.cmpi slt, %add3A_762, %sign3A_768 : i32
      %sign3A_770 = arith.extui %sign3A_769 : i1 to i32
      %sign3A_771 = arith.subi %sign3A_767, %sign3A_770 : i32
      %sign3A_772 = arith.constant 0 : i32
      %sign3A_773 = arith.cmpi sgt, %jit3A_763, %sign3A_772 : i32
      %sign3A_774 = arith.extui %sign3A_773 : i1 to i32
      %sign3A_775 = arith.constant 0 : i32
      %sign3A_776 = arith.cmpi slt, %jit3A_763, %sign3A_775 : i32
      %sign3A_777 = arith.extui %sign3A_776 : i1 to i32
      %sign3A_778 = arith.subi %sign3A_774, %sign3A_777 : i32
      %ne3A_779 = arith.cmpi ne, %sign3A_771, %sign3A_778 : i32
      %rem3A_780 = arith.remsi %add3A_762, %jit3A_763 : i32
      %ne3A_781 = arith.constant 0 : i32
      %ne3A_782 = arith.cmpi ne, %rem3A_780, %ne3A_781 : i32
      %and3A_783 = arith.andi %ne3A_779, %ne3A_782 : i1
      %sub3A_784 = arith.constant 1 : i32
      %sub3A_785 = arith.subi %div3A_764, %sub3A_784 : i32
      %select_n3A_786 = arith.select %and3A_783, %sub3A_785, %div3A_764 : i32
      %mul3A_787 = arith.constant 66 : i32
      %mul3A_788 = arith.muli %select_n3A_786, %mul3A_787 : i32
      %sub3A_789 = arith.subi %add3A_762, %mul3A_788 : i32
      %add3A_790 = vector.broadcast %sub3A_789 : i32 to vector<16xi32>
      %add3A_791 = arith.addi %mul3A_3, %add3A_790 : vector<16xi32>
      %gather3A_792 = tpu.vector_load_idx %arg11[%add3A_791] : memref<80xi32, #tpu.memory_space<vmem>>[vector<16xi32>], vector<16xi32>,
      %reduce_max3A_793 = arith.constant true
      %reduce_max3A_794 = vector.broadcast %reduce_max3A_793 : i1 to vector<16xi1>
      %reduce_max3A_795 = arith.constant -2147483648 : i32
      %reduce_max3A_796 = vector.broadcast %reduce_max3A_795 : i32 to vector<16xi32>
      %reduce_max3A_797 = arith.xori %gather3A_792, %reduce_max3A_796 : vector<16xi32>
      %reduce_max3A_798 = tpu.scan <max>, %reduce_max3A_797 masked %reduce_max3A_794 : vector<16xi32>, vector<16xi1> -> vector<16xi32>
      %reduce_max3A_799 = arith.xori %reduce_max3A_798, %reduce_max3A_796 : vector<16xi32>
      %reduce_max3A_800 = vector.extract %reduce_max3A_799[15] : i32 from vector<16xi32>
      %mul3A_801 = arith.constant 12 : i32
      %mul3A_802 = arith.muli %select_n3A_786, %mul3A_801 : i32
      %jit3A_803 = arith.constant 8 : i32
      %div3A_804 = arith.divsi %reduce_max3A_800, %jit3A_803 : i32
      %sign3A_805 = arith.constant 0 : i32
      %sign3A_806 = arith.cmpi sgt, %reduce_max3A_800, %sign3A_805 : i32
      %sign3A_807 = arith.extui %sign3A_806 : i1 to i32
      %sign3A_808 = arith.constant 0 : i32
      %sign3A_809 = arith.cmpi slt, %reduce_max3A_800, %sign3A_808 : i32
      %sign3A_810 = arith.extui %sign3A_809 : i1 to i32
      %sign3A_811 = arith.subi %sign3A_807, %sign3A_810 : i32
      %sign3A_812 = arith.constant 0 : i32
      %sign3A_813 = arith.cmpi sgt, %jit3A_803, %sign3A_812 : i32
      %sign3A_814 = arith.extui %sign3A_813 : i1 to i32
      %sign3A_815 = arith.constant 0 : i32
      %sign3A_816 = arith.cmpi slt, %jit3A_803, %sign3A_815 : i32
      %sign3A_817 = arith.extui %sign3A_816 : i1 to i32
      %sign3A_818 = arith.subi %sign3A_814, %sign3A_817 : i32
      %ne3A_819 = arith.cmpi ne, %sign3A_811, %sign3A_818 : i32
      %rem3A_820 = arith.remsi %reduce_max3A_800, %jit3A_803 : i32
      %ne3A_821 = arith.constant 0 : i32
      %ne3A_822 = arith.cmpi ne, %rem3A_820, %ne3A_821 : i32
      %and3A_823 = arith.andi %ne3A_819, %ne3A_822 : i1
      %sub3A_824 = arith.constant 1 : i32
      %sub3A_825 = arith.subi %div3A_804, %sub3A_824 : i32
      %select_n3A_826 = arith.select %and3A_823, %sub3A_825, %div3A_804 : i32
      %add3A_827 = arith.addi %mul3A_802, %select_n3A_826 : i32
      %mul3A_828 = arith.constant 128 : i32
      %mul3A_829 = arith.muli %add3A_827, %mul3A_828 : i32
      %jit3A_830 = arith.constant 8 : i32
      %eq3A_831 = arith.constant 0 : i32
      %eq3A_832 = arith.cmpi eq, %jit3A_830, %eq3A_831 : i32
      %jit3A_833 = arith.constant 1 : i32
      %select_n3A_834 = arith.select %eq3A_832, %jit3A_833, %jit3A_830 : i32
      %rem3A_835 = arith.remsi %reduce_max3A_800, %select_n3A_834 : i32
      %ne3A_836 = arith.constant 0 : i32
      %ne3A_837 = arith.cmpi ne, %rem3A_835, %ne3A_836 : i32
      %lt3A_838 = arith.constant 0 : i32
      %lt3A_839 = arith.cmpi slt, %rem3A_835, %lt3A_838 : i32
      %lt3A_840 = arith.constant 0 : i32
      %lt3A_841 = arith.cmpi slt, %select_n3A_834, %lt3A_840 : i32
      %ne3A_842 = arith.xori %lt3A_839, %lt3A_841 : i1
      %and3A_843 = arith.andi %ne3A_842, %ne3A_837 : i1
      %add3A_844 = arith.addi %rem3A_835, %select_n3A_834 : i32
      %select_n3A_845 = arith.select %and3A_843, %add3A_844, %rem3A_835 : i32
      %dma_wait3A_846 = arith.constant 1 : i32
      %dma_wait3A_847 = arith.constant 0 : i32
      %dma_wait3A_848 = arith.constant 0 : i32
      %dma_wait3A_849 = tpu.memref_slice %arg7[%dma_wait3A_846, %dma_wait3A_847, %dma_wait3A_848] : memref<2x128x128xf32, #tpu.memory_space<vmem>> -> memref<1x128x128xf32, #tpu.memory_space<vmem>>
      %dma_wait3A_850 = tpu.memref_squeeze %dma_wait3A_849 : memref<1x128x128xf32, #tpu.memory_space<vmem>> -> memref<128x128xf32, #tpu.memory_space<vmem>>
      %dma_wait3A_851 = arith.constant 0 : i32
      %dma_wait3A_852 = tpu.memref_slice %arg2[%mul3A_829, %select_n3A_845, %dma_wait3A_851] : memref<76800x8x128xf32, #tpu.memory_space<hbm>> -> memref<128x1x128xf32, #tpu.memory_space<hbm>>
      %dma_wait3A_853 = tpu.memref_squeeze %dma_wait3A_852 : memref<128x1x128xf32, #tpu.memory_space<hbm>> -> memref<128x128xf32, #tpu.memory_space<hbm>>
      %dma_wait3A_854 = arith.constant 0 : i32
      %dma_wait3A_855 = arith.constant 0 : i32
      %dma_wait3A_856 = tpu.memref_slice %arg7[%dma_wait3A_846, %dma_wait3A_854, %dma_wait3A_855] : memref<2x128x128xf32, #tpu.memory_space<vmem>> -> memref<1x128x128xf32, #tpu.memory_space<vmem>>
      %dma_wait3A_857 = tpu.memref_squeeze %dma_wait3A_856 : memref<1x128x128xf32, #tpu.memory_space<vmem>> -> memref<128x128xf32, #tpu.memory_space<vmem>>
      %dma_wait3A_858 = arith.constant 0 : i32
      %dma_wait3A_859 = tpu.memref_slice %arg2[%mul3A_829, %select_n3A_845, %dma_wait3A_858] : memref<76800x8x128xf32, #tpu.memory_space<hbm>> -> memref<128x1x128xf32, #tpu.memory_space<hbm>>
      %dma_wait3A_860 = tpu.memref_squeeze %dma_wait3A_859 : memref<128x1x128xf32, #tpu.memory_space<hbm>> -> memref<128x128xf32, #tpu.memory_space<hbm>>
      tpu.wait_dma2 semaphore(%arg13 : memref<!tpu.dma_semaphore, #tpu.memory_space<semaphore_mem>>) src(%dma_wait3A_860 : memref<128x128xf32, #tpu.memory_space<hbm>>) dst(%dma_wait3A_857 : memref<128x128xf32, #tpu.memory_space<vmem>>)
      %jit3A_861 = arith.constant 66 : i32
      %div3A_862 = arith.divsi %add3A_762, %jit3A_861 : i32
      %sign3A_863 = arith.constant 0 : i32
      %sign3A_864 = arith.cmpi sgt, %add3A_762, %sign3A_863 : i32
      %sign3A_865 = arith.extui %sign3A_864 : i1 to i32
      %sign3A_866 = arith.constant 0 : i32
      %sign3A_867 = arith.cmpi slt, %add3A_762, %sign3A_866 : i32
      %sign3A_868 = arith.extui %sign3A_867 : i1 to i32
      %sign3A_869 = arith.subi %sign3A_865, %sign3A_868 : i32
      %sign3A_870 = arith.constant 0 : i32
      %sign3A_871 = arith.cmpi sgt, %jit3A_861, %sign3A_870 : i32
      %sign3A_872 = arith.extui %sign3A_871 : i1 to i32
      %sign3A_873 = arith.constant 0 : i32
      %sign3A_874 = arith.cmpi slt, %jit3A_861, %sign3A_873 : i32
      %sign3A_875 = arith.extui %sign3A_874 : i1 to i32
      %sign3A_876 = arith.subi %sign3A_872, %sign3A_875 : i32
      %ne3A_877 = arith.cmpi ne, %sign3A_869, %sign3A_876 : i32
      %rem3A_878 = arith.remsi %add3A_762, %jit3A_861 : i32
      %ne3A_879 = arith.constant 0 : i32
      %ne3A_880 = arith.cmpi ne, %rem3A_878, %ne3A_879 : i32
      %and3A_881 = arith.andi %ne3A_877, %ne3A_880 : i1
      %sub3A_882 = arith.constant 1 : i32
      %sub3A_883 = arith.subi %div3A_862, %sub3A_882 : i32
      %select_n3A_884 = arith.select %and3A_881, %sub3A_883, %div3A_862 : i32
      %mul3A_885 = arith.constant 66 : i32
      %mul3A_886 = arith.muli %select_n3A_884, %mul3A_885 : i32
      %sub3A_887 = arith.subi %add3A_762, %mul3A_886 : i32
      %add3A_888 = vector.broadcast %sub3A_887 : i32 to vector<16xi32>
      %add3A_889 = arith.addi %mul3A_3, %add3A_888 : vector<16xi32>
      %gather3A_890 = tpu.vector_load_idx %arg9[%add3A_889] : memref<80xf32, #tpu.memory_space<vmem>>[vector<16xi32>], vector<16xf32>,
      %add3A_891 = vector.broadcast %sub3A_887 : i32 to vector<16xi32>
      %add3A_892 = arith.addi %mul3A_3, %add3A_891 : vector<16xi32>
      %gather3A_893 = tpu.vector_load_idx %arg10[%add3A_892] : memref<80xf32, #tpu.memory_space<vmem>>[vector<16xi32>], vector<16xf32>,
      %ge3A_894 = arith.constant 1 : i32
      %ge3A_895 = arith.cmpi sge, %while3A_431, %ge3A_894 : i32
      %convert_element_type3A_896 = arith.extui %ge3A_895 : i1 to i32
      %cond3A_897 = arith.constant 0 : i32
      %cond3A_898 = arith.cmpi ne, %convert_element_type3A_896, %cond3A_897 : i32
      scf.if %cond3A_898 {
        %sub3A_990 = arith.constant 2 : i32
        %sub3A_991 = arith.subi %add3A_716, %sub3A_990 : i32
        %jit3A_992 = arith.constant 2 : i32
        %div3A_993 = arith.divsi %sub3A_991, %jit3A_992 : i32
        %sign3A_994 = arith.constant 0 : i32
        %sign3A_995 = arith.cmpi sgt, %sub3A_991, %sign3A_994 : i32
        %sign3A_996 = arith.extui %sign3A_995 : i1 to i32
        %sign3A_997 = arith.constant 0 : i32
        %sign3A_998 = arith.cmpi slt, %sub3A_991, %sign3A_997 : i32
        %sign3A_999 = arith.extui %sign3A_998 : i1 to i32
        %sign3A_1000 = arith.subi %sign3A_996, %sign3A_999 : i32
        %sign3A_1001 = arith.constant 0 : i32
        %sign3A_1002 = arith.cmpi sgt, %jit3A_992, %sign3A_1001 : i32
        %sign3A_1003 = arith.extui %sign3A_1002 : i1 to i32
        %sign3A_1004 = arith.constant 0 : i32
        %sign3A_1005 = arith.cmpi slt, %jit3A_992, %sign3A_1004 : i32
        %sign3A_1006 = arith.extui %sign3A_1005 : i1 to i32
        %sign3A_1007 = arith.subi %sign3A_1003, %sign3A_1006 : i32
        %ne3A_1008 = arith.cmpi ne, %sign3A_1000, %sign3A_1007 : i32
        %rem3A_1009 = arith.remsi %sub3A_991, %jit3A_992 : i32
        %ne3A_1010 = arith.constant 0 : i32
        %ne3A_1011 = arith.cmpi ne, %rem3A_1009, %ne3A_1010 : i32
        %and3A_1012 = arith.andi %ne3A_1008, %ne3A_1011 : i1
        %sub3A_1013 = arith.constant 1 : i32
        %sub3A_1014 = arith.subi %div3A_993, %sub3A_1013 : i32
        %select_n3A_1015 = arith.select %and3A_1012, %sub3A_1014, %div3A_993 : i32
        %mul3A_1016 = arith.constant 32 : i32
        %mul3A_1017 = arith.muli %select_n3A_1015, %mul3A_1016 : i32
        %add3A_1018 = arith.addi %add3A, %mul3A_1017 : i32
        %mul3A_1019 = arith.constant 2 : i32
        %mul3A_1020 = arith.muli %mul3A_1019, %add3A_1018 : i32
        %jit3A_1021 = arith.constant 2 : i32
        %eq3A_1022 = arith.constant 0 : i32
        %eq3A_1023 = arith.cmpi eq, %jit3A_1021, %eq3A_1022 : i32
        %jit3A_1024 = arith.constant 1 : i32
        %select_n3A_1025 = arith.select %eq3A_1023, %jit3A_1024, %jit3A_1021 : i32
        %rem3A_1026 = arith.remsi %sub3A_991, %select_n3A_1025 : i32
        %ne3A_1027 = arith.constant 0 : i32
        %ne3A_1028 = arith.cmpi ne, %rem3A_1026, %ne3A_1027 : i32
        %lt3A_1029 = arith.constant 0 : i32
        %lt3A_1030 = arith.cmpi slt, %rem3A_1026, %lt3A_1029 : i32
        %lt3A_1031 = arith.constant 0 : i32
        %lt3A_1032 = arith.cmpi slt, %select_n3A_1025, %lt3A_1031 : i32
        %ne3A_1033 = arith.xori %lt3A_1030, %lt3A_1032 : i1
        %and3A_1034 = arith.andi %ne3A_1033, %ne3A_1028 : i1
        %add3A_1035 = arith.addi %rem3A_1026, %select_n3A_1025 : i32
        %select_n3A_1036 = arith.select %and3A_1034, %add3A_1035, %rem3A_1026 : i32
        %add3A_1037 = arith.addi %mul3A_1020, %select_n3A_1036 : i32
        %jit3A_1038 = arith.constant 66 : i32
        %div3A_1039 = arith.divsi %add3A_1037, %jit3A_1038 : i32
        %sign3A_1040 = arith.constant 0 : i32
        %sign3A_1041 = arith.cmpi sgt, %add3A_1037, %sign3A_1040 : i32
        %sign3A_1042 = arith.extui %sign3A_1041 : i1 to i32
        %sign3A_1043 = arith.constant 0 : i32
        %sign3A_1044 = arith.cmpi slt, %add3A_1037, %sign3A_1043 : i32
        %sign3A_1045 = arith.extui %sign3A_1044 : i1 to i32
        %sign3A_1046 = arith.subi %sign3A_1042, %sign3A_1045 : i32
        %sign3A_1047 = arith.constant 0 : i32
        %sign3A_1048 = arith.cmpi sgt, %jit3A_1038, %sign3A_1047 : i32
        %sign3A_1049 = arith.extui %sign3A_1048 : i1 to i32
        %sign3A_1050 = arith.constant 0 : i32
        %sign3A_1051 = arith.cmpi slt, %jit3A_1038, %sign3A_1050 : i32
        %sign3A_1052 = arith.extui %sign3A_1051 : i1 to i32
        %sign3A_1053 = arith.subi %sign3A_1049, %sign3A_1052 : i32
        %ne3A_1054 = arith.cmpi ne, %sign3A_1046, %sign3A_1053 : i32
        %rem3A_1055 = arith.remsi %add3A_1037, %jit3A_1038 : i32
        %ne3A_1056 = arith.constant 0 : i32
        %ne3A_1057 = arith.cmpi ne, %rem3A_1055, %ne3A_1056 : i32
        %and3A_1058 = arith.andi %ne3A_1054, %ne3A_1057 : i1
        %sub3A_1059 = arith.constant 1 : i32
        %sub3A_1060 = arith.subi %div3A_1039, %sub3A_1059 : i32
        %select_n3A_1061 = arith.select %and3A_1058, %sub3A_1060, %div3A_1039 : i32
        %mul3A_1062 = arith.constant 66 : i32
        %mul3A_1063 = arith.muli %select_n3A_1061, %mul3A_1062 : i32
        %sub3A_1064 = arith.subi %add3A_1037, %mul3A_1063 : i32
        %mul3A_1065 = arith.constant 9 : i32
        %mul3A_1066 = arith.muli %select_n3A_1061, %mul3A_1065 : i32
        %jit3A_1067 = arith.constant 8 : i32
        %div3A_1068 = arith.divsi %sub3A_1064, %jit3A_1067 : i32
        %sign3A_1069 = arith.constant 0 : i32
        %sign3A_1070 = arith.cmpi sgt, %sub3A_1064, %sign3A_1069 : i32
        %sign3A_1071 = arith.extui %sign3A_1070 : i1 to i32
        %sign3A_1072 = arith.constant 0 : i32
        %sign3A_1073 = arith.cmpi slt, %sub3A_1064, %sign3A_1072 : i32
        %sign3A_1074 = arith.extui %sign3A_1073 : i1 to i32
        %sign3A_1075 = arith.subi %sign3A_1071, %sign3A_1074 : i32
        %sign3A_1076 = arith.constant 0 : i32
        %sign3A_1077 = arith.cmpi sgt, %jit3A_1067, %sign3A_1076 : i32
        %sign3A_1078 = arith.extui %sign3A_1077 : i1 to i32
        %sign3A_1079 = arith.constant 0 : i32
        %sign3A_1080 = arith.cmpi slt, %jit3A_1067, %sign3A_1079 : i32
        %sign3A_1081 = arith.extui %sign3A_1080 : i1 to i32
        %sign3A_1082 = arith.subi %sign3A_1078, %sign3A_1081 : i32
        %ne3A_1083 = arith.cmpi ne, %sign3A_1075, %sign3A_1082 : i32
        %rem3A_1084 = arith.remsi %sub3A_1064, %jit3A_1067 : i32
        %ne3A_1085 = arith.constant 0 : i32
        %ne3A_1086 = arith.cmpi ne, %rem3A_1084, %ne3A_1085 : i32
        %and3A_1087 = arith.andi %ne3A_1083, %ne3A_1086 : i1
        %sub3A_1088 = arith.constant 1 : i32
        %sub3A_1089 = arith.subi %div3A_1068, %sub3A_1088 : i32
        %select_n3A_1090 = arith.select %and3A_1087, %sub3A_1089, %div3A_1068 : i32
        %add3A_1091 = arith.addi %mul3A_1066, %select_n3A_1090 : i32
        %mul3A_1092 = arith.constant 128 : i32
        %mul3A_1093 = arith.muli %add3A_1091, %mul3A_1092 : i32
        %jit3A_1094 = arith.constant 8 : i32
        %eq3A_1095 = arith.constant 0 : i32
        %eq3A_1096 = arith.cmpi eq, %jit3A_1094, %eq3A_1095 : i32
        %jit3A_1097 = arith.constant 1 : i32
        %select_n3A_1098 = arith.select %eq3A_1096, %jit3A_1097, %jit3A_1094 : i32
        %rem3A_1099 = arith.remsi %sub3A_1064, %select_n3A_1098 : i32
        %ne3A_1100 = arith.constant 0 : i32
        %ne3A_1101 = arith.cmpi ne, %rem3A_1099, %ne3A_1100 : i32
        %lt3A_1102 = arith.constant 0 : i32
        %lt3A_1103 = arith.cmpi slt, %rem3A_1099, %lt3A_1102 : i32
        %lt3A_1104 = arith.constant 0 : i32
        %lt3A_1105 = arith.cmpi slt, %select_n3A_1098, %lt3A_1104 : i32
        %ne3A_1106 = arith.xori %lt3A_1103, %lt3A_1105 : i1
        %and3A_1107 = arith.andi %ne3A_1106, %ne3A_1101 : i1
        %add3A_1108 = arith.addi %rem3A_1099, %select_n3A_1098 : i32
        %select_n3A_1109 = arith.select %and3A_1107, %add3A_1108, %rem3A_1099 : i32
        %dma_wait3A_1110 = arith.constant 1 : i32
        %dma_wait3A_1111 = arith.constant 0 : i32
        %dma_wait3A_1112 = arith.constant 0 : i32
        %dma_wait3A_1113 = tpu.memref_slice %arg8[%dma_wait3A_1110, %dma_wait3A_1111, %dma_wait3A_1112] : memref<2x128x128xf32, #tpu.memory_space<vmem>> -> memref<1x128x128xf32, #tpu.memory_space<vmem>>
        %dma_wait3A_1114 = tpu.memref_squeeze %dma_wait3A_1113 : memref<1x128x128xf32, #tpu.memory_space<vmem>> -> memref<128x128xf32, #tpu.memory_space<vmem>>
        %dma_wait3A_1115 = arith.constant 0 : i32
        %dma_wait3A_1116 = tpu.memref_slice %arg6[%mul3A_1093, %select_n3A_1109, %dma_wait3A_1115] : memref<57600x8x128xf32, #tpu.memory_space<hbm>> -> memref<128x1x128xf32, #tpu.memory_space<hbm>>
        %dma_wait3A_1117 = tpu.memref_squeeze %dma_wait3A_1116 : memref<128x1x128xf32, #tpu.memory_space<hbm>> -> memref<128x128xf32, #tpu.memory_space<hbm>>
        %dma_wait3A_1118 = arith.constant 0 : i32
        %dma_wait3A_1119 = tpu.memref_slice %arg6[%mul3A_1093, %select_n3A_1109, %dma_wait3A_1118] : memref<57600x8x128xf32, #tpu.memory_space<hbm>> -> memref<128x1x128xf32, #tpu.memory_space<hbm>>
        %dma_wait3A_1120 = tpu.memref_squeeze %dma_wait3A_1119 : memref<128x1x128xf32, #tpu.memory_space<hbm>> -> memref<128x128xf32, #tpu.memory_space<hbm>>
        %dma_wait3A_1121 = arith.constant 0 : i32
        %dma_wait3A_1122 = arith.constant 0 : i32
        %dma_wait3A_1123 = tpu.memref_slice %arg8[%dma_wait3A_1110, %dma_wait3A_1121, %dma_wait3A_1122] : memref<2x128x128xf32, #tpu.memory_space<vmem>> -> memref<1x128x128xf32, #tpu.memory_space<vmem>>
        %dma_wait3A_1124 = tpu.memref_squeeze %dma_wait3A_1123 : memref<1x128x128xf32, #tpu.memory_space<vmem>> -> memref<128x128xf32, #tpu.memory_space<vmem>>
        tpu.wait_dma2 semaphore(%arg15 : memref<!tpu.dma_semaphore, #tpu.memory_space<semaphore_mem>>) src(%dma_wait3A_1124 : memref<128x128xf32, #tpu.memory_space<vmem>>) dst(%dma_wait3A_1120 : memref<128x128xf32, #tpu.memory_space<hbm>>)
      } else {
      }
      %parallel_loop3A_899 = arith.constant 0 : i32
      %parallel_loop3A_900 = arith.constant 128 : i32
      %parallel_loop3A_901 = arith.constant 1 : i32
      scf.for %parallel_loop3A_990 = %parallel_loop3A_899 to %parallel_loop3A_900 step %parallel_loop3A_901  : i32 {
        %parallel_loop3A_991 = arith.constant 1 : i32
        %parallel_loop3A_992 = arith.index_cast %parallel_loop3A_991 : i32 to index
        %parallel_loop3A_993 = arith.index_cast %parallel_loop3A_990 : i32 to index
        %parallel_loop3A_994 = arith.constant 0 : index
        %parallel_loop3A_995 = tpu.vector_load %arg7[%parallel_loop3A_992, %parallel_loop3A_993, %parallel_loop3A_994] {strides = array<i32>} : memref<2x128x128xf32, #tpu.memory_space<vmem>>, vector<16xf32>,
        %parallel_loop3A_996 = arith.subf %parallel_loop3A_995, %gather3A_890 : vector<16xf32>
        %parallel_loop3A_997 = arith.mulf %parallel_loop3A_996, %gather3A_893 : vector<16xf32>
        %parallel_loop3A_998 = arith.constant 1 : i32
        %parallel_loop3A_999 = arith.index_cast %parallel_loop3A_998 : i32 to index
        %parallel_loop3A_1000 = arith.index_cast %parallel_loop3A_990 : i32 to index
        %parallel_loop3A_1001 = arith.constant 0 : index
        %parallel_loop3A_1002 = tpu.vector_load %arg8[%parallel_loop3A_999, %parallel_loop3A_1000, %parallel_loop3A_1001] {strides = array<i32>} : memref<2x128x128xf32, #tpu.memory_space<vmem>>, vector<16xf32>,
        tpu.vector_store %arg8[%parallel_loop3A_999, %parallel_loop3A_1000, %parallel_loop3A_1001], %parallel_loop3A_997 {strides = array<i32>} : memref<2x128x128xf32, #tpu.memory_space<vmem>>, vector<16xf32>,
        %parallel_loop3A_1003 = arith.constant 1 : i32
        %parallel_loop3A_1004 = arith.index_cast %parallel_loop3A_1003 : i32 to index
        %parallel_loop3A_1005 = arith.index_cast %parallel_loop3A_990 : i32 to index
        %parallel_loop3A_1006 = arith.constant 16 : index
        %parallel_loop3A_1007 = tpu.vector_load %arg7[%parallel_loop3A_1004, %parallel_loop3A_1005, %parallel_loop3A_1006] {strides = array<i32>} : memref<2x128x128xf32, #tpu.memory_space<vmem>>, vector<16xf32>,
        %parallel_loop3A_1008 = arith.subf %parallel_loop3A_1007, %gather3A_890 : vector<16xf32>
        %parallel_loop3A_1009 = arith.mulf %parallel_loop3A_1008, %gather3A_893 : vector<16xf32>
        %parallel_loop3A_1010 = arith.constant 1 : i32
        %parallel_loop3A_1011 = arith.index_cast %parallel_loop3A_1010 : i32 to index
        %parallel_loop3A_1012 = arith.index_cast %parallel_loop3A_990 : i32 to index
        %parallel_loop3A_1013 = arith.constant 16 : index
        %parallel_loop3A_1014 = tpu.vector_load %arg8[%parallel_loop3A_1011, %parallel_loop3A_1012, %parallel_loop3A_1013] {strides = array<i32>} : memref<2x128x128xf32, #tpu.memory_space<vmem>>, vector<16xf32>,
        tpu.vector_store %arg8[%parallel_loop3A_1011, %parallel_loop3A_1012, %parallel_loop3A_1013], %parallel_loop3A_1009 {strides = array<i32>} : memref<2x128x128xf32, #tpu.memory_space<vmem>>, vector<16xf32>,
        %parallel_loop3A_1015 = arith.constant 1 : i32
        %parallel_loop3A_1016 = arith.index_cast %parallel_loop3A_1015 : i32 to index
        %parallel_loop3A_1017 = arith.index_cast %parallel_loop3A_990 : i32 to index
        %parallel_loop3A_1018 = arith.constant 32 : index
        %parallel_loop3A_1019 = tpu.vector_load %arg7[%parallel_loop3A_1016, %parallel_loop3A_1017, %parallel_loop3A_1018] {strides = array<i32>} : memref<2x128x128xf32, #tpu.memory_space<vmem>>, vector<16xf32>,
        %parallel_loop3A_1020 = arith.subf %parallel_loop3A_1019, %gather3A_890 : vector<16xf32>
        %parallel_loop3A_1021 = arith.mulf %parallel_loop3A_1020, %gather3A_893 : vector<16xf32>
        %parallel_loop3A_1022 = arith.constant 1 : i32
        %parallel_loop3A_1023 = arith.index_cast %parallel_loop3A_1022 : i32 to index
        %parallel_loop3A_1024 = arith.index_cast %parallel_loop3A_990 : i32 to index
        %parallel_loop3A_1025 = arith.constant 32 : index
        %parallel_loop3A_1026 = tpu.vector_load %arg8[%parallel_loop3A_1023, %parallel_loop3A_1024, %parallel_loop3A_1025] {strides = array<i32>} : memref<2x128x128xf32, #tpu.memory_space<vmem>>, vector<16xf32>,
        tpu.vector_store %arg8[%parallel_loop3A_1023, %parallel_loop3A_1024, %parallel_loop3A_1025], %parallel_loop3A_1021 {strides = array<i32>} : memref<2x128x128xf32, #tpu.memory_space<vmem>>, vector<16xf32>,
        %parallel_loop3A_1027 = arith.constant 1 : i32
        %parallel_loop3A_1028 = arith.index_cast %parallel_loop3A_1027 : i32 to index
        %parallel_loop3A_1029 = arith.index_cast %parallel_loop3A_990 : i32 to index
        %parallel_loop3A_1030 = arith.constant 48 : index
        %parallel_loop3A_1031 = tpu.vector_load %arg7[%parallel_loop3A_1028, %parallel_loop3A_1029, %parallel_loop3A_1030] {strides = array<i32>} : memref<2x128x128xf32, #tpu.memory_space<vmem>>, vector<16xf32>,
        %parallel_loop3A_1032 = arith.subf %parallel_loop3A_1031, %gather3A_890 : vector<16xf32>
        %parallel_loop3A_1033 = arith.mulf %parallel_loop3A_1032, %gather3A_893 : vector<16xf32>
        %parallel_loop3A_1034 = arith.constant 1 : i32
        %parallel_loop3A_1035 = arith.index_cast %parallel_loop3A_1034 : i32 to index
        %parallel_loop3A_1036 = arith.index_cast %parallel_loop3A_990 : i32 to index
        %parallel_loop3A_1037 = arith.constant 48 : index
        %parallel_loop3A_1038 = tpu.vector_load %arg8[%parallel_loop3A_1035, %parallel_loop3A_1036, %parallel_loop3A_1037] {strides = array<i32>} : memref<2x128x128xf32, #tpu.memory_space<vmem>>, vector<16xf32>,
        tpu.vector_store %arg8[%parallel_loop3A_1035, %parallel_loop3A_1036, %parallel_loop3A_1037], %parallel_loop3A_1033 {strides = array<i32>} : memref<2x128x128xf32, #tpu.memory_space<vmem>>, vector<16xf32>,
        %parallel_loop3A_1039 = arith.constant 1 : i32
        %parallel_loop3A_1040 = arith.index_cast %parallel_loop3A_1039 : i32 to index
        %parallel_loop3A_1041 = arith.index_cast %parallel_loop3A_990 : i32 to index
        %parallel_loop3A_1042 = arith.constant 64 : index
        %parallel_loop3A_1043 = tpu.vector_load %arg7[%parallel_loop3A_1040, %parallel_loop3A_1041, %parallel_loop3A_1042] {strides = array<i32>} : memref<2x128x128xf32, #tpu.memory_space<vmem>>, vector<16xf32>,
        %parallel_loop3A_1044 = arith.subf %parallel_loop3A_1043, %gather3A_890 : vector<16xf32>
        %parallel_loop3A_1045 = arith.mulf %parallel_loop3A_1044, %gather3A_893 : vector<16xf32>
        %parallel_loop3A_1046 = arith.constant 1 : i32
        %parallel_loop3A_1047 = arith.index_cast %parallel_loop3A_1046 : i32 to index
        %parallel_loop3A_1048 = arith.index_cast %parallel_loop3A_990 : i32 to index
        %parallel_loop3A_1049 = arith.constant 64 : index
        %parallel_loop3A_1050 = tpu.vector_load %arg8[%parallel_loop3A_1047, %parallel_loop3A_1048, %parallel_loop3A_1049] {strides = array<i32>} : memref<2x128x128xf32, #tpu.memory_space<vmem>>, vector<16xf32>,
        tpu.vector_store %arg8[%parallel_loop3A_1047, %parallel_loop3A_1048, %parallel_loop3A_1049], %parallel_loop3A_1045 {strides = array<i32>} : memref<2x128x128xf32, #tpu.memory_space<vmem>>, vector<16xf32>,
        %parallel_loop3A_1051 = arith.constant 1 : i32
        %parallel_loop3A_1052 = arith.index_cast %parallel_loop3A_1051 : i32 to index
        %parallel_loop3A_1053 = arith.index_cast %parallel_loop3A_990 : i32 to index
        %parallel_loop3A_1054 = arith.constant 80 : index
        %parallel_loop3A_1055 = tpu.vector_load %arg7[%parallel_loop3A_1052, %parallel_loop3A_1053, %parallel_loop3A_1054] {strides = array<i32>} : memref<2x128x128xf32, #tpu.memory_space<vmem>>, vector<16xf32>,
        %parallel_loop3A_1056 = arith.subf %parallel_loop3A_1055, %gather3A_890 : vector<16xf32>
        %parallel_loop3A_1057 = arith.mulf %parallel_loop3A_1056, %gather3A_893 : vector<16xf32>
        %parallel_loop3A_1058 = arith.constant 1 : i32
        %parallel_loop3A_1059 = arith.index_cast %parallel_loop3A_1058 : i32 to index
        %parallel_loop3A_1060 = arith.index_cast %parallel_loop3A_990 : i32 to index
        %parallel_loop3A_1061 = arith.constant 80 : index
        %parallel_loop3A_1062 = tpu.vector_load %arg8[%parallel_loop3A_1059, %parallel_loop3A_1060, %parallel_loop3A_1061] {strides = array<i32>} : memref<2x128x128xf32, #tpu.memory_space<vmem>>, vector<16xf32>,
        tpu.vector_store %arg8[%parallel_loop3A_1059, %parallel_loop3A_1060, %parallel_loop3A_1061], %parallel_loop3A_1057 {strides = array<i32>} : memref<2x128x128xf32, #tpu.memory_space<vmem>>, vector<16xf32>,
        %parallel_loop3A_1063 = arith.constant 1 : i32
        %parallel_loop3A_1064 = arith.index_cast %parallel_loop3A_1063 : i32 to index
        %parallel_loop3A_1065 = arith.index_cast %parallel_loop3A_990 : i32 to index
        %parallel_loop3A_1066 = arith.constant 96 : index
        %parallel_loop3A_1067 = tpu.vector_load %arg7[%parallel_loop3A_1064, %parallel_loop3A_1065, %parallel_loop3A_1066] {strides = array<i32>} : memref<2x128x128xf32, #tpu.memory_space<vmem>>, vector<16xf32>,
        %parallel_loop3A_1068 = arith.subf %parallel_loop3A_1067, %gather3A_890 : vector<16xf32>
        %parallel_loop3A_1069 = arith.mulf %parallel_loop3A_1068, %gather3A_893 : vector<16xf32>
        %parallel_loop3A_1070 = arith.constant 1 : i32
        %parallel_loop3A_1071 = arith.index_cast %parallel_loop3A_1070 : i32 to index
        %parallel_loop3A_1072 = arith.index_cast %parallel_loop3A_990 : i32 to index
        %parallel_loop3A_1073 = arith.constant 96 : index
        %parallel_loop3A_1074 = tpu.vector_load %arg8[%parallel_loop3A_1071, %parallel_loop3A_1072, %parallel_loop3A_1073] {strides = array<i32>} : memref<2x128x128xf32, #tpu.memory_space<vmem>>, vector<16xf32>,
        tpu.vector_store %arg8[%parallel_loop3A_1071, %parallel_loop3A_1072, %parallel_loop3A_1073], %parallel_loop3A_1069 {strides = array<i32>} : memref<2x128x128xf32, #tpu.memory_space<vmem>>, vector<16xf32>,
        %parallel_loop3A_1075 = arith.constant 1 : i32
        %parallel_loop3A_1076 = arith.index_cast %parallel_loop3A_1075 : i32 to index
        %parallel_loop3A_1077 = arith.index_cast %parallel_loop3A_990 : i32 to index
        %parallel_loop3A_1078 = arith.constant 112 : index
        %parallel_loop3A_1079 = tpu.vector_load %arg7[%parallel_loop3A_1076, %parallel_loop3A_1077, %parallel_loop3A_1078] {strides = array<i32>} : memref<2x128x128xf32, #tpu.memory_space<vmem>>, vector<16xf32>,
        %parallel_loop3A_1080 = arith.subf %parallel_loop3A_1079, %gather3A_890 : vector<16xf32>
        %parallel_loop3A_1081 = arith.mulf %parallel_loop3A_1080, %gather3A_893 : vector<16xf32>
        %parallel_loop3A_1082 = arith.constant 1 : i32
        %parallel_loop3A_1083 = arith.index_cast %parallel_loop3A_1082 : i32 to index
        %parallel_loop3A_1084 = arith.index_cast %parallel_loop3A_990 : i32 to index
        %parallel_loop3A_1085 = arith.constant 112 : index
        %parallel_loop3A_1086 = tpu.vector_load %arg8[%parallel_loop3A_1083, %parallel_loop3A_1084, %parallel_loop3A_1085] {strides = array<i32>} : memref<2x128x128xf32, #tpu.memory_space<vmem>>, vector<16xf32>,
        tpu.vector_store %arg8[%parallel_loop3A_1083, %parallel_loop3A_1084, %parallel_loop3A_1085], %parallel_loop3A_1081 {strides = array<i32>} : memref<2x128x128xf32, #tpu.memory_space<vmem>>, vector<16xf32>,
      } {sc.loop_unroll_factor = 2 : i64, sc.parallel_access}
      %jit3A_902 = arith.constant 66 : i32
      %div3A_903 = arith.divsi %add3A_762, %jit3A_902 : i32
      %sign3A_904 = arith.constant 0 : i32
      %sign3A_905 = arith.cmpi sgt, %add3A_762, %sign3A_904 : i32
      %sign3A_906 = arith.extui %sign3A_905 : i1 to i32
      %sign3A_907 = arith.constant 0 : i32
      %sign3A_908 = arith.cmpi slt, %add3A_762, %sign3A_907 : i32
      %sign3A_909 = arith.extui %sign3A_908 : i1 to i32
      %sign3A_910 = arith.subi %sign3A_906, %sign3A_909 : i32
      %sign3A_911 = arith.constant 0 : i32
      %sign3A_912 = arith.cmpi sgt, %jit3A_902, %sign3A_911 : i32
      %sign3A_913 = arith.extui %sign3A_912 : i1 to i32
      %sign3A_914 = arith.constant 0 : i32
      %sign3A_915 = arith.cmpi slt, %jit3A_902, %sign3A_914 : i32
      %sign3A_916 = arith.extui %sign3A_915 : i1 to i32
      %sign3A_917 = arith.subi %sign3A_913, %sign3A_916 : i32
      %ne3A_918 = arith.cmpi ne, %sign3A_910, %sign3A_917 : i32
      %rem3A_919 = arith.remsi %add3A_762, %jit3A_902 : i32
      %ne3A_920 = arith.constant 0 : i32
      %ne3A_921 = arith.cmpi ne, %rem3A_919, %ne3A_920 : i32
      %and3A_922 = arith.andi %ne3A_918, %ne3A_921 : i1
      %sub3A_923 = arith.constant 1 : i32
      %sub3A_924 = arith.subi %div3A_903, %sub3A_923 : i32
      %select_n3A_925 = arith.select %and3A_922, %sub3A_924, %div3A_903 : i32
      %mul3A_926 = arith.constant 66 : i32
      %mul3A_927 = arith.muli %select_n3A_925, %mul3A_926 : i32
      %sub3A_928 = arith.subi %add3A_762, %mul3A_927 : i32
      %mul3A_929 = arith.constant 9 : i32
      %mul3A_930 = arith.muli %select_n3A_925, %mul3A_929 : i32
      %jit3A_931 = arith.constant 8 : i32
      %div3A_932 = arith.divsi %sub3A_928, %jit3A_931 : i32
      %sign3A_933 = arith.constant 0 : i32
      %sign3A_934 = arith.cmpi sgt, %sub3A_928, %sign3A_933 : i32
      %sign3A_935 = arith.extui %sign3A_934 : i1 to i32
      %sign3A_936 = arith.constant 0 : i32
      %sign3A_937 = arith.cmpi slt, %sub3A_928, %sign3A_936 : i32
      %sign3A_938 = arith.extui %sign3A_937 : i1 to i32
      %sign3A_939 = arith.subi %sign3A_935, %sign3A_938 : i32
      %sign3A_940 = arith.constant 0 : i32
      %sign3A_941 = arith.cmpi sgt, %jit3A_931, %sign3A_940 : i32
      %sign3A_942 = arith.extui %sign3A_941 : i1 to i32
      %sign3A_943 = arith.constant 0 : i32
      %sign3A_944 = arith.cmpi slt, %jit3A_931, %sign3A_943 : i32
      %sign3A_945 = arith.extui %sign3A_944 : i1 to i32
      %sign3A_946 = arith.subi %sign3A_942, %sign3A_945 : i32
      %ne3A_947 = arith.cmpi ne, %sign3A_939, %sign3A_946 : i32
      %rem3A_948 = arith.remsi %sub3A_928, %jit3A_931 : i32
      %ne3A_949 = arith.constant 0 : i32
      %ne3A_950 = arith.cmpi ne, %rem3A_948, %ne3A_949 : i32
      %and3A_951 = arith.andi %ne3A_947, %ne3A_950 : i1
      %sub3A_952 = arith.constant 1 : i32
      %sub3A_953 = arith.subi %div3A_932, %sub3A_952 : i32
      %select_n3A_954 = arith.select %and3A_951, %sub3A_953, %div3A_932 : i32
      %add3A_955 = arith.addi %mul3A_930, %select_n3A_954 : i32
      %mul3A_956 = arith.constant 128 : i32
      %mul3A_957 = arith.muli %add3A_955, %mul3A_956 : i32
      %jit3A_958 = arith.constant 8 : i32
      %eq3A_959 = arith.constant 0 : i32
      %eq3A_960 = arith.cmpi eq, %jit3A_958, %eq3A_959 : i32
      %jit3A_961 = arith.constant 1 : i32
      %select_n3A_962 = arith.select %eq3A_960, %jit3A_961, %jit3A_958 : i32
      %rem3A_963 = arith.remsi %sub3A_928, %select_n3A_962 : i32
      %ne3A_964 = arith.constant 0 : i32
      %ne3A_965 = arith.cmpi ne, %rem3A_963, %ne3A_964 : i32
      %lt3A_966 = arith.constant 0 : i32
      %lt3A_967 = arith.cmpi slt, %rem3A_963, %lt3A_966 : i32
      %lt3A_968 = arith.constant 0 : i32
      %lt3A_969 = arith.cmpi slt, %select_n3A_962, %lt3A_968 : i32
      %ne3A_970 = arith.xori %lt3A_967, %lt3A_969 : i1
      %and3A_971 = arith.andi %ne3A_970, %ne3A_965 : i1
      %add3A_972 = arith.addi %rem3A_963, %select_n3A_962 : i32
      %select_n3A_973 = arith.select %and3A_971, %add3A_972, %rem3A_963 : i32
      %dma_start3A_974 = arith.constant 1 : i32
      %dma_start3A_975 = arith.constant 0 : i32
      %dma_start3A_976 = arith.constant 0 : i32
      %dma_start3A_977 = tpu.memref_slice %arg8[%dma_start3A_974, %dma_start3A_975, %dma_start3A_976] : memref<2x128x128xf32, #tpu.memory_space<vmem>> -> memref<1x128x128xf32, #tpu.memory_space<vmem>>
      %dma_start3A_978 = tpu.memref_squeeze %dma_start3A_977 : memref<1x128x128xf32, #tpu.memory_space<vmem>> -> memref<128x128xf32, #tpu.memory_space<vmem>>
      %dma_start3A_979 = arith.constant 0 : i32
      %dma_start3A_980 = tpu.memref_slice %arg6[%mul3A_957, %select_n3A_973, %dma_start3A_979] : memref<57600x8x128xf32, #tpu.memory_space<hbm>> -> memref<128x1x128xf32, #tpu.memory_space<hbm>>
      %dma_start3A_981 = tpu.memref_squeeze %dma_start3A_980 : memref<128x1x128xf32, #tpu.memory_space<hbm>> -> memref<128x128xf32, #tpu.memory_space<hbm>>
      %dma_start3A_982 = arith.constant 0 : i32
      %dma_start3A_983 = tpu.memref_slice %arg6[%mul3A_957, %select_n3A_973, %dma_start3A_982] : memref<57600x8x128xf32, #tpu.memory_space<hbm>> -> memref<128x1x128xf32, #tpu.memory_space<hbm>>
      %dma_start3A_984 = tpu.memref_squeeze %dma_start3A_983 : memref<128x1x128xf32, #tpu.memory_space<hbm>> -> memref<128x128xf32, #tpu.memory_space<hbm>>
      %dma_start3A_985 = arith.constant 0 : i32
      %dma_start3A_986 = arith.constant 0 : i32
      %dma_start3A_987 = tpu.memref_slice %arg8[%dma_start3A_974, %dma_start3A_985, %dma_start3A_986] : memref<2x128x128xf32, #tpu.memory_space<vmem>> -> memref<1x128x128xf32, #tpu.memory_space<vmem>>
      %dma_start3A_988 = tpu.memref_squeeze %dma_start3A_987 : memref<1x128x128xf32, #tpu.memory_space<vmem>> -> memref<128x128xf32, #tpu.memory_space<vmem>>
      tpu.enqueue_dma source(%dma_start3A_988 : memref<128x128xf32, #tpu.memory_space<vmem>>) target(%dma_start3A_984 : memref<128x128xf32, #tpu.memory_space<hbm>>) target_semaphore(%arg15 : memref<!tpu.dma_semaphore, #tpu.memory_space<semaphore_mem>>)
      %while3A_989 = arith.constant 0 : i32
      scf.yield %while3A_989 : i32
    }
    %while3A_160 = arith.constant 1 : i32
    %while3A_161 = scf.for %while3A_431 = %while3A_157 to %while3A_153 step %while3A_160 iter_args(%while3A_432 = %while3A_159) -> (i32)  : i32 {
      %mul3A_433 = arith.constant 2 : i32
      %mul3A_434 = arith.muli %mul3A_433, %while3A_431 : i32
      %add3A_435 = arith.constant 1 : i32
      %add3A_436 = arith.addi %mul3A_434, %add3A_435 : i32
      %lt3A_437 = arith.cmpi slt, %add3A_436, %mul3A_27 : i32
      %convert_element_type3A = arith.extui %lt3A_437 : i1 to i32
      %cond3A = arith.constant 0 : i32
      %cond3A_438 = arith.cmpi ne, %convert_element_type3A, %cond3A : i32
      scf.if %cond3A_438 {
        %add3A_990 = arith.constant 1 : i32
        %add3A_991 = arith.addi %mul3A_434, %add3A_990 : i32
        %jit3A_992 = arith.constant 2 : i32
        %div3A_993 = arith.divsi %add3A_991, %jit3A_992 : i32
        %sign3A_994 = arith.constant 0 : i32
        %sign3A_995 = arith.cmpi sgt, %add3A_991, %sign3A_994 : i32
        %sign3A_996 = arith.extui %sign3A_995 : i1 to i32
        %sign3A_997 = arith.constant 0 : i32
        %sign3A_998 = arith.cmpi slt, %add3A_991, %sign3A_997 : i32
        %sign3A_999 = arith.extui %sign3A_998 : i1 to i32
        %sign3A_1000 = arith.subi %sign3A_996, %sign3A_999 : i32
        %sign3A_1001 = arith.constant 0 : i32
        %sign3A_1002 = arith.cmpi sgt, %jit3A_992, %sign3A_1001 : i32
        %sign3A_1003 = arith.extui %sign3A_1002 : i1 to i32
        %sign3A_1004 = arith.constant 0 : i32
        %sign3A_1005 = arith.cmpi slt, %jit3A_992, %sign3A_1004 : i32
        %sign3A_1006 = arith.extui %sign3A_1005 : i1 to i32
        %sign3A_1007 = arith.subi %sign3A_1003, %sign3A_1006 : i32
        %ne3A_1008 = arith.cmpi ne, %sign3A_1000, %sign3A_1007 : i32
        %rem3A_1009 = arith.remsi %add3A_991, %jit3A_992 : i32
        %ne3A_1010 = arith.constant 0 : i32
        %ne3A_1011 = arith.cmpi ne, %rem3A_1009, %ne3A_1010 : i32
        %and3A_1012 = arith.andi %ne3A_1008, %ne3A_1011 : i1
        %sub3A_1013 = arith.constant 1 : i32
        %sub3A_1014 = arith.subi %div3A_993, %sub3A_1013 : i32
        %select_n3A_1015 = arith.select %and3A_1012, %sub3A_1014, %div3A_993 : i32
        %mul3A_1016 = arith.constant 32 : i32
        %mul3A_1017 = arith.muli %select_n3A_1015, %mul3A_1016 : i32
        %add3A_1018 = arith.addi %add3A, %mul3A_1017 : i32
        %mul3A_1019 = arith.constant 2 : i32
        %mul3A_1020 = arith.muli %mul3A_1019, %add3A_1018 : i32
        %jit3A_1021 = arith.constant 2 : i32
        %eq3A_1022 = arith.constant 0 : i32
        %eq3A_1023 = arith.cmpi eq, %jit3A_1021, %eq3A_1022 : i32
        %jit3A_1024 = arith.constant 1 : i32
        %select_n3A_1025 = arith.select %eq3A_1023, %jit3A_1024, %jit3A_1021 : i32
        %rem3A_1026 = arith.remsi %add3A_991, %select_n3A_1025 : i32
        %ne3A_1027 = arith.constant 0 : i32
        %ne3A_1028 = arith.cmpi ne, %rem3A_1026, %ne3A_1027 : i32
        %lt3A_1029 = arith.constant 0 : i32
        %lt3A_1030 = arith.cmpi slt, %rem3A_1026, %lt3A_1029 : i32
        %lt3A_1031 = arith.constant 0 : i32
        %lt3A_1032 = arith.cmpi slt, %select_n3A_1025, %lt3A_1031 : i32
        %ne3A_1033 = arith.xori %lt3A_1030, %lt3A_1032 : i1
        %and3A_1034 = arith.andi %ne3A_1033, %ne3A_1028 : i1
        %add3A_1035 = arith.addi %rem3A_1026, %select_n3A_1025 : i32
        %select_n3A_1036 = arith.select %and3A_1034, %add3A_1035, %rem3A_1026 : i32
        %add3A_1037 = arith.addi %mul3A_1020, %select_n3A_1036 : i32
        %jit3A_1038 = arith.constant 66 : i32
        %div3A_1039 = arith.divsi %add3A_1037, %jit3A_1038 : i32
        %sign3A_1040 = arith.constant 0 : i32
        %sign3A_1041 = arith.cmpi sgt, %add3A_1037, %sign3A_1040 : i32
        %sign3A_1042 = arith.extui %sign3A_1041 : i1 to i32
        %sign3A_1043 = arith.constant 0 : i32
        %sign3A_1044 = arith.cmpi slt, %add3A_1037, %sign3A_1043 : i32
        %sign3A_1045 = arith.extui %sign3A_1044 : i1 to i32
        %sign3A_1046 = arith.subi %sign3A_1042, %sign3A_1045 : i32
        %sign3A_1047 = arith.constant 0 : i32
        %sign3A_1048 = arith.cmpi sgt, %jit3A_1038, %sign3A_1047 : i32
        %sign3A_1049 = arith.extui %sign3A_1048 : i1 to i32
        %sign3A_1050 = arith.constant 0 : i32
        %sign3A_1051 = arith.cmpi slt, %jit3A_1038, %sign3A_1050 : i32
        %sign3A_1052 = arith.extui %sign3A_1051 : i1 to i32
        %sign3A_1053 = arith.subi %sign3A_1049, %sign3A_1052 : i32
        %ne3A_1054 = arith.cmpi ne, %sign3A_1046, %sign3A_1053 : i32
        %rem3A_1055 = arith.remsi %add3A_1037, %jit3A_1038 : i32
        %ne3A_1056 = arith.constant 0 : i32
        %ne3A_1057 = arith.cmpi ne, %rem3A_1055, %ne3A_1056 : i32
        %and3A_1058 = arith.andi %ne3A_1054, %ne3A_1057 : i1
        %sub3A_1059 = arith.constant 1 : i32
        %sub3A_1060 = arith.subi %div3A_1039, %sub3A_1059 : i32
        %select_n3A_1061 = arith.select %and3A_1058, %sub3A_1060, %div3A_1039 : i32
        %mul3A_1062 = arith.constant 66 : i32
        %mul3A_1063 = arith.muli %select_n3A_1061, %mul3A_1062 : i32
        %sub3A_1064 = arith.subi %add3A_1037, %mul3A_1063 : i32
        %add3A_1065 = vector.broadcast %sub3A_1064 : i32 to vector<16xi32>
        %add3A_1066 = arith.addi %mul3A_3, %add3A_1065 : vector<16xi32>
        %gather3A_1067 = tpu.vector_load_idx %arg11[%add3A_1066] : memref<80xi32, #tpu.memory_space<vmem>>[vector<16xi32>], vector<16xi32>,
        %reduce_max3A_1068 = arith.constant true
        %reduce_max3A_1069 = vector.broadcast %reduce_max3A_1068 : i1 to vector<16xi1>
        %reduce_max3A_1070 = arith.constant -2147483648 : i32
        %reduce_max3A_1071 = vector.broadcast %reduce_max3A_1070 : i32 to vector<16xi32>
        %reduce_max3A_1072 = arith.xori %gather3A_1067, %reduce_max3A_1071 : vector<16xi32>
        %reduce_max3A_1073 = tpu.scan <max>, %reduce_max3A_1072 masked %reduce_max3A_1069 : vector<16xi32>, vector<16xi1> -> vector<16xi32>
        %reduce_max3A_1074 = arith.xori %reduce_max3A_1073, %reduce_max3A_1071 : vector<16xi32>
        %reduce_max3A_1075 = vector.extract %reduce_max3A_1074[15] : i32 from vector<16xi32>
        %mul3A_1076 = arith.constant 12 : i32
        %mul3A_1077 = arith.muli %select_n3A_1061, %mul3A_1076 : i32
        %jit3A_1078 = arith.constant 8 : i32
        %div3A_1079 = arith.divsi %reduce_max3A_1075, %jit3A_1078 : i32
        %sign3A_1080 = arith.constant 0 : i32
        %sign3A_1081 = arith.cmpi sgt, %reduce_max3A_1075, %sign3A_1080 : i32
        %sign3A_1082 = arith.extui %sign3A_1081 : i1 to i32
        %sign3A_1083 = arith.constant 0 : i32
        %sign3A_1084 = arith.cmpi slt, %reduce_max3A_1075, %sign3A_1083 : i32
        %sign3A_1085 = arith.extui %sign3A_1084 : i1 to i32
        %sign3A_1086 = arith.subi %sign3A_1082, %sign3A_1085 : i32
        %sign3A_1087 = arith.constant 0 : i32
        %sign3A_1088 = arith.cmpi sgt, %jit3A_1078, %sign3A_1087 : i32
        %sign3A_1089 = arith.extui %sign3A_1088 : i1 to i32
        %sign3A_1090 = arith.constant 0 : i32
        %sign3A_1091 = arith.cmpi slt, %jit3A_1078, %sign3A_1090 : i32
        %sign3A_1092 = arith.extui %sign3A_1091 : i1 to i32
        %sign3A_1093 = arith.subi %sign3A_1089, %sign3A_1092 : i32
        %ne3A_1094 = arith.cmpi ne, %sign3A_1086, %sign3A_1093 : i32
        %rem3A_1095 = arith.remsi %reduce_max3A_1075, %jit3A_1078 : i32
        %ne3A_1096 = arith.constant 0 : i32
        %ne3A_1097 = arith.cmpi ne, %rem3A_1095, %ne3A_1096 : i32
        %and3A_1098 = arith.andi %ne3A_1094, %ne3A_1097 : i1
        %sub3A_1099 = arith.constant 1 : i32
        %sub3A_1100 = arith.subi %div3A_1079, %sub3A_1099 : i32
        %select_n3A_1101 = arith.select %and3A_1098, %sub3A_1100, %div3A_1079 : i32
        %add3A_1102 = arith.addi %mul3A_1077, %select_n3A_1101 : i32
        %mul3A_1103 = arith.constant 128 : i32
        %mul3A_1104 = arith.muli %add3A_1102, %mul3A_1103 : i32
        %jit3A_1105 = arith.constant 8 : i32
        %eq3A_1106 = arith.constant 0 : i32
        %eq3A_1107 = arith.cmpi eq, %jit3A_1105, %eq3A_1106 : i32
        %jit3A_1108 = arith.constant 1 : i32
        %select_n3A_1109 = arith.select %eq3A_1107, %jit3A_1108, %jit3A_1105 : i32
        %rem3A_1110 = arith.remsi %reduce_max3A_1075, %select_n3A_1109 : i32
        %ne3A_1111 = arith.constant 0 : i32
        %ne3A_1112 = arith.cmpi ne, %rem3A_1110, %ne3A_1111 : i32
        %lt3A_1113 = arith.constant 0 : i32
        %lt3A_1114 = arith.cmpi slt, %rem3A_1110, %lt3A_1113 : i32
        %lt3A_1115 = arith.constant 0 : i32
        %lt3A_1116 = arith.cmpi slt, %select_n3A_1109, %lt3A_1115 : i32
        %ne3A_1117 = arith.xori %lt3A_1114, %lt3A_1116 : i1
        %and3A_1118 = arith.andi %ne3A_1117, %ne3A_1112 : i1
        %add3A_1119 = arith.addi %rem3A_1110, %select_n3A_1109 : i32
        %select_n3A_1120 = arith.select %and3A_1118, %add3A_1119, %rem3A_1110 : i32
        %dma_start3A_1121 = arith.constant 1 : i32
        %dma_start3A_1122 = arith.constant 0 : i32
        %dma_start3A_1123 = arith.constant 0 : i32
        %dma_start3A_1124 = tpu.memref_slice %arg7[%dma_start3A_1121, %dma_start3A_1122, %dma_start3A_1123] : memref<2x128x128xf32, #tpu.memory_space<vmem>> -> memref<1x128x128xf32, #tpu.memory_space<vmem>>
        %dma_start3A_1125 = tpu.memref_squeeze %dma_start3A_1124 : memref<1x128x128xf32, #tpu.memory_space<vmem>> -> memref<128x128xf32, #tpu.memory_space<vmem>>
        %dma_start3A_1126 = arith.constant 0 : i32
        %dma_start3A_1127 = tpu.memref_slice %arg2[%mul3A_1104, %select_n3A_1120, %dma_start3A_1126] : memref<76800x8x128xf32, #tpu.memory_space<hbm>> -> memref<128x1x128xf32, #tpu.memory_space<hbm>>
        %dma_start3A_1128 = tpu.memref_squeeze %dma_start3A_1127 : memref<128x1x128xf32, #tpu.memory_space<hbm>> -> memref<128x128xf32, #tpu.memory_space<hbm>>
        %dma_start3A_1129 = arith.constant 0 : i32
        %dma_start3A_1130 = arith.constant 0 : i32
        %dma_start3A_1131 = tpu.memref_slice %arg7[%dma_start3A_1121, %dma_start3A_1129, %dma_start3A_1130] : memref<2x128x128xf32, #tpu.memory_space<vmem>> -> memref<1x128x128xf32, #tpu.memory_space<vmem>>
        %dma_start3A_1132 = tpu.memref_squeeze %dma_start3A_1131 : memref<1x128x128xf32, #tpu.memory_space<vmem>> -> memref<128x128xf32, #tpu.memory_space<vmem>>
        %dma_start3A_1133 = arith.constant 0 : i32
        %dma_start3A_1134 = tpu.memref_slice %arg2[%mul3A_1104, %select_n3A_1120, %dma_start3A_1133] : memref<76800x8x128xf32, #tpu.memory_space<hbm>> -> memref<128x1x128xf32, #tpu.memory_space<hbm>>
        %dma_start3A_1135 = tpu.memref_squeeze %dma_start3A_1134 : memref<128x1x128xf32, #tpu.memory_space<hbm>> -> memref<128x128xf32, #tpu.memory_space<hbm>>
        tpu.enqueue_dma source(%dma_start3A_1135 : memref<128x128xf32, #tpu.memory_space<hbm>>) target(%dma_start3A_1132 : memref<128x128xf32, #tpu.memory_space<vmem>>) target_semaphore(%arg13 : memref<!tpu.dma_semaphore, #tpu.memory_space<semaphore_mem>>)
      } else {
      }
      %jit3A_439 = arith.constant 2 : i32
      %div3A_440 = arith.divsi %mul3A_434, %jit3A_439 : i32
      %sign3A_441 = arith.constant 0 : i32
      %sign3A_442 = arith.cmpi sgt, %mul3A_434, %sign3A_441 : i32
      %sign3A_443 = arith.extui %sign3A_442 : i1 to i32
      %sign3A_444 = arith.constant 0 : i32
      %sign3A_445 = arith.cmpi slt, %mul3A_434, %sign3A_444 : i32
      %sign3A_446 = arith.extui %sign3A_445 : i1 to i32
      %sign3A_447 = arith.subi %sign3A_443, %sign3A_446 : i32
      %sign3A_448 = arith.constant 0 : i32
      %sign3A_449 = arith.cmpi sgt, %jit3A_439, %sign3A_448 : i32
      %sign3A_450 = arith.extui %sign3A_449 : i1 to i32
      %sign3A_451 = arith.constant 0 : i32
      %sign3A_452 = arith.cmpi slt, %jit3A_439, %sign3A_451 : i32
      %sign3A_453 = arith.extui %sign3A_452 : i1 to i32
      %sign3A_454 = arith.subi %sign3A_450, %sign3A_453 : i32
      %ne3A_455 = arith.cmpi ne, %sign3A_447, %sign3A_454 : i32
      %rem3A_456 = arith.remsi %mul3A_434, %jit3A_439 : i32
      %ne3A_457 = arith.constant 0 : i32
      %ne3A_458 = arith.cmpi ne, %rem3A_456, %ne3A_457 : i32
      %and3A_459 = arith.andi %ne3A_455, %ne3A_458 : i1
      %sub3A_460 = arith.constant 1 : i32
      %sub3A_461 = arith.subi %div3A_440, %sub3A_460 : i32
      %select_n3A_462 = arith.select %and3A_459, %sub3A_461, %div3A_440 : i32
      %mul3A_463 = arith.constant 32 : i32
      %mul3A_464 = arith.muli %select_n3A_462, %mul3A_463 : i32
      %add3A_465 = arith.addi %add3A, %mul3A_464 : i32
      %mul3A_466 = arith.constant 2 : i32
      %mul3A_467 = arith.muli %mul3A_466, %add3A_465 : i32
      %jit3A_468 = arith.constant 2 : i32
      %eq3A_469 = arith.constant 0 : i32
      %eq3A_470 = arith.cmpi eq, %jit3A_468, %eq3A_469 : i32
      %jit3A_471 = arith.constant 1 : i32
      %select_n3A_472 = arith.select %eq3A_470, %jit3A_471, %jit3A_468 : i32
      %rem3A_473 = arith.remsi %mul3A_434, %select_n3A_472 : i32
      %ne3A_474 = arith.constant 0 : i32
      %ne3A_475 = arith.cmpi ne, %rem3A_473, %ne3A_474 : i32
      %lt3A_476 = arith.constant 0 : i32
      %lt3A_477 = arith.cmpi slt, %rem3A_473, %lt3A_476 : i32
      %lt3A_478 = arith.constant 0 : i32
      %lt3A_479 = arith.cmpi slt, %select_n3A_472, %lt3A_478 : i32
      %ne3A_480 = arith.xori %lt3A_477, %lt3A_479 : i1
      %and3A_481 = arith.andi %ne3A_480, %ne3A_475 : i1
      %add3A_482 = arith.addi %rem3A_473, %select_n3A_472 : i32
      %select_n3A_483 = arith.select %and3A_481, %add3A_482, %rem3A_473 : i32
      %add3A_484 = arith.addi %mul3A_467, %select_n3A_483 : i32
      %jit3A_485 = arith.constant 66 : i32
      %div3A_486 = arith.divsi %add3A_484, %jit3A_485 : i32
      %sign3A_487 = arith.constant 0 : i32
      %sign3A_488 = arith.cmpi sgt, %add3A_484, %sign3A_487 : i32
      %sign3A_489 = arith.extui %sign3A_488 : i1 to i32
      %sign3A_490 = arith.constant 0 : i32
      %sign3A_491 = arith.cmpi slt, %add3A_484, %sign3A_490 : i32
      %sign3A_492 = arith.extui %sign3A_491 : i1 to i32
      %sign3A_493 = arith.subi %sign3A_489, %sign3A_492 : i32
      %sign3A_494 = arith.constant 0 : i32
      %sign3A_495 = arith.cmpi sgt, %jit3A_485, %sign3A_494 : i32
      %sign3A_496 = arith.extui %sign3A_495 : i1 to i32
      %sign3A_497 = arith.constant 0 : i32
      %sign3A_498 = arith.cmpi slt, %jit3A_485, %sign3A_497 : i32
      %sign3A_499 = arith.extui %sign3A_498 : i1 to i32
      %sign3A_500 = arith.subi %sign3A_496, %sign3A_499 : i32
      %ne3A_501 = arith.cmpi ne, %sign3A_493, %sign3A_500 : i32
      %rem3A_502 = arith.remsi %add3A_484, %jit3A_485 : i32
      %ne3A_503 = arith.constant 0 : i32
      %ne3A_504 = arith.cmpi ne, %rem3A_502, %ne3A_503 : i32
      %and3A_505 = arith.andi %ne3A_501, %ne3A_504 : i1
      %sub3A_506 = arith.constant 1 : i32
      %sub3A_507 = arith.subi %div3A_486, %sub3A_506 : i32
      %select_n3A_508 = arith.select %and3A_505, %sub3A_507, %div3A_486 : i32
      %mul3A_509 = arith.constant 66 : i32
      %mul3A_510 = arith.muli %select_n3A_508, %mul3A_509 : i32
      %sub3A_511 = arith.subi %add3A_484, %mul3A_510 : i32
      %add3A_512 = vector.broadcast %sub3A_511 : i32 to vector<16xi32>
      %add3A_513 = arith.addi %mul3A_3, %add3A_512 : vector<16xi32>
      %gather3A_514 = tpu.vector_load_idx %arg11[%add3A_513] : memref<80xi32, #tpu.memory_space<vmem>>[vector<16xi32>], vector<16xi32>,
      %reduce_max3A_515 = arith.constant true
      %reduce_max3A_516 = vector.broadcast %reduce_max3A_515 : i1 to vector<16xi1>
      %reduce_max3A_517 = arith.constant -2147483648 : i32
      %reduce_max3A_518 = vector.broadcast %reduce_max3A_517 : i32 to vector<16xi32>
      %reduce_max3A_519 = arith.xori %gather3A_514, %reduce_max3A_518 : vector<16xi32>
      %reduce_max3A_520 = tpu.scan <max>, %reduce_max3A_519 masked %reduce_max3A_516 : vector<16xi32>, vector<16xi1> -> vector<16xi32>
      %reduce_max3A_521 = arith.xori %reduce_max3A_520, %reduce_max3A_518 : vector<16xi32>
      %reduce_max3A_522 = vector.extract %reduce_max3A_521[15] : i32 from vector<16xi32>
      %mul3A_523 = arith.constant 12 : i32
      %mul3A_524 = arith.muli %select_n3A_508, %mul3A_523 : i32
      %jit3A_525 = arith.constant 8 : i32
      %div3A_526 = arith.divsi %reduce_max3A_522, %jit3A_525 : i32
      %sign3A_527 = arith.constant 0 : i32
      %sign3A_528 = arith.cmpi sgt, %reduce_max3A_522, %sign3A_527 : i32
      %sign3A_529 = arith.extui %sign3A_528 : i1 to i32
      %sign3A_530 = arith.constant 0 : i32
      %sign3A_531 = arith.cmpi slt, %reduce_max3A_522, %sign3A_530 : i32
      %sign3A_532 = arith.extui %sign3A_531 : i1 to i32
      %sign3A_533 = arith.subi %sign3A_529, %sign3A_532 : i32
      %sign3A_534 = arith.constant 0 : i32
      %sign3A_535 = arith.cmpi sgt, %jit3A_525, %sign3A_534 : i32
      %sign3A_536 = arith.extui %sign3A_535 : i1 to i32
      %sign3A_537 = arith.constant 0 : i32
      %sign3A_538 = arith.cmpi slt, %jit3A_525, %sign3A_537 : i32
      %sign3A_539 = arith.extui %sign3A_538 : i1 to i32
      %sign3A_540 = arith.subi %sign3A_536, %sign3A_539 : i32
      %ne3A_541 = arith.cmpi ne, %sign3A_533, %sign3A_540 : i32
      %rem3A_542 = arith.remsi %reduce_max3A_522, %jit3A_525 : i32
      %ne3A_543 = arith.constant 0 : i32
      %ne3A_544 = arith.cmpi ne, %rem3A_542, %ne3A_543 : i32
      %and3A_545 = arith.andi %ne3A_541, %ne3A_544 : i1
      %sub3A_546 = arith.constant 1 : i32
      %sub3A_547 = arith.subi %div3A_526, %sub3A_546 : i32
      %select_n3A_548 = arith.select %and3A_545, %sub3A_547, %div3A_526 : i32
      %add3A_549 = arith.addi %mul3A_524, %select_n3A_548 : i32
      %mul3A_550 = arith.constant 128 : i32
      %mul3A_551 = arith.muli %add3A_549, %mul3A_550 : i32
      %jit3A_552 = arith.constant 8 : i32
      %eq3A_553 = arith.constant 0 : i32
      %eq3A_554 = arith.cmpi eq, %jit3A_552, %eq3A_553 : i32
      %jit3A_555 = arith.constant 1 : i32
      %select_n3A_556 = arith.select %eq3A_554, %jit3A_555, %jit3A_552 : i32
      %rem3A_557 = arith.remsi %reduce_max3A_522, %select_n3A_556 : i32
      %ne3A_558 = arith.constant 0 : i32
      %ne3A_559 = arith.cmpi ne, %rem3A_557, %ne3A_558 : i32
      %lt3A_560 = arith.constant 0 : i32
      %lt3A_561 = arith.cmpi slt, %rem3A_557, %lt3A_560 : i32
      %lt3A_562 = arith.constant 0 : i32
      %lt3A_563 = arith.cmpi slt, %select_n3A_556, %lt3A_562 : i32
      %ne3A_564 = arith.xori %lt3A_561, %lt3A_563 : i1
      %and3A_565 = arith.andi %ne3A_564, %ne3A_559 : i1
      %add3A_566 = arith.addi %rem3A_557, %select_n3A_556 : i32
      %select_n3A_567 = arith.select %and3A_565, %add3A_566, %rem3A_557 : i32
      %dma_wait3A_568 = arith.constant 0 : i32
      %dma_wait3A_569 = arith.constant 0 : i32
      %dma_wait3A_570 = arith.constant 0 : i32
      %dma_wait3A_571 = tpu.memref_slice %arg7[%dma_wait3A_568, %dma_wait3A_569, %dma_wait3A_570] : memref<2x128x128xf32, #tpu.memory_space<vmem>> -> memref<1x128x128xf32, #tpu.memory_space<vmem>>
      %dma_wait3A_572 = tpu.memref_squeeze %dma_wait3A_571 : memref<1x128x128xf32, #tpu.memory_space<vmem>> -> memref<128x128xf32, #tpu.memory_space<vmem>>
      %dma_wait3A_573 = arith.constant 0 : i32
      %dma_wait3A_574 = tpu.memref_slice %arg2[%mul3A_551, %select_n3A_567, %dma_wait3A_573] : memref<76800x8x128xf32, #tpu.memory_space<hbm>> -> memref<128x1x128xf32, #tpu.memory_space<hbm>>
      %dma_wait3A_575 = tpu.memref_squeeze %dma_wait3A_574 : memref<128x1x128xf32, #tpu.memory_space<hbm>> -> memref<128x128xf32, #tpu.memory_space<hbm>>
      %dma_wait3A_576 = arith.constant 0 : i32
      %dma_wait3A_577 = arith.constant 0 : i32
      %dma_wait3A_578 = tpu.memref_slice %arg7[%dma_wait3A_568, %dma_wait3A_576, %dma_wait3A_577] : memref<2x128x128xf32, #tpu.memory_space<vmem>> -> memref<1x128x128xf32, #tpu.memory_space<vmem>>
      %dma_wait3A_579 = tpu.memref_squeeze %dma_wait3A_578 : memref<1x128x128xf32, #tpu.memory_space<vmem>> -> memref<128x128xf32, #tpu.memory_space<vmem>>
      %dma_wait3A_580 = arith.constant 0 : i32
      %dma_wait3A_581 = tpu.memref_slice %arg2[%mul3A_551, %select_n3A_567, %dma_wait3A_580] : memref<76800x8x128xf32, #tpu.memory_space<hbm>> -> memref<128x1x128xf32, #tpu.memory_space<hbm>>
      %dma_wait3A_582 = tpu.memref_squeeze %dma_wait3A_581 : memref<128x1x128xf32, #tpu.memory_space<hbm>> -> memref<128x128xf32, #tpu.memory_space<hbm>>
      tpu.wait_dma2 semaphore(%arg12 : memref<!tpu.dma_semaphore, #tpu.memory_space<semaphore_mem>>) src(%dma_wait3A_582 : memref<128x128xf32, #tpu.memory_space<hbm>>) dst(%dma_wait3A_579 : memref<128x128xf32, #tpu.memory_space<vmem>>)
      %jit3A_583 = arith.constant 66 : i32
      %div3A_584 = arith.divsi %add3A_484, %jit3A_583 : i32
      %sign3A_585 = arith.constant 0 : i32
      %sign3A_586 = arith.cmpi sgt, %add3A_484, %sign3A_585 : i32
      %sign3A_587 = arith.extui %sign3A_586 : i1 to i32
      %sign3A_588 = arith.constant 0 : i32
      %sign3A_589 = arith.cmpi slt, %add3A_484, %sign3A_588 : i32
      %sign3A_590 = arith.extui %sign3A_589 : i1 to i32
      %sign3A_591 = arith.subi %sign3A_587, %sign3A_590 : i32
      %sign3A_592 = arith.constant 0 : i32
      %sign3A_593 = arith.cmpi sgt, %jit3A_583, %sign3A_592 : i32
      %sign3A_594 = arith.extui %sign3A_593 : i1 to i32
      %sign3A_595 = arith.constant 0 : i32
      %sign3A_596 = arith.cmpi slt, %jit3A_583, %sign3A_595 : i32
      %sign3A_597 = arith.extui %sign3A_596 : i1 to i32
      %sign3A_598 = arith.subi %sign3A_594, %sign3A_597 : i32
      %ne3A_599 = arith.cmpi ne, %sign3A_591, %sign3A_598 : i32
      %rem3A_600 = arith.remsi %add3A_484, %jit3A_583 : i32
      %ne3A_601 = arith.constant 0 : i32
      %ne3A_602 = arith.cmpi ne, %rem3A_600, %ne3A_601 : i32
      %and3A_603 = arith.andi %ne3A_599, %ne3A_602 : i1
      %sub3A_604 = arith.constant 1 : i32
      %sub3A_605 = arith.subi %div3A_584, %sub3A_604 : i32
      %select_n3A_606 = arith.select %and3A_603, %sub3A_605, %div3A_584 : i32
      %mul3A_607 = arith.constant 66 : i32
      %mul3A_608 = arith.muli %select_n3A_606, %mul3A_607 : i32
      %sub3A_609 = arith.subi %add3A_484, %mul3A_608 : i32
      %add3A_610 = vector.broadcast %sub3A_609 : i32 to vector<16xi32>
      %add3A_611 = arith.addi %mul3A_3, %add3A_610 : vector<16xi32>
      %gather3A_612 = tpu.vector_load_idx %arg9[%add3A_611] : memref<80xf32, #tpu.memory_space<vmem>>[vector<16xi32>], vector<16xf32>,
      %add3A_613 = vector.broadcast %sub3A_609 : i32 to vector<16xi32>
      %add3A_614 = arith.addi %mul3A_3, %add3A_613 : vector<16xi32>
      %gather3A_615 = tpu.vector_load_idx %arg10[%add3A_614] : memref<80xf32, #tpu.memory_space<vmem>>[vector<16xi32>], vector<16xf32>,
      %ge3A = arith.constant 1 : i32
      %ge3A_616 = arith.cmpi sge, %while3A_431, %ge3A : i32
      %convert_element_type3A_617 = arith.extui %ge3A_616 : i1 to i32
      %cond3A_618 = arith.constant 0 : i32
      %cond3A_619 = arith.cmpi ne, %convert_element_type3A_617, %cond3A_618 : i32
      scf.if %cond3A_619 {
        %sub3A_990 = arith.constant 2 : i32
        %sub3A_991 = arith.subi %mul3A_434, %sub3A_990 : i32
        %jit3A_992 = arith.constant 2 : i32
        %div3A_993 = arith.divsi %sub3A_991, %jit3A_992 : i32
        %sign3A_994 = arith.constant 0 : i32
        %sign3A_995 = arith.cmpi sgt, %sub3A_991, %sign3A_994 : i32
        %sign3A_996 = arith.extui %sign3A_995 : i1 to i32
        %sign3A_997 = arith.constant 0 : i32
        %sign3A_998 = arith.cmpi slt, %sub3A_991, %sign3A_997 : i32
        %sign3A_999 = arith.extui %sign3A_998 : i1 to i32
        %sign3A_1000 = arith.subi %sign3A_996, %sign3A_999 : i32
        %sign3A_1001 = arith.constant 0 : i32
        %sign3A_1002 = arith.cmpi sgt, %jit3A_992, %sign3A_1001 : i32
        %sign3A_1003 = arith.extui %sign3A_1002 : i1 to i32
        %sign3A_1004 = arith.constant 0 : i32
        %sign3A_1005 = arith.cmpi slt, %jit3A_992, %sign3A_1004 : i32
        %sign3A_1006 = arith.extui %sign3A_1005 : i1 to i32
        %sign3A_1007 = arith.subi %sign3A_1003, %sign3A_1006 : i32
        %ne3A_1008 = arith.cmpi ne, %sign3A_1000, %sign3A_1007 : i32
        %rem3A_1009 = arith.remsi %sub3A_991, %jit3A_992 : i32
        %ne3A_1010 = arith.constant 0 : i32
        %ne3A_1011 = arith.cmpi ne, %rem3A_1009, %ne3A_1010 : i32
        %and3A_1012 = arith.andi %ne3A_1008, %ne3A_1011 : i1
        %sub3A_1013 = arith.constant 1 : i32
        %sub3A_1014 = arith.subi %div3A_993, %sub3A_1013 : i32
        %select_n3A_1015 = arith.select %and3A_1012, %sub3A_1014, %div3A_993 : i32
        %mul3A_1016 = arith.constant 32 : i32
        %mul3A_1017 = arith.muli %select_n3A_1015, %mul3A_1016 : i32
        %add3A_1018 = arith.addi %add3A, %mul3A_1017 : i32
        %mul3A_1019 = arith.constant 2 : i32
        %mul3A_1020 = arith.muli %mul3A_1019, %add3A_1018 : i32
        %jit3A_1021 = arith.constant 2 : i32
        %eq3A_1022 = arith.constant 0 : i32
        %eq3A_1023 = arith.cmpi eq, %jit3A_1021, %eq3A_1022 : i32
        %jit3A_1024 = arith.constant 1 : i32
        %select_n3A_1025 = arith.select %eq3A_1023, %jit3A_1024, %jit3A_1021 : i32
        %rem3A_1026 = arith.remsi %sub3A_991, %select_n3A_1025 : i32
        %ne3A_1027 = arith.constant 0 : i32
        %ne3A_1028 = arith.cmpi ne, %rem3A_1026, %ne3A_1027 : i32
        %lt3A_1029 = arith.constant 0 : i32
        %lt3A_1030 = arith.cmpi slt, %rem3A_1026, %lt3A_1029 : i32
        %lt3A_1031 = arith.constant 0 : i32
        %lt3A_1032 = arith.cmpi slt, %select_n3A_1025, %lt3A_1031 : i32
        %ne3A_1033 = arith.xori %lt3A_1030, %lt3A_1032 : i1
        %and3A_1034 = arith.andi %ne3A_1033, %ne3A_1028 : i1
        %add3A_1035 = arith.addi %rem3A_1026, %select_n3A_1025 : i32
        %select_n3A_1036 = arith.select %and3A_1034, %add3A_1035, %rem3A_1026 : i32
        %add3A_1037 = arith.addi %mul3A_1020, %select_n3A_1036 : i32
        %jit3A_1038 = arith.constant 66 : i32
        %div3A_1039 = arith.divsi %add3A_1037, %jit3A_1038 : i32
        %sign3A_1040 = arith.constant 0 : i32
        %sign3A_1041 = arith.cmpi sgt, %add3A_1037, %sign3A_1040 : i32
        %sign3A_1042 = arith.extui %sign3A_1041 : i1 to i32
        %sign3A_1043 = arith.constant 0 : i32
        %sign3A_1044 = arith.cmpi slt, %add3A_1037, %sign3A_1043 : i32
        %sign3A_1045 = arith.extui %sign3A_1044 : i1 to i32
        %sign3A_1046 = arith.subi %sign3A_1042, %sign3A_1045 : i32
        %sign3A_1047 = arith.constant 0 : i32
        %sign3A_1048 = arith.cmpi sgt, %jit3A_1038, %sign3A_1047 : i32
        %sign3A_1049 = arith.extui %sign3A_1048 : i1 to i32
        %sign3A_1050 = arith.constant 0 : i32
        %sign3A_1051 = arith.cmpi slt, %jit3A_1038, %sign3A_1050 : i32
        %sign3A_1052 = arith.extui %sign3A_1051 : i1 to i32
        %sign3A_1053 = arith.subi %sign3A_1049, %sign3A_1052 : i32
        %ne3A_1054 = arith.cmpi ne, %sign3A_1046, %sign3A_1053 : i32
        %rem3A_1055 = arith.remsi %add3A_1037, %jit3A_1038 : i32
        %ne3A_1056 = arith.constant 0 : i32
        %ne3A_1057 = arith.cmpi ne, %rem3A_1055, %ne3A_1056 : i32
        %and3A_1058 = arith.andi %ne3A_1054, %ne3A_1057 : i1
        %sub3A_1059 = arith.constant 1 : i32
        %sub3A_1060 = arith.subi %div3A_1039, %sub3A_1059 : i32
        %select_n3A_1061 = arith.select %and3A_1058, %sub3A_1060, %div3A_1039 : i32
        %mul3A_1062 = arith.constant 66 : i32
        %mul3A_1063 = arith.muli %select_n3A_1061, %mul3A_1062 : i32
        %sub3A_1064 = arith.subi %add3A_1037, %mul3A_1063 : i32
        %mul3A_1065 = arith.constant 9 : i32
        %mul3A_1066 = arith.muli %select_n3A_1061, %mul3A_1065 : i32
        %jit3A_1067 = arith.constant 8 : i32
        %div3A_1068 = arith.divsi %sub3A_1064, %jit3A_1067 : i32
        %sign3A_1069 = arith.constant 0 : i32
        %sign3A_1070 = arith.cmpi sgt, %sub3A_1064, %sign3A_1069 : i32
        %sign3A_1071 = arith.extui %sign3A_1070 : i1 to i32
        %sign3A_1072 = arith.constant 0 : i32
        %sign3A_1073 = arith.cmpi slt, %sub3A_1064, %sign3A_1072 : i32
        %sign3A_1074 = arith.extui %sign3A_1073 : i1 to i32
        %sign3A_1075 = arith.subi %sign3A_1071, %sign3A_1074 : i32
        %sign3A_1076 = arith.constant 0 : i32
        %sign3A_1077 = arith.cmpi sgt, %jit3A_1067, %sign3A_1076 : i32
        %sign3A_1078 = arith.extui %sign3A_1077 : i1 to i32
        %sign3A_1079 = arith.constant 0 : i32
        %sign3A_1080 = arith.cmpi slt, %jit3A_1067, %sign3A_1079 : i32
        %sign3A_1081 = arith.extui %sign3A_1080 : i1 to i32
        %sign3A_1082 = arith.subi %sign3A_1078, %sign3A_1081 : i32
        %ne3A_1083 = arith.cmpi ne, %sign3A_1075, %sign3A_1082 : i32
        %rem3A_1084 = arith.remsi %sub3A_1064, %jit3A_1067 : i32
        %ne3A_1085 = arith.constant 0 : i32
        %ne3A_1086 = arith.cmpi ne, %rem3A_1084, %ne3A_1085 : i32
        %and3A_1087 = arith.andi %ne3A_1083, %ne3A_1086 : i1
        %sub3A_1088 = arith.constant 1 : i32
        %sub3A_1089 = arith.subi %div3A_1068, %sub3A_1088 : i32
        %select_n3A_1090 = arith.select %and3A_1087, %sub3A_1089, %div3A_1068 : i32
        %add3A_1091 = arith.addi %mul3A_1066, %select_n3A_1090 : i32
        %mul3A_1092 = arith.constant 128 : i32
        %mul3A_1093 = arith.muli %add3A_1091, %mul3A_1092 : i32
        %jit3A_1094 = arith.constant 8 : i32
        %eq3A_1095 = arith.constant 0 : i32
        %eq3A_1096 = arith.cmpi eq, %jit3A_1094, %eq3A_1095 : i32
        %jit3A_1097 = arith.constant 1 : i32
        %select_n3A_1098 = arith.select %eq3A_1096, %jit3A_1097, %jit3A_1094 : i32
        %rem3A_1099 = arith.remsi %sub3A_1064, %select_n3A_1098 : i32
        %ne3A_1100 = arith.constant 0 : i32
        %ne3A_1101 = arith.cmpi ne, %rem3A_1099, %ne3A_1100 : i32
        %lt3A_1102 = arith.constant 0 : i32
        %lt3A_1103 = arith.cmpi slt, %rem3A_1099, %lt3A_1102 : i32
        %lt3A_1104 = arith.constant 0 : i32
        %lt3A_1105 = arith.cmpi slt, %select_n3A_1098, %lt3A_1104 : i32
        %ne3A_1106 = arith.xori %lt3A_1103, %lt3A_1105 : i1
        %and3A_1107 = arith.andi %ne3A_1106, %ne3A_1101 : i1
        %add3A_1108 = arith.addi %rem3A_1099, %select_n3A_1098 : i32
        %select_n3A_1109 = arith.select %and3A_1107, %add3A_1108, %rem3A_1099 : i32
        %dma_wait3A_1110 = arith.constant 0 : i32
        %dma_wait3A_1111 = arith.constant 0 : i32
        %dma_wait3A_1112 = arith.constant 0 : i32
        %dma_wait3A_1113 = tpu.memref_slice %arg8[%dma_wait3A_1110, %dma_wait3A_1111, %dma_wait3A_1112] : memref<2x128x128xf32, #tpu.memory_space<vmem>> -> memref<1x128x128xf32, #tpu.memory_space<vmem>>
        %dma_wait3A_1114 = tpu.memref_squeeze %dma_wait3A_1113 : memref<1x128x128xf32, #tpu.memory_space<vmem>> -> memref<128x128xf32, #tpu.memory_space<vmem>>
        %dma_wait3A_1115 = arith.constant 0 : i32
        %dma_wait3A_1116 = tpu.memref_slice %arg6[%mul3A_1093, %select_n3A_1109, %dma_wait3A_1115] : memref<57600x8x128xf32, #tpu.memory_space<hbm>> -> memref<128x1x128xf32, #tpu.memory_space<hbm>>
        %dma_wait3A_1117 = tpu.memref_squeeze %dma_wait3A_1116 : memref<128x1x128xf32, #tpu.memory_space<hbm>> -> memref<128x128xf32, #tpu.memory_space<hbm>>
        %dma_wait3A_1118 = arith.constant 0 : i32
        %dma_wait3A_1119 = tpu.memref_slice %arg6[%mul3A_1093, %select_n3A_1109, %dma_wait3A_1118] : memref<57600x8x128xf32, #tpu.memory_space<hbm>> -> memref<128x1x128xf32, #tpu.memory_space<hbm>>
        %dma_wait3A_1120 = tpu.memref_squeeze %dma_wait3A_1119 : memref<128x1x128xf32, #tpu.memory_space<hbm>> -> memref<128x128xf32, #tpu.memory_space<hbm>>
        %dma_wait3A_1121 = arith.constant 0 : i32
        %dma_wait3A_1122 = arith.constant 0 : i32
        %dma_wait3A_1123 = tpu.memref_slice %arg8[%dma_wait3A_1110, %dma_wait3A_1121, %dma_wait3A_1122] : memref<2x128x128xf32, #tpu.memory_space<vmem>> -> memref<1x128x128xf32, #tpu.memory_space<vmem>>
        %dma_wait3A_1124 = tpu.memref_squeeze %dma_wait3A_1123 : memref<1x128x128xf32, #tpu.memory_space<vmem>> -> memref<128x128xf32, #tpu.memory_space<vmem>>
        tpu.wait_dma2 semaphore(%arg14 : memref<!tpu.dma_semaphore, #tpu.memory_space<semaphore_mem>>) src(%dma_wait3A_1124 : memref<128x128xf32, #tpu.memory_space<vmem>>) dst(%dma_wait3A_1120 : memref<128x128xf32, #tpu.memory_space<hbm>>)
      } else {
      }
      %parallel_loop3A = arith.constant 0 : i32
      %parallel_loop3A_620 = arith.constant 128 : i32
      %parallel_loop3A_621 = arith.constant 1 : i32
      scf.for %parallel_loop3A_990 = %parallel_loop3A to %parallel_loop3A_620 step %parallel_loop3A_621  : i32 {
        %parallel_loop3A_991 = arith.constant 0 : i32
        %parallel_loop3A_992 = arith.index_cast %parallel_loop3A_991 : i32 to index
        %parallel_loop3A_993 = arith.index_cast %parallel_loop3A_990 : i32 to index
        %parallel_loop3A_994 = arith.constant 0 : index
        %parallel_loop3A_995 = tpu.vector_load %arg7[%parallel_loop3A_992, %parallel_loop3A_993, %parallel_loop3A_994] {strides = array<i32>} : memref<2x128x128xf32, #tpu.memory_space<vmem>>, vector<16xf32>,
        %parallel_loop3A_996 = arith.subf %parallel_loop3A_995, %gather3A_612 : vector<16xf32>
        %parallel_loop3A_997 = arith.mulf %parallel_loop3A_996, %gather3A_615 : vector<16xf32>
        %parallel_loop3A_998 = arith.constant 0 : i32
        %parallel_loop3A_999 = arith.index_cast %parallel_loop3A_998 : i32 to index
        %parallel_loop3A_1000 = arith.index_cast %parallel_loop3A_990 : i32 to index
        %parallel_loop3A_1001 = arith.constant 0 : index
        %parallel_loop3A_1002 = tpu.vector_load %arg8[%parallel_loop3A_999, %parallel_loop3A_1000, %parallel_loop3A_1001] {strides = array<i32>} : memref<2x128x128xf32, #tpu.memory_space<vmem>>, vector<16xf32>,
        tpu.vector_store %arg8[%parallel_loop3A_999, %parallel_loop3A_1000, %parallel_loop3A_1001], %parallel_loop3A_997 {strides = array<i32>} : memref<2x128x128xf32, #tpu.memory_space<vmem>>, vector<16xf32>,
        %parallel_loop3A_1003 = arith.constant 0 : i32
        %parallel_loop3A_1004 = arith.index_cast %parallel_loop3A_1003 : i32 to index
        %parallel_loop3A_1005 = arith.index_cast %parallel_loop3A_990 : i32 to index
        %parallel_loop3A_1006 = arith.constant 16 : index
        %parallel_loop3A_1007 = tpu.vector_load %arg7[%parallel_loop3A_1004, %parallel_loop3A_1005, %parallel_loop3A_1006] {strides = array<i32>} : memref<2x128x128xf32, #tpu.memory_space<vmem>>, vector<16xf32>,
        %parallel_loop3A_1008 = arith.subf %parallel_loop3A_1007, %gather3A_612 : vector<16xf32>
        %parallel_loop3A_1009 = arith.mulf %parallel_loop3A_1008, %gather3A_615 : vector<16xf32>
        %parallel_loop3A_1010 = arith.constant 0 : i32
        %parallel_loop3A_1011 = arith.index_cast %parallel_loop3A_1010 : i32 to index
        %parallel_loop3A_1012 = arith.index_cast %parallel_loop3A_990 : i32 to index
        %parallel_loop3A_1013 = arith.constant 16 : index
        %parallel_loop3A_1014 = tpu.vector_load %arg8[%parallel_loop3A_1011, %parallel_loop3A_1012, %parallel_loop3A_1013] {strides = array<i32>} : memref<2x128x128xf32, #tpu.memory_space<vmem>>, vector<16xf32>,
        tpu.vector_store %arg8[%parallel_loop3A_1011, %parallel_loop3A_1012, %parallel_loop3A_1013], %parallel_loop3A_1009 {strides = array<i32>} : memref<2x128x128xf32, #tpu.memory_space<vmem>>, vector<16xf32>,
        %parallel_loop3A_1015 = arith.constant 0 : i32
        %parallel_loop3A_1016 = arith.index_cast %parallel_loop3A_1015 : i32 to index
        %parallel_loop3A_1017 = arith.index_cast %parallel_loop3A_990 : i32 to index
        %parallel_loop3A_1018 = arith.constant 32 : index
        %parallel_loop3A_1019 = tpu.vector_load %arg7[%parallel_loop3A_1016, %parallel_loop3A_1017, %parallel_loop3A_1018] {strides = array<i32>} : memref<2x128x128xf32, #tpu.memory_space<vmem>>, vector<16xf32>,
        %parallel_loop3A_1020 = arith.subf %parallel_loop3A_1019, %gather3A_612 : vector<16xf32>
        %parallel_loop3A_1021 = arith.mulf %parallel_loop3A_1020, %gather3A_615 : vector<16xf32>
        %parallel_loop3A_1022 = arith.constant 0 : i32
        %parallel_loop3A_1023 = arith.index_cast %parallel_loop3A_1022 : i32 to index
        %parallel_loop3A_1024 = arith.index_cast %parallel_loop3A_990 : i32 to index
        %parallel_loop3A_1025 = arith.constant 32 : index
        %parallel_loop3A_1026 = tpu.vector_load %arg8[%parallel_loop3A_1023, %parallel_loop3A_1024, %parallel_loop3A_1025] {strides = array<i32>} : memref<2x128x128xf32, #tpu.memory_space<vmem>>, vector<16xf32>,
        tpu.vector_store %arg8[%parallel_loop3A_1023, %parallel_loop3A_1024, %parallel_loop3A_1025], %parallel_loop3A_1021 {strides = array<i32>} : memref<2x128x128xf32, #tpu.memory_space<vmem>>, vector<16xf32>,
        %parallel_loop3A_1027 = arith.constant 0 : i32
        %parallel_loop3A_1028 = arith.index_cast %parallel_loop3A_1027 : i32 to index
        %parallel_loop3A_1029 = arith.index_cast %parallel_loop3A_990 : i32 to index
        %parallel_loop3A_1030 = arith.constant 48 : index
        %parallel_loop3A_1031 = tpu.vector_load %arg7[%parallel_loop3A_1028, %parallel_loop3A_1029, %parallel_loop3A_1030] {strides = array<i32>} : memref<2x128x128xf32, #tpu.memory_space<vmem>>, vector<16xf32>,
        %parallel_loop3A_1032 = arith.subf %parallel_loop3A_1031, %gather3A_612 : vector<16xf32>
        %parallel_loop3A_1033 = arith.mulf %parallel_loop3A_1032, %gather3A_615 : vector<16xf32>
        %parallel_loop3A_1034 = arith.constant 0 : i32
        %parallel_loop3A_1035 = arith.index_cast %parallel_loop3A_1034 : i32 to index
        %parallel_loop3A_1036 = arith.index_cast %parallel_loop3A_990 : i32 to index
        %parallel_loop3A_1037 = arith.constant 48 : index
        %parallel_loop3A_1038 = tpu.vector_load %arg8[%parallel_loop3A_1035, %parallel_loop3A_1036, %parallel_loop3A_1037] {strides = array<i32>} : memref<2x128x128xf32, #tpu.memory_space<vmem>>, vector<16xf32>,
        tpu.vector_store %arg8[%parallel_loop3A_1035, %parallel_loop3A_1036, %parallel_loop3A_1037], %parallel_loop3A_1033 {strides = array<i32>} : memref<2x128x128xf32, #tpu.memory_space<vmem>>, vector<16xf32>,
        %parallel_loop3A_1039 = arith.constant 0 : i32
        %parallel_loop3A_1040 = arith.index_cast %parallel_loop3A_1039 : i32 to index
        %parallel_loop3A_1041 = arith.index_cast %parallel_loop3A_990 : i32 to index
        %parallel_loop3A_1042 = arith.constant 64 : index
        %parallel_loop3A_1043 = tpu.vector_load %arg7[%parallel_loop3A_1040, %parallel_loop3A_1041, %parallel_loop3A_1042] {strides = array<i32>} : memref<2x128x128xf32, #tpu.memory_space<vmem>>, vector<16xf32>,
        %parallel_loop3A_1044 = arith.subf %parallel_loop3A_1043, %gather3A_612 : vector<16xf32>
        %parallel_loop3A_1045 = arith.mulf %parallel_loop3A_1044, %gather3A_615 : vector<16xf32>
        %parallel_loop3A_1046 = arith.constant 0 : i32
        %parallel_loop3A_1047 = arith.index_cast %parallel_loop3A_1046 : i32 to index
        %parallel_loop3A_1048 = arith.index_cast %parallel_loop3A_990 : i32 to index
        %parallel_loop3A_1049 = arith.constant 64 : index
        %parallel_loop3A_1050 = tpu.vector_load %arg8[%parallel_loop3A_1047, %parallel_loop3A_1048, %parallel_loop3A_1049] {strides = array<i32>} : memref<2x128x128xf32, #tpu.memory_space<vmem>>, vector<16xf32>,
        tpu.vector_store %arg8[%parallel_loop3A_1047, %parallel_loop3A_1048, %parallel_loop3A_1049], %parallel_loop3A_1045 {strides = array<i32>} : memref<2x128x128xf32, #tpu.memory_space<vmem>>, vector<16xf32>,
        %parallel_loop3A_1051 = arith.constant 0 : i32
        %parallel_loop3A_1052 = arith.index_cast %parallel_loop3A_1051 : i32 to index
        %parallel_loop3A_1053 = arith.index_cast %parallel_loop3A_990 : i32 to index
        %parallel_loop3A_1054 = arith.constant 80 : index
        %parallel_loop3A_1055 = tpu.vector_load %arg7[%parallel_loop3A_1052, %parallel_loop3A_1053, %parallel_loop3A_1054] {strides = array<i32>} : memref<2x128x128xf32, #tpu.memory_space<vmem>>, vector<16xf32>,
        %parallel_loop3A_1056 = arith.subf %parallel_loop3A_1055, %gather3A_612 : vector<16xf32>
        %parallel_loop3A_1057 = arith.mulf %parallel_loop3A_1056, %gather3A_615 : vector<16xf32>
        %parallel_loop3A_1058 = arith.constant 0 : i32
        %parallel_loop3A_1059 = arith.index_cast %parallel_loop3A_1058 : i32 to index
        %parallel_loop3A_1060 = arith.index_cast %parallel_loop3A_990 : i32 to index
        %parallel_loop3A_1061 = arith.constant 80 : index
        %parallel_loop3A_1062 = tpu.vector_load %arg8[%parallel_loop3A_1059, %parallel_loop3A_1060, %parallel_loop3A_1061] {strides = array<i32>} : memref<2x128x128xf32, #tpu.memory_space<vmem>>, vector<16xf32>,
        tpu.vector_store %arg8[%parallel_loop3A_1059, %parallel_loop3A_1060, %parallel_loop3A_1061], %parallel_loop3A_1057 {strides = array<i32>} : memref<2x128x128xf32, #tpu.memory_space<vmem>>, vector<16xf32>,
        %parallel_loop3A_1063 = arith.constant 0 : i32
        %parallel_loop3A_1064 = arith.index_cast %parallel_loop3A_1063 : i32 to index
        %parallel_loop3A_1065 = arith.index_cast %parallel_loop3A_990 : i32 to index
        %parallel_loop3A_1066 = arith.constant 96 : index
        %parallel_loop3A_1067 = tpu.vector_load %arg7[%parallel_loop3A_1064, %parallel_loop3A_1065, %parallel_loop3A_1066] {strides = array<i32>} : memref<2x128x128xf32, #tpu.memory_space<vmem>>, vector<16xf32>,
        %parallel_loop3A_1068 = arith.subf %parallel_loop3A_1067, %gather3A_612 : vector<16xf32>
        %parallel_loop3A_1069 = arith.mulf %parallel_loop3A_1068, %gather3A_615 : vector<16xf32>
        %parallel_loop3A_1070 = arith.constant 0 : i32
        %parallel_loop3A_1071 = arith.index_cast %parallel_loop3A_1070 : i32 to index
        %parallel_loop3A_1072 = arith.index_cast %parallel_loop3A_990 : i32 to index
        %parallel_loop3A_1073 = arith.constant 96 : index
        %parallel_loop3A_1074 = tpu.vector_load %arg8[%parallel_loop3A_1071, %parallel_loop3A_1072, %parallel_loop3A_1073] {strides = array<i32>} : memref<2x128x128xf32, #tpu.memory_space<vmem>>, vector<16xf32>,
        tpu.vector_store %arg8[%parallel_loop3A_1071, %parallel_loop3A_1072, %parallel_loop3A_1073], %parallel_loop3A_1069 {strides = array<i32>} : memref<2x128x128xf32, #tpu.memory_space<vmem>>, vector<16xf32>,
        %parallel_loop3A_1075 = arith.constant 0 : i32
        %parallel_loop3A_1076 = arith.index_cast %parallel_loop3A_1075 : i32 to index
        %parallel_loop3A_1077 = arith.index_cast %parallel_loop3A_990 : i32 to index
        %parallel_loop3A_1078 = arith.constant 112 : index
        %parallel_loop3A_1079 = tpu.vector_load %arg7[%parallel_loop3A_1076, %parallel_loop3A_1077, %parallel_loop3A_1078] {strides = array<i32>} : memref<2x128x128xf32, #tpu.memory_space<vmem>>, vector<16xf32>,
        %parallel_loop3A_1080 = arith.subf %parallel_loop3A_1079, %gather3A_612 : vector<16xf32>
        %parallel_loop3A_1081 = arith.mulf %parallel_loop3A_1080, %gather3A_615 : vector<16xf32>
        %parallel_loop3A_1082 = arith.constant 0 : i32
        %parallel_loop3A_1083 = arith.index_cast %parallel_loop3A_1082 : i32 to index
        %parallel_loop3A_1084 = arith.index_cast %parallel_loop3A_990 : i32 to index
        %parallel_loop3A_1085 = arith.constant 112 : index
        %parallel_loop3A_1086 = tpu.vector_load %arg8[%parallel_loop3A_1083, %parallel_loop3A_1084, %parallel_loop3A_1085] {strides = array<i32>} : memref<2x128x128xf32, #tpu.memory_space<vmem>>, vector<16xf32>,
        tpu.vector_store %arg8[%parallel_loop3A_1083, %parallel_loop3A_1084, %parallel_loop3A_1085], %parallel_loop3A_1081 {strides = array<i32>} : memref<2x128x128xf32, #tpu.memory_space<vmem>>, vector<16xf32>,
      } {sc.loop_unroll_factor = 2 : i64, sc.parallel_access}
      %jit3A_622 = arith.constant 66 : i32
      %div3A_623 = arith.divsi %add3A_484, %jit3A_622 : i32
      %sign3A_624 = arith.constant 0 : i32
      %sign3A_625 = arith.cmpi sgt, %add3A_484, %sign3A_624 : i32
      %sign3A_626 = arith.extui %sign3A_625 : i1 to i32
      %sign3A_627 = arith.constant 0 : i32
      %sign3A_628 = arith.cmpi slt, %add3A_484, %sign3A_627 : i32
      %sign3A_629 = arith.extui %sign3A_628 : i1 to i32
      %sign3A_630 = arith.subi %sign3A_626, %sign3A_629 : i32
      %sign3A_631 = arith.constant 0 : i32
      %sign3A_632 = arith.cmpi sgt, %jit3A_622, %sign3A_631 : i32
      %sign3A_633 = arith.extui %sign3A_632 : i1 to i32
      %sign3A_634 = arith.constant 0 : i32
      %sign3A_635 = arith.cmpi slt, %jit3A_622, %sign3A_634 : i32
      %sign3A_636 = arith.extui %sign3A_635 : i1 to i32
      %sign3A_637 = arith.subi %sign3A_633, %sign3A_636 : i32
      %ne3A_638 = arith.cmpi ne, %sign3A_630, %sign3A_637 : i32
      %rem3A_639 = arith.remsi %add3A_484, %jit3A_622 : i32
      %ne3A_640 = arith.constant 0 : i32
      %ne3A_641 = arith.cmpi ne, %rem3A_639, %ne3A_640 : i32
      %and3A_642 = arith.andi %ne3A_638, %ne3A_641 : i1
      %sub3A_643 = arith.constant 1 : i32
      %sub3A_644 = arith.subi %div3A_623, %sub3A_643 : i32
      %select_n3A_645 = arith.select %and3A_642, %sub3A_644, %div3A_623 : i32
      %mul3A_646 = arith.constant 66 : i32
      %mul3A_647 = arith.muli %select_n3A_645, %mul3A_646 : i32
      %sub3A_648 = arith.subi %add3A_484, %mul3A_647 : i32
      %mul3A_649 = arith.constant 9 : i32
      %mul3A_650 = arith.muli %select_n3A_645, %mul3A_649 : i32
      %jit3A_651 = arith.constant 8 : i32
      %div3A_652 = arith.divsi %sub3A_648, %jit3A_651 : i32
      %sign3A_653 = arith.constant 0 : i32
      %sign3A_654 = arith.cmpi sgt, %sub3A_648, %sign3A_653 : i32
      %sign3A_655 = arith.extui %sign3A_654 : i1 to i32
      %sign3A_656 = arith.constant 0 : i32
      %sign3A_657 = arith.cmpi slt, %sub3A_648, %sign3A_656 : i32
      %sign3A_658 = arith.extui %sign3A_657 : i1 to i32
      %sign3A_659 = arith.subi %sign3A_655, %sign3A_658 : i32
      %sign3A_660 = arith.constant 0 : i32
      %sign3A_661 = arith.cmpi sgt, %jit3A_651, %sign3A_660 : i32
      %sign3A_662 = arith.extui %sign3A_661 : i1 to i32
      %sign3A_663 = arith.constant 0 : i32
      %sign3A_664 = arith.cmpi slt, %jit3A_651, %sign3A_663 : i32
      %sign3A_665 = arith.extui %sign3A_664 : i1 to i32
      %sign3A_666 = arith.subi %sign3A_662, %sign3A_665 : i32
      %ne3A_667 = arith.cmpi ne, %sign3A_659, %sign3A_666 : i32
      %rem3A_668 = arith.remsi %sub3A_648, %jit3A_651 : i32
      %ne3A_669 = arith.constant 0 : i32
      %ne3A_670 = arith.cmpi ne, %rem3A_668, %ne3A_669 : i32
      %and3A_671 = arith.andi %ne3A_667, %ne3A_670 : i1
      %sub3A_672 = arith.constant 1 : i32
      %sub3A_673 = arith.subi %div3A_652, %sub3A_672 : i32
      %select_n3A_674 = arith.select %and3A_671, %sub3A_673, %div3A_652 : i32
      %add3A_675 = arith.addi %mul3A_650, %select_n3A_674 : i32
      %mul3A_676 = arith.constant 128 : i32
      %mul3A_677 = arith.muli %add3A_675, %mul3A_676 : i32
      %jit3A_678 = arith.constant 8 : i32
      %eq3A_679 = arith.constant 0 : i32
      %eq3A_680 = arith.cmpi eq, %jit3A_678, %eq3A_679 : i32
      %jit3A_681 = arith.constant 1 : i32
      %select_n3A_682 = arith.select %eq3A_680, %jit3A_681, %jit3A_678 : i32
      %rem3A_683 = arith.remsi %sub3A_648, %select_n3A_682 : i32
      %ne3A_684 = arith.constant 0 : i32
      %ne3A_685 = arith.cmpi ne, %rem3A_683, %ne3A_684 : i32
      %lt3A_686 = arith.constant 0 : i32
      %lt3A_687 = arith.cmpi slt, %rem3A_683, %lt3A_686 : i32
      %lt3A_688 = arith.constant 0 : i32
      %lt3A_689 = arith.cmpi slt, %select_n3A_682, %lt3A_688 : i32
      %ne3A_690 = arith.xori %lt3A_687, %lt3A_689 : i1
      %and3A_691 = arith.andi %ne3A_690, %ne3A_685 : i1
      %add3A_692 = arith.addi %rem3A_683, %select_n3A_682 : i32
      %select_n3A_693 = arith.select %and3A_691, %add3A_692, %rem3A_683 : i32
      %dma_start3A_694 = arith.constant 0 : i32
      %dma_start3A_695 = arith.constant 0 : i32
      %dma_start3A_696 = arith.constant 0 : i32
      %dma_start3A_697 = tpu.memref_slice %arg8[%dma_start3A_694, %dma_start3A_695, %dma_start3A_696] : memref<2x128x128xf32, #tpu.memory_space<vmem>> -> memref<1x128x128xf32, #tpu.memory_space<vmem>>
      %dma_start3A_698 = tpu.memref_squeeze %dma_start3A_697 : memref<1x128x128xf32, #tpu.memory_space<vmem>> -> memref<128x128xf32, #tpu.memory_space<vmem>>
      %dma_start3A_699 = arith.constant 0 : i32
      %dma_start3A_700 = tpu.memref_slice %arg6[%mul3A_677, %select_n3A_693, %dma_start3A_699] : memref<57600x8x128xf32, #tpu.memory_space<hbm>> -> memref<128x1x128xf32, #tpu.memory_space<hbm>>
      %dma_start3A_701 = tpu.memref_squeeze %dma_start3A_700 : memref<128x1x128xf32, #tpu.memory_space<hbm>> -> memref<128x128xf32, #tpu.memory_space<hbm>>
      %dma_start3A_702 = arith.constant 0 : i32
      %dma_start3A_703 = tpu.memref_slice %arg6[%mul3A_677, %select_n3A_693, %dma_start3A_702] : memref<57600x8x128xf32, #tpu.memory_space<hbm>> -> memref<128x1x128xf32, #tpu.memory_space<hbm>>
      %dma_start3A_704 = tpu.memref_squeeze %dma_start3A_703 : memref<128x1x128xf32, #tpu.memory_space<hbm>> -> memref<128x128xf32, #tpu.memory_space<hbm>>
      %dma_start3A_705 = arith.constant 0 : i32
      %dma_start3A_706 = arith.constant 0 : i32
      %dma_start3A_707 = tpu.memref_slice %arg8[%dma_start3A_694, %dma_start3A_705, %dma_start3A_706] : memref<2x128x128xf32, #tpu.memory_space<vmem>> -> memref<1x128x128xf32, #tpu.memory_space<vmem>>
      %dma_start3A_708 = tpu.memref_squeeze %dma_start3A_707 : memref<1x128x128xf32, #tpu.memory_space<vmem>> -> memref<128x128xf32, #tpu.memory_space<vmem>>
      tpu.enqueue_dma source(%dma_start3A_708 : memref<128x128xf32, #tpu.memory_space<vmem>>) target(%dma_start3A_704 : memref<128x128xf32, #tpu.memory_space<hbm>>) target_semaphore(%arg14 : memref<!tpu.dma_semaphore, #tpu.memory_space<semaphore_mem>>)
      %add3A_709 = arith.constant 2 : i32
      %add3A_710 = arith.addi %mul3A_434, %add3A_709 : i32
      %lt3A_711 = arith.cmpi slt, %add3A_710, %mul3A_27 : i32
      %convert_element_type3A_712 = arith.extui %lt3A_711 : i1 to i32
      %cond3A_713 = arith.constant 0 : i32
      %cond3A_714 = arith.cmpi ne, %convert_element_type3A_712, %cond3A_713 : i32
      scf.if %cond3A_714 {
        %add3A_990 = arith.constant 2 : i32
        %add3A_991 = arith.addi %mul3A_434, %add3A_990 : i32
        %jit3A_992 = arith.constant 2 : i32
        %div3A_993 = arith.divsi %add3A_991, %jit3A_992 : i32
        %sign3A_994 = arith.constant 0 : i32
        %sign3A_995 = arith.cmpi sgt, %add3A_991, %sign3A_994 : i32
        %sign3A_996 = arith.extui %sign3A_995 : i1 to i32
        %sign3A_997 = arith.constant 0 : i32
        %sign3A_998 = arith.cmpi slt, %add3A_991, %sign3A_997 : i32
        %sign3A_999 = arith.extui %sign3A_998 : i1 to i32
        %sign3A_1000 = arith.subi %sign3A_996, %sign3A_999 : i32
        %sign3A_1001 = arith.constant 0 : i32
        %sign3A_1002 = arith.cmpi sgt, %jit3A_992, %sign3A_1001 : i32
        %sign3A_1003 = arith.extui %sign3A_1002 : i1 to i32
        %sign3A_1004 = arith.constant 0 : i32
        %sign3A_1005 = arith.cmpi slt, %jit3A_992, %sign3A_1004 : i32
        %sign3A_1006 = arith.extui %sign3A_1005 : i1 to i32
        %sign3A_1007 = arith.subi %sign3A_1003, %sign3A_1006 : i32
        %ne3A_1008 = arith.cmpi ne, %sign3A_1000, %sign3A_1007 : i32
        %rem3A_1009 = arith.remsi %add3A_991, %jit3A_992 : i32
        %ne3A_1010 = arith.constant 0 : i32
        %ne3A_1011 = arith.cmpi ne, %rem3A_1009, %ne3A_1010 : i32
        %and3A_1012 = arith.andi %ne3A_1008, %ne3A_1011 : i1
        %sub3A_1013 = arith.constant 1 : i32
        %sub3A_1014 = arith.subi %div3A_993, %sub3A_1013 : i32
        %select_n3A_1015 = arith.select %and3A_1012, %sub3A_1014, %div3A_993 : i32
        %mul3A_1016 = arith.constant 32 : i32
        %mul3A_1017 = arith.muli %select_n3A_1015, %mul3A_1016 : i32
        %add3A_1018 = arith.addi %add3A, %mul3A_1017 : i32
        %mul3A_1019 = arith.constant 2 : i32
        %mul3A_1020 = arith.muli %mul3A_1019, %add3A_1018 : i32
        %jit3A_1021 = arith.constant 2 : i32
        %eq3A_1022 = arith.constant 0 : i32
        %eq3A_1023 = arith.cmpi eq, %jit3A_1021, %eq3A_1022 : i32
        %jit3A_1024 = arith.constant 1 : i32
        %select_n3A_1025 = arith.select %eq3A_1023, %jit3A_1024, %jit3A_1021 : i32
        %rem3A_1026 = arith.remsi %add3A_991, %select_n3A_1025 : i32
        %ne3A_1027 = arith.constant 0 : i32
        %ne3A_1028 = arith.cmpi ne, %rem3A_1026, %ne3A_1027 : i32
        %lt3A_1029 = arith.constant 0 : i32
        %lt3A_1030 = arith.cmpi slt, %rem3A_1026, %lt3A_1029 : i32
        %lt3A_1031 = arith.constant 0 : i32
        %lt3A_1032 = arith.cmpi slt, %select_n3A_1025, %lt3A_1031 : i32
        %ne3A_1033 = arith.xori %lt3A_1030, %lt3A_1032 : i1
        %and3A_1034 = arith.andi %ne3A_1033, %ne3A_1028 : i1
        %add3A_1035 = arith.addi %rem3A_1026, %select_n3A_1025 : i32
        %select_n3A_1036 = arith.select %and3A_1034, %add3A_1035, %rem3A_1026 : i32
        %add3A_1037 = arith.addi %mul3A_1020, %select_n3A_1036 : i32
        %jit3A_1038 = arith.constant 66 : i32
        %div3A_1039 = arith.divsi %add3A_1037, %jit3A_1038 : i32
        %sign3A_1040 = arith.constant 0 : i32
        %sign3A_1041 = arith.cmpi sgt, %add3A_1037, %sign3A_1040 : i32
        %sign3A_1042 = arith.extui %sign3A_1041 : i1 to i32
        %sign3A_1043 = arith.constant 0 : i32
        %sign3A_1044 = arith.cmpi slt, %add3A_1037, %sign3A_1043 : i32
        %sign3A_1045 = arith.extui %sign3A_1044 : i1 to i32
        %sign3A_1046 = arith.subi %sign3A_1042, %sign3A_1045 : i32
        %sign3A_1047 = arith.constant 0 : i32
        %sign3A_1048 = arith.cmpi sgt, %jit3A_1038, %sign3A_1047 : i32
        %sign3A_1049 = arith.extui %sign3A_1048 : i1 to i32
        %sign3A_1050 = arith.constant 0 : i32
        %sign3A_1051 = arith.cmpi slt, %jit3A_1038, %sign3A_1050 : i32
        %sign3A_1052 = arith.extui %sign3A_1051 : i1 to i32
        %sign3A_1053 = arith.subi %sign3A_1049, %sign3A_1052 : i32
        %ne3A_1054 = arith.cmpi ne, %sign3A_1046, %sign3A_1053 : i32
        %rem3A_1055 = arith.remsi %add3A_1037, %jit3A_1038 : i32
        %ne3A_1056 = arith.constant 0 : i32
        %ne3A_1057 = arith.cmpi ne, %rem3A_1055, %ne3A_1056 : i32
        %and3A_1058 = arith.andi %ne3A_1054, %ne3A_1057 : i1
        %sub3A_1059 = arith.constant 1 : i32
        %sub3A_1060 = arith.subi %div3A_1039, %sub3A_1059 : i32
        %select_n3A_1061 = arith.select %and3A_1058, %sub3A_1060, %div3A_1039 : i32
        %mul3A_1062 = arith.constant 66 : i32
        %mul3A_1063 = arith.muli %select_n3A_1061, %mul3A_1062 : i32
        %sub3A_1064 = arith.subi %add3A_1037, %mul3A_1063 : i32
        %add3A_1065 = vector.broadcast %sub3A_1064 : i32 to vector<16xi32>
        %add3A_1066 = arith.addi %mul3A_3, %add3A_1065 : vector<16xi32>
        %gather3A_1067 = tpu.vector_load_idx %arg11[%add3A_1066] : memref<80xi32, #tpu.memory_space<vmem>>[vector<16xi32>], vector<16xi32>,
        %reduce_max3A_1068 = arith.constant true
        %reduce_max3A_1069 = vector.broadcast %reduce_max3A_1068 : i1 to vector<16xi1>
        %reduce_max3A_1070 = arith.constant -2147483648 : i32
        %reduce_max3A_1071 = vector.broadcast %reduce_max3A_1070 : i32 to vector<16xi32>
        %reduce_max3A_1072 = arith.xori %gather3A_1067, %reduce_max3A_1071 : vector<16xi32>
        %reduce_max3A_1073 = tpu.scan <max>, %reduce_max3A_1072 masked %reduce_max3A_1069 : vector<16xi32>, vector<16xi1> -> vector<16xi32>
        %reduce_max3A_1074 = arith.xori %reduce_max3A_1073, %reduce_max3A_1071 : vector<16xi32>
        %reduce_max3A_1075 = vector.extract %reduce_max3A_1074[15] : i32 from vector<16xi32>
        %mul3A_1076 = arith.constant 12 : i32
        %mul3A_1077 = arith.muli %select_n3A_1061, %mul3A_1076 : i32
        %jit3A_1078 = arith.constant 8 : i32
        %div3A_1079 = arith.divsi %reduce_max3A_1075, %jit3A_1078 : i32
        %sign3A_1080 = arith.constant 0 : i32
        %sign3A_1081 = arith.cmpi sgt, %reduce_max3A_1075, %sign3A_1080 : i32
        %sign3A_1082 = arith.extui %sign3A_1081 : i1 to i32
        %sign3A_1083 = arith.constant 0 : i32
        %sign3A_1084 = arith.cmpi slt, %reduce_max3A_1075, %sign3A_1083 : i32
        %sign3A_1085 = arith.extui %sign3A_1084 : i1 to i32
        %sign3A_1086 = arith.subi %sign3A_1082, %sign3A_1085 : i32
        %sign3A_1087 = arith.constant 0 : i32
        %sign3A_1088 = arith.cmpi sgt, %jit3A_1078, %sign3A_1087 : i32
        %sign3A_1089 = arith.extui %sign3A_1088 : i1 to i32
        %sign3A_1090 = arith.constant 0 : i32
        %sign3A_1091 = arith.cmpi slt, %jit3A_1078, %sign3A_1090 : i32
        %sign3A_1092 = arith.extui %sign3A_1091 : i1 to i32
        %sign3A_1093 = arith.subi %sign3A_1089, %sign3A_1092 : i32
        %ne3A_1094 = arith.cmpi ne, %sign3A_1086, %sign3A_1093 : i32
        %rem3A_1095 = arith.remsi %reduce_max3A_1075, %jit3A_1078 : i32
        %ne3A_1096 = arith.constant 0 : i32
        %ne3A_1097 = arith.cmpi ne, %rem3A_1095, %ne3A_1096 : i32
        %and3A_1098 = arith.andi %ne3A_1094, %ne3A_1097 : i1
        %sub3A_1099 = arith.constant 1 : i32
        %sub3A_1100 = arith.subi %div3A_1079, %sub3A_1099 : i32
        %select_n3A_1101 = arith.select %and3A_1098, %sub3A_1100, %div3A_1079 : i32
        %add3A_1102 = arith.addi %mul3A_1077, %select_n3A_1101 : i32
        %mul3A_1103 = arith.constant 128 : i32
        %mul3A_1104 = arith.muli %add3A_1102, %mul3A_1103 : i32
        %jit3A_1105 = arith.constant 8 : i32
        %eq3A_1106 = arith.constant 0 : i32
        %eq3A_1107 = arith.cmpi eq, %jit3A_1105, %eq3A_1106 : i32
        %jit3A_1108 = arith.constant 1 : i32
        %select_n3A_1109 = arith.select %eq3A_1107, %jit3A_1108, %jit3A_1105 : i32
        %rem3A_1110 = arith.remsi %reduce_max3A_1075, %select_n3A_1109 : i32
        %ne3A_1111 = arith.constant 0 : i32
        %ne3A_1112 = arith.cmpi ne, %rem3A_1110, %ne3A_1111 : i32
        %lt3A_1113 = arith.constant 0 : i32
        %lt3A_1114 = arith.cmpi slt, %rem3A_1110, %lt3A_1113 : i32
        %lt3A_1115 = arith.constant 0 : i32
        %lt3A_1116 = arith.cmpi slt, %select_n3A_1109, %lt3A_1115 : i32
        %ne3A_1117 = arith.xori %lt3A_1114, %lt3A_1116 : i1
        %and3A_1118 = arith.andi %ne3A_1117, %ne3A_1112 : i1
        %add3A_1119 = arith.addi %rem3A_1110, %select_n3A_1109 : i32
        %select_n3A_1120 = arith.select %and3A_1118, %add3A_1119, %rem3A_1110 : i32
        %dma_start3A_1121 = arith.constant 0 : i32
        %dma_start3A_1122 = arith.constant 0 : i32
        %dma_start3A_1123 = arith.constant 0 : i32
        %dma_start3A_1124 = tpu.memref_slice %arg7[%dma_start3A_1121, %dma_start3A_1122, %dma_start3A_1123] : memref<2x128x128xf32, #tpu.memory_space<vmem>> -> memref<1x128x128xf32, #tpu.memory_space<vmem>>
        %dma_start3A_1125 = tpu.memref_squeeze %dma_start3A_1124 : memref<1x128x128xf32, #tpu.memory_space<vmem>> -> memref<128x128xf32, #tpu.memory_space<vmem>>
        %dma_start3A_1126 = arith.constant 0 : i32
        %dma_start3A_1127 = tpu.memref_slice %arg2[%mul3A_1104, %select_n3A_1120, %dma_start3A_1126] : memref<76800x8x128xf32, #tpu.memory_space<hbm>> -> memref<128x1x128xf32, #tpu.memory_space<hbm>>
        %dma_start3A_1128 = tpu.memref_squeeze %dma_start3A_1127 : memref<128x1x128xf32, #tpu.memory_space<hbm>> -> memref<128x128xf32, #tpu.memory_space<hbm>>
        %dma_start3A_1129 = arith.constant 0 : i32
        %dma_start3A_1130 = arith.constant 0 : i32
        %dma_start3A_1131 = tpu.memref_slice %arg7[%dma_start3A_1121, %dma_start3A_1129, %dma_start3A_1130] : memref<2x128x128xf32, #tpu.memory_space<vmem>> -> memref<1x128x128xf32, #tpu.memory_space<vmem>>
        %dma_start3A_1132 = tpu.memref_squeeze %dma_start3A_1131 : memref<1x128x128xf32, #tpu.memory_space<vmem>> -> memref<128x128xf32, #tpu.memory_space<vmem>>
        %dma_start3A_1133 = arith.constant 0 : i32
        %dma_start3A_1134 = tpu.memref_slice %arg2[%mul3A_1104, %select_n3A_1120, %dma_start3A_1133] : memref<76800x8x128xf32, #tpu.memory_space<hbm>> -> memref<128x1x128xf32, #tpu.memory_space<hbm>>
        %dma_start3A_1135 = tpu.memref_squeeze %dma_start3A_1134 : memref<128x1x128xf32, #tpu.memory_space<hbm>> -> memref<128x128xf32, #tpu.memory_space<hbm>>
        tpu.enqueue_dma source(%dma_start3A_1135 : memref<128x128xf32, #tpu.memory_space<hbm>>) target(%dma_start3A_1132 : memref<128x128xf32, #tpu.memory_space<vmem>>) target_semaphore(%arg12 : memref<!tpu.dma_semaphore, #tpu.memory_space<semaphore_mem>>)
      } else {
      }
      %add3A_715 = arith.constant 1 : i32
      %add3A_716 = arith.addi %mul3A_434, %add3A_715 : i32
      %jit3A_717 = arith.constant 2 : i32
      %div3A_718 = arith.divsi %add3A_716, %jit3A_717 : i32
      %sign3A_719 = arith.constant 0 : i32
      %sign3A_720 = arith.cmpi sgt, %add3A_716, %sign3A_719 : i32
      %sign3A_721 = arith.extui %sign3A_720 : i1 to i32
      %sign3A_722 = arith.constant 0 : i32
      %sign3A_723 = arith.cmpi slt, %add3A_716, %sign3A_722 : i32
      %sign3A_724 = arith.extui %sign3A_723 : i1 to i32
      %sign3A_725 = arith.subi %sign3A_721, %sign3A_724 : i32
      %sign3A_726 = arith.constant 0 : i32
      %sign3A_727 = arith.cmpi sgt, %jit3A_717, %sign3A_726 : i32
      %sign3A_728 = arith.extui %sign3A_727 : i1 to i32
      %sign3A_729 = arith.constant 0 : i32
      %sign3A_730 = arith.cmpi slt, %jit3A_717, %sign3A_729 : i32
      %sign3A_731 = arith.extui %sign3A_730 : i1 to i32
      %sign3A_732 = arith.subi %sign3A_728, %sign3A_731 : i32
      %ne3A_733 = arith.cmpi ne, %sign3A_725, %sign3A_732 : i32
      %rem3A_734 = arith.remsi %add3A_716, %jit3A_717 : i32
      %ne3A_735 = arith.constant 0 : i32
      %ne3A_736 = arith.cmpi ne, %rem3A_734, %ne3A_735 : i32
      %and3A_737 = arith.andi %ne3A_733, %ne3A_736 : i1
      %sub3A_738 = arith.constant 1 : i32
      %sub3A_739 = arith.subi %div3A_718, %sub3A_738 : i32
      %select_n3A_740 = arith.select %and3A_737, %sub3A_739, %div3A_718 : i32
      %mul3A_741 = arith.constant 32 : i32
      %mul3A_742 = arith.muli %select_n3A_740, %mul3A_741 : i32
      %add3A_743 = arith.addi %add3A, %mul3A_742 : i32
      %mul3A_744 = arith.constant 2 : i32
      %mul3A_745 = arith.muli %mul3A_744, %add3A_743 : i32
      %jit3A_746 = arith.constant 2 : i32
      %eq3A_747 = arith.constant 0 : i32
      %eq3A_748 = arith.cmpi eq, %jit3A_746, %eq3A_747 : i32
      %jit3A_749 = arith.constant 1 : i32
      %select_n3A_750 = arith.select %eq3A_748, %jit3A_749, %jit3A_746 : i32
      %rem3A_751 = arith.remsi %add3A_716, %select_n3A_750 : i32
      %ne3A_752 = arith.constant 0 : i32
      %ne3A_753 = arith.cmpi ne, %rem3A_751, %ne3A_752 : i32
      %lt3A_754 = arith.constant 0 : i32
      %lt3A_755 = arith.cmpi slt, %rem3A_751, %lt3A_754 : i32
      %lt3A_756 = arith.constant 0 : i32
      %lt3A_757 = arith.cmpi slt, %select_n3A_750, %lt3A_756 : i32
      %ne3A_758 = arith.xori %lt3A_755, %lt3A_757 : i1
      %and3A_759 = arith.andi %ne3A_758, %ne3A_753 : i1
      %add3A_760 = arith.addi %rem3A_751, %select_n3A_750 : i32
      %select_n3A_761 = arith.select %and3A_759, %add3A_760, %rem3A_751 : i32
      %add3A_762 = arith.addi %mul3A_745, %select_n3A_761 : i32
      %jit3A_763 = arith.constant 66 : i32
      %div3A_764 = arith.divsi %add3A_762, %jit3A_763 : i32
      %sign3A_765 = arith.constant 0 : i32
      %sign3A_766 = arith.cmpi sgt, %add3A_762, %sign3A_765 : i32
      %sign3A_767 = arith.extui %sign3A_766 : i1 to i32
      %sign3A_768 = arith.constant 0 : i32
      %sign3A_769 = arith.cmpi slt, %add3A_762, %sign3A_768 : i32
      %sign3A_770 = arith.extui %sign3A_769 : i1 to i32
      %sign3A_771 = arith.subi %sign3A_767, %sign3A_770 : i32
      %sign3A_772 = arith.constant 0 : i32
      %sign3A_773 = arith.cmpi sgt, %jit3A_763, %sign3A_772 : i32
      %sign3A_774 = arith.extui %sign3A_773 : i1 to i32
      %sign3A_775 = arith.constant 0 : i32
      %sign3A_776 = arith.cmpi slt, %jit3A_763, %sign3A_775 : i32
      %sign3A_777 = arith.extui %sign3A_776 : i1 to i32
      %sign3A_778 = arith.subi %sign3A_774, %sign3A_777 : i32
      %ne3A_779 = arith.cmpi ne, %sign3A_771, %sign3A_778 : i32
      %rem3A_780 = arith.remsi %add3A_762, %jit3A_763 : i32
      %ne3A_781 = arith.constant 0 : i32
      %ne3A_782 = arith.cmpi ne, %rem3A_780, %ne3A_781 : i32
      %and3A_783 = arith.andi %ne3A_779, %ne3A_782 : i1
      %sub3A_784 = arith.constant 1 : i32
      %sub3A_785 = arith.subi %div3A_764, %sub3A_784 : i32
      %select_n3A_786 = arith.select %and3A_783, %sub3A_785, %div3A_764 : i32
      %mul3A_787 = arith.constant 66 : i32
      %mul3A_788 = arith.muli %select_n3A_786, %mul3A_787 : i32
      %sub3A_789 = arith.subi %add3A_762, %mul3A_788 : i32
      %add3A_790 = vector.broadcast %sub3A_789 : i32 to vector<16xi32>
      %add3A_791 = arith.addi %mul3A_3, %add3A_790 : vector<16xi32>
      %gather3A_792 = tpu.vector_load_idx %arg11[%add3A_791] : memref<80xi32, #tpu.memory_space<vmem>>[vector<16xi32>], vector<16xi32>,
      %reduce_max3A_793 = arith.constant true
      %reduce_max3A_794 = vector.broadcast %reduce_max3A_793 : i1 to vector<16xi1>
      %reduce_max3A_795 = arith.constant -2147483648 : i32
      %reduce_max3A_796 = vector.broadcast %reduce_max3A_795 : i32 to vector<16xi32>
      %reduce_max3A_797 = arith.xori %gather3A_792, %reduce_max3A_796 : vector<16xi32>
      %reduce_max3A_798 = tpu.scan <max>, %reduce_max3A_797 masked %reduce_max3A_794 : vector<16xi32>, vector<16xi1> -> vector<16xi32>
      %reduce_max3A_799 = arith.xori %reduce_max3A_798, %reduce_max3A_796 : vector<16xi32>
      %reduce_max3A_800 = vector.extract %reduce_max3A_799[15] : i32 from vector<16xi32>
      %mul3A_801 = arith.constant 12 : i32
      %mul3A_802 = arith.muli %select_n3A_786, %mul3A_801 : i32
      %jit3A_803 = arith.constant 8 : i32
      %div3A_804 = arith.divsi %reduce_max3A_800, %jit3A_803 : i32
      %sign3A_805 = arith.constant 0 : i32
      %sign3A_806 = arith.cmpi sgt, %reduce_max3A_800, %sign3A_805 : i32
      %sign3A_807 = arith.extui %sign3A_806 : i1 to i32
      %sign3A_808 = arith.constant 0 : i32
      %sign3A_809 = arith.cmpi slt, %reduce_max3A_800, %sign3A_808 : i32
      %sign3A_810 = arith.extui %sign3A_809 : i1 to i32
      %sign3A_811 = arith.subi %sign3A_807, %sign3A_810 : i32
      %sign3A_812 = arith.constant 0 : i32
      %sign3A_813 = arith.cmpi sgt, %jit3A_803, %sign3A_812 : i32
      %sign3A_814 = arith.extui %sign3A_813 : i1 to i32
      %sign3A_815 = arith.constant 0 : i32
      %sign3A_816 = arith.cmpi slt, %jit3A_803, %sign3A_815 : i32
      %sign3A_817 = arith.extui %sign3A_816 : i1 to i32
      %sign3A_818 = arith.subi %sign3A_814, %sign3A_817 : i32
      %ne3A_819 = arith.cmpi ne, %sign3A_811, %sign3A_818 : i32
      %rem3A_820 = arith.remsi %reduce_max3A_800, %jit3A_803 : i32
      %ne3A_821 = arith.constant 0 : i32
      %ne3A_822 = arith.cmpi ne, %rem3A_820, %ne3A_821 : i32
      %and3A_823 = arith.andi %ne3A_819, %ne3A_822 : i1
      %sub3A_824 = arith.constant 1 : i32
      %sub3A_825 = arith.subi %div3A_804, %sub3A_824 : i32
      %select_n3A_826 = arith.select %and3A_823, %sub3A_825, %div3A_804 : i32
      %add3A_827 = arith.addi %mul3A_802, %select_n3A_826 : i32
      %mul3A_828 = arith.constant 128 : i32
      %mul3A_829 = arith.muli %add3A_827, %mul3A_828 : i32
      %jit3A_830 = arith.constant 8 : i32
      %eq3A_831 = arith.constant 0 : i32
      %eq3A_832 = arith.cmpi eq, %jit3A_830, %eq3A_831 : i32
      %jit3A_833 = arith.constant 1 : i32
      %select_n3A_834 = arith.select %eq3A_832, %jit3A_833, %jit3A_830 : i32
      %rem3A_835 = arith.remsi %reduce_max3A_800, %select_n3A_834 : i32
      %ne3A_836 = arith.constant 0 : i32
      %ne3A_837 = arith.cmpi ne, %rem3A_835, %ne3A_836 : i32
      %lt3A_838 = arith.constant 0 : i32
      %lt3A_839 = arith.cmpi slt, %rem3A_835, %lt3A_838 : i32
      %lt3A_840 = arith.constant 0 : i32
      %lt3A_841 = arith.cmpi slt, %select_n3A_834, %lt3A_840 : i32
      %ne3A_842 = arith.xori %lt3A_839, %lt3A_841 : i1
      %and3A_843 = arith.andi %ne3A_842, %ne3A_837 : i1
      %add3A_844 = arith.addi %rem3A_835, %select_n3A_834 : i32
      %select_n3A_845 = arith.select %and3A_843, %add3A_844, %rem3A_835 : i32
      %dma_wait3A_846 = arith.constant 1 : i32
      %dma_wait3A_847 = arith.constant 0 : i32
      %dma_wait3A_848 = arith.constant 0 : i32
      %dma_wait3A_849 = tpu.memref_slice %arg7[%dma_wait3A_846, %dma_wait3A_847, %dma_wait3A_848] : memref<2x128x128xf32, #tpu.memory_space<vmem>> -> memref<1x128x128xf32, #tpu.memory_space<vmem>>
      %dma_wait3A_850 = tpu.memref_squeeze %dma_wait3A_849 : memref<1x128x128xf32, #tpu.memory_space<vmem>> -> memref<128x128xf32, #tpu.memory_space<vmem>>
      %dma_wait3A_851 = arith.constant 0 : i32
      %dma_wait3A_852 = tpu.memref_slice %arg2[%mul3A_829, %select_n3A_845, %dma_wait3A_851] : memref<76800x8x128xf32, #tpu.memory_space<hbm>> -> memref<128x1x128xf32, #tpu.memory_space<hbm>>
      %dma_wait3A_853 = tpu.memref_squeeze %dma_wait3A_852 : memref<128x1x128xf32, #tpu.memory_space<hbm>> -> memref<128x128xf32, #tpu.memory_space<hbm>>
      %dma_wait3A_854 = arith.constant 0 : i32
      %dma_wait3A_855 = arith.constant 0 : i32
      %dma_wait3A_856 = tpu.memref_slice %arg7[%dma_wait3A_846, %dma_wait3A_854, %dma_wait3A_855] : memref<2x128x128xf32, #tpu.memory_space<vmem>> -> memref<1x128x128xf32, #tpu.memory_space<vmem>>
      %dma_wait3A_857 = tpu.memref_squeeze %dma_wait3A_856 : memref<1x128x128xf32, #tpu.memory_space<vmem>> -> memref<128x128xf32, #tpu.memory_space<vmem>>
      %dma_wait3A_858 = arith.constant 0 : i32
      %dma_wait3A_859 = tpu.memref_slice %arg2[%mul3A_829, %select_n3A_845, %dma_wait3A_858] : memref<76800x8x128xf32, #tpu.memory_space<hbm>> -> memref<128x1x128xf32, #tpu.memory_space<hbm>>
      %dma_wait3A_860 = tpu.memref_squeeze %dma_wait3A_859 : memref<128x1x128xf32, #tpu.memory_space<hbm>> -> memref<128x128xf32, #tpu.memory_space<hbm>>
      tpu.wait_dma2 semaphore(%arg13 : memref<!tpu.dma_semaphore, #tpu.memory_space<semaphore_mem>>) src(%dma_wait3A_860 : memref<128x128xf32, #tpu.memory_space<hbm>>) dst(%dma_wait3A_857 : memref<128x128xf32, #tpu.memory_space<vmem>>)
      %jit3A_861 = arith.constant 66 : i32
      %div3A_862 = arith.divsi %add3A_762, %jit3A_861 : i32
      %sign3A_863 = arith.constant 0 : i32
      %sign3A_864 = arith.cmpi sgt, %add3A_762, %sign3A_863 : i32
      %sign3A_865 = arith.extui %sign3A_864 : i1 to i32
      %sign3A_866 = arith.constant 0 : i32
      %sign3A_867 = arith.cmpi slt, %add3A_762, %sign3A_866 : i32
      %sign3A_868 = arith.extui %sign3A_867 : i1 to i32
      %sign3A_869 = arith.subi %sign3A_865, %sign3A_868 : i32
      %sign3A_870 = arith.constant 0 : i32
      %sign3A_871 = arith.cmpi sgt, %jit3A_861, %sign3A_870 : i32
      %sign3A_872 = arith.extui %sign3A_871 : i1 to i32
      %sign3A_873 = arith.constant 0 : i32
      %sign3A_874 = arith.cmpi slt, %jit3A_861, %sign3A_873 : i32
      %sign3A_875 = arith.extui %sign3A_874 : i1 to i32
      %sign3A_876 = arith.subi %sign3A_872, %sign3A_875 : i32
      %ne3A_877 = arith.cmpi ne, %sign3A_869, %sign3A_876 : i32
      %rem3A_878 = arith.remsi %add3A_762, %jit3A_861 : i32
      %ne3A_879 = arith.constant 0 : i32
      %ne3A_880 = arith.cmpi ne, %rem3A_878, %ne3A_879 : i32
      %and3A_881 = arith.andi %ne3A_877, %ne3A_880 : i1
      %sub3A_882 = arith.constant 1 : i32
      %sub3A_883 = arith.subi %div3A_862, %sub3A_882 : i32
      %select_n3A_884 = arith.select %and3A_881, %sub3A_883, %div3A_862 : i32
      %mul3A_885 = arith.constant 66 : i32
      %mul3A_886 = arith.muli %select_n3A_884, %mul3A_885 : i32
      %sub3A_887 = arith.subi %add3A_762, %mul3A_886 : i32
      %add3A_888 = vector.broadcast %sub3A_887 : i32 to vector<16xi32>
      %add3A_889 = arith.addi %mul3A_3, %add3A_888 : vector<16xi32>
      %gather3A_890 = tpu.vector_load_idx %arg9[%add3A_889] : memref<80xf32, #tpu.memory_space<vmem>>[vector<16xi32>], vector<16xf32>,
      %add3A_891 = vector.broadcast %sub3A_887 : i32 to vector<16xi32>
      %add3A_892 = arith.addi %mul3A_3, %add3A_891 : vector<16xi32>
      %gather3A_893 = tpu.vector_load_idx %arg10[%add3A_892] : memref<80xf32, #tpu.memory_space<vmem>>[vector<16xi32>], vector<16xf32>,
      %ge3A_894 = arith.constant 1 : i32
      %ge3A_895 = arith.cmpi sge, %while3A_431, %ge3A_894 : i32
      %convert_element_type3A_896 = arith.extui %ge3A_895 : i1 to i32
      %cond3A_897 = arith.constant 0 : i32
      %cond3A_898 = arith.cmpi ne, %convert_element_type3A_896, %cond3A_897 : i32
      scf.if %cond3A_898 {
        %sub3A_990 = arith.constant 2 : i32
        %sub3A_991 = arith.subi %add3A_716, %sub3A_990 : i32
        %jit3A_992 = arith.constant 2 : i32
        %div3A_993 = arith.divsi %sub3A_991, %jit3A_992 : i32
        %sign3A_994 = arith.constant 0 : i32
        %sign3A_995 = arith.cmpi sgt, %sub3A_991, %sign3A_994 : i32
        %sign3A_996 = arith.extui %sign3A_995 : i1 to i32
        %sign3A_997 = arith.constant 0 : i32
        %sign3A_998 = arith.cmpi slt, %sub3A_991, %sign3A_997 : i32
        %sign3A_999 = arith.extui %sign3A_998 : i1 to i32
        %sign3A_1000 = arith.subi %sign3A_996, %sign3A_999 : i32
        %sign3A_1001 = arith.constant 0 : i32
        %sign3A_1002 = arith.cmpi sgt, %jit3A_992, %sign3A_1001 : i32
        %sign3A_1003 = arith.extui %sign3A_1002 : i1 to i32
        %sign3A_1004 = arith.constant 0 : i32
        %sign3A_1005 = arith.cmpi slt, %jit3A_992, %sign3A_1004 : i32
        %sign3A_1006 = arith.extui %sign3A_1005 : i1 to i32
        %sign3A_1007 = arith.subi %sign3A_1003, %sign3A_1006 : i32
        %ne3A_1008 = arith.cmpi ne, %sign3A_1000, %sign3A_1007 : i32
        %rem3A_1009 = arith.remsi %sub3A_991, %jit3A_992 : i32
        %ne3A_1010 = arith.constant 0 : i32
        %ne3A_1011 = arith.cmpi ne, %rem3A_1009, %ne3A_1010 : i32
        %and3A_1012 = arith.andi %ne3A_1008, %ne3A_1011 : i1
        %sub3A_1013 = arith.constant 1 : i32
        %sub3A_1014 = arith.subi %div3A_993, %sub3A_1013 : i32
        %select_n3A_1015 = arith.select %and3A_1012, %sub3A_1014, %div3A_993 : i32
        %mul3A_1016 = arith.constant 32 : i32
        %mul3A_1017 = arith.muli %select_n3A_1015, %mul3A_1016 : i32
        %add3A_1018 = arith.addi %add3A, %mul3A_1017 : i32
        %mul3A_1019 = arith.constant 2 : i32
        %mul3A_1020 = arith.muli %mul3A_1019, %add3A_1018 : i32
        %jit3A_1021 = arith.constant 2 : i32
        %eq3A_1022 = arith.constant 0 : i32
        %eq3A_1023 = arith.cmpi eq, %jit3A_1021, %eq3A_1022 : i32
        %jit3A_1024 = arith.constant 1 : i32
        %select_n3A_1025 = arith.select %eq3A_1023, %jit3A_1024, %jit3A_1021 : i32
        %rem3A_1026 = arith.remsi %sub3A_991, %select_n3A_1025 : i32
        %ne3A_1027 = arith.constant 0 : i32
        %ne3A_1028 = arith.cmpi ne, %rem3A_1026, %ne3A_1027 : i32
        %lt3A_1029 = arith.constant 0 : i32
        %lt3A_1030 = arith.cmpi slt, %rem3A_1026, %lt3A_1029 : i32
        %lt3A_1031 = arith.constant 0 : i32
        %lt3A_1032 = arith.cmpi slt, %select_n3A_1025, %lt3A_1031 : i32
        %ne3A_1033 = arith.xori %lt3A_1030, %lt3A_1032 : i1
        %and3A_1034 = arith.andi %ne3A_1033, %ne3A_1028 : i1
        %add3A_1035 = arith.addi %rem3A_1026, %select_n3A_1025 : i32
        %select_n3A_1036 = arith.select %and3A_1034, %add3A_1035, %rem3A_1026 : i32
        %add3A_1037 = arith.addi %mul3A_1020, %select_n3A_1036 : i32
        %jit3A_1038 = arith.constant 66 : i32
        %div3A_1039 = arith.divsi %add3A_1037, %jit3A_1038 : i32
        %sign3A_1040 = arith.constant 0 : i32
        %sign3A_1041 = arith.cmpi sgt, %add3A_1037, %sign3A_1040 : i32
        %sign3A_1042 = arith.extui %sign3A_1041 : i1 to i32
        %sign3A_1043 = arith.constant 0 : i32
        %sign3A_1044 = arith.cmpi slt, %add3A_1037, %sign3A_1043 : i32
        %sign3A_1045 = arith.extui %sign3A_1044 : i1 to i32
        %sign3A_1046 = arith.subi %sign3A_1042, %sign3A_1045 : i32
        %sign3A_1047 = arith.constant 0 : i32
        %sign3A_1048 = arith.cmpi sgt, %jit3A_1038, %sign3A_1047 : i32
        %sign3A_1049 = arith.extui %sign3A_1048 : i1 to i32
        %sign3A_1050 = arith.constant 0 : i32
        %sign3A_1051 = arith.cmpi slt, %jit3A_1038, %sign3A_1050 : i32
        %sign3A_1052 = arith.extui %sign3A_1051 : i1 to i32
        %sign3A_1053 = arith.subi %sign3A_1049, %sign3A_1052 : i32
        %ne3A_1054 = arith.cmpi ne, %sign3A_1046, %sign3A_1053 : i32
        %rem3A_1055 = arith.remsi %add3A_1037, %jit3A_1038 : i32
        %ne3A_1056 = arith.constant 0 : i32
        %ne3A_1057 = arith.cmpi ne, %rem3A_1055, %ne3A_1056 : i32
        %and3A_1058 = arith.andi %ne3A_1054, %ne3A_1057 : i1
        %sub3A_1059 = arith.constant 1 : i32
        %sub3A_1060 = arith.subi %div3A_1039, %sub3A_1059 : i32
        %select_n3A_1061 = arith.select %and3A_1058, %sub3A_1060, %div3A_1039 : i32
        %mul3A_1062 = arith.constant 66 : i32
        %mul3A_1063 = arith.muli %select_n3A_1061, %mul3A_1062 : i32
        %sub3A_1064 = arith.subi %add3A_1037, %mul3A_1063 : i32
        %mul3A_1065 = arith.constant 9 : i32
        %mul3A_1066 = arith.muli %select_n3A_1061, %mul3A_1065 : i32
        %jit3A_1067 = arith.constant 8 : i32
        %div3A_1068 = arith.divsi %sub3A_1064, %jit3A_1067 : i32
        %sign3A_1069 = arith.constant 0 : i32
        %sign3A_1070 = arith.cmpi sgt, %sub3A_1064, %sign3A_1069 : i32
        %sign3A_1071 = arith.extui %sign3A_1070 : i1 to i32
        %sign3A_1072 = arith.constant 0 : i32
        %sign3A_1073 = arith.cmpi slt, %sub3A_1064, %sign3A_1072 : i32
        %sign3A_1074 = arith.extui %sign3A_1073 : i1 to i32
        %sign3A_1075 = arith.subi %sign3A_1071, %sign3A_1074 : i32
        %sign3A_1076 = arith.constant 0 : i32
        %sign3A_1077 = arith.cmpi sgt, %jit3A_1067, %sign3A_1076 : i32
        %sign3A_1078 = arith.extui %sign3A_1077 : i1 to i32
        %sign3A_1079 = arith.constant 0 : i32
        %sign3A_1080 = arith.cmpi slt, %jit3A_1067, %sign3A_1079 : i32
        %sign3A_1081 = arith.extui %sign3A_1080 : i1 to i32
        %sign3A_1082 = arith.subi %sign3A_1078, %sign3A_1081 : i32
        %ne3A_1083 = arith.cmpi ne, %sign3A_1075, %sign3A_1082 : i32
        %rem3A_1084 = arith.remsi %sub3A_1064, %jit3A_1067 : i32
        %ne3A_1085 = arith.constant 0 : i32
        %ne3A_1086 = arith.cmpi ne, %rem3A_1084, %ne3A_1085 : i32
        %and3A_1087 = arith.andi %ne3A_1083, %ne3A_1086 : i1
        %sub3A_1088 = arith.constant 1 : i32
        %sub3A_1089 = arith.subi %div3A_1068, %sub3A_1088 : i32
        %select_n3A_1090 = arith.select %and3A_1087, %sub3A_1089, %div3A_1068 : i32
        %add3A_1091 = arith.addi %mul3A_1066, %select_n3A_1090 : i32
        %mul3A_1092 = arith.constant 128 : i32
        %mul3A_1093 = arith.muli %add3A_1091, %mul3A_1092 : i32
        %jit3A_1094 = arith.constant 8 : i32
        %eq3A_1095 = arith.constant 0 : i32
        %eq3A_1096 = arith.cmpi eq, %jit3A_1094, %eq3A_1095 : i32
        %jit3A_1097 = arith.constant 1 : i32
        %select_n3A_1098 = arith.select %eq3A_1096, %jit3A_1097, %jit3A_1094 : i32
        %rem3A_1099 = arith.remsi %sub3A_1064, %select_n3A_1098 : i32
        %ne3A_1100 = arith.constant 0 : i32
        %ne3A_1101 = arith.cmpi ne, %rem3A_1099, %ne3A_1100 : i32
        %lt3A_1102 = arith.constant 0 : i32
        %lt3A_1103 = arith.cmpi slt, %rem3A_1099, %lt3A_1102 : i32
        %lt3A_1104 = arith.constant 0 : i32
        %lt3A_1105 = arith.cmpi slt, %select_n3A_1098, %lt3A_1104 : i32
        %ne3A_1106 = arith.xori %lt3A_1103, %lt3A_1105 : i1
        %and3A_1107 = arith.andi %ne3A_1106, %ne3A_1101 : i1
        %add3A_1108 = arith.addi %rem3A_1099, %select_n3A_1098 : i32
        %select_n3A_1109 = arith.select %and3A_1107, %add3A_1108, %rem3A_1099 : i32
        %dma_wait3A_1110 = arith.constant 1 : i32
        %dma_wait3A_1111 = arith.constant 0 : i32
        %dma_wait3A_1112 = arith.constant 0 : i32
        %dma_wait3A_1113 = tpu.memref_slice %arg8[%dma_wait3A_1110, %dma_wait3A_1111, %dma_wait3A_1112] : memref<2x128x128xf32, #tpu.memory_space<vmem>> -> memref<1x128x128xf32, #tpu.memory_space<vmem>>
        %dma_wait3A_1114 = tpu.memref_squeeze %dma_wait3A_1113 : memref<1x128x128xf32, #tpu.memory_space<vmem>> -> memref<128x128xf32, #tpu.memory_space<vmem>>
        %dma_wait3A_1115 = arith.constant 0 : i32
        %dma_wait3A_1116 = tpu.memref_slice %arg6[%mul3A_1093, %select_n3A_1109, %dma_wait3A_1115] : memref<57600x8x128xf32, #tpu.memory_space<hbm>> -> memref<128x1x128xf32, #tpu.memory_space<hbm>>
        %dma_wait3A_1117 = tpu.memref_squeeze %dma_wait3A_1116 : memref<128x1x128xf32, #tpu.memory_space<hbm>> -> memref<128x128xf32, #tpu.memory_space<hbm>>
        %dma_wait3A_1118 = arith.constant 0 : i32
        %dma_wait3A_1119 = tpu.memref_slice %arg6[%mul3A_1093, %select_n3A_1109, %dma_wait3A_1118] : memref<57600x8x128xf32, #tpu.memory_space<hbm>> -> memref<128x1x128xf32, #tpu.memory_space<hbm>>
        %dma_wait3A_1120 = tpu.memref_squeeze %dma_wait3A_1119 : memref<128x1x128xf32, #tpu.memory_space<hbm>> -> memref<128x128xf32, #tpu.memory_space<hbm>>
        %dma_wait3A_1121 = arith.constant 0 : i32
        %dma_wait3A_1122 = arith.constant 0 : i32
        %dma_wait3A_1123 = tpu.memref_slice %arg8[%dma_wait3A_1110, %dma_wait3A_1121, %dma_wait3A_1122] : memref<2x128x128xf32, #tpu.memory_space<vmem>> -> memref<1x128x128xf32, #tpu.memory_space<vmem>>
        %dma_wait3A_1124 = tpu.memref_squeeze %dma_wait3A_1123 : memref<1x128x128xf32, #tpu.memory_space<vmem>> -> memref<128x128xf32, #tpu.memory_space<vmem>>
        tpu.wait_dma2 semaphore(%arg15 : memref<!tpu.dma_semaphore, #tpu.memory_space<semaphore_mem>>) src(%dma_wait3A_1124 : memref<128x128xf32, #tpu.memory_space<vmem>>) dst(%dma_wait3A_1120 : memref<128x128xf32, #tpu.memory_space<hbm>>)
      } else {
      }
      %parallel_loop3A_899 = arith.constant 0 : i32
      %parallel_loop3A_900 = arith.constant 128 : i32
      %parallel_loop3A_901 = arith.constant 1 : i32
      scf.for %parallel_loop3A_990 = %parallel_loop3A_899 to %parallel_loop3A_900 step %parallel_loop3A_901  : i32 {
        %parallel_loop3A_991 = arith.constant 1 : i32
        %parallel_loop3A_992 = arith.index_cast %parallel_loop3A_991 : i32 to index
        %parallel_loop3A_993 = arith.index_cast %parallel_loop3A_990 : i32 to index
        %parallel_loop3A_994 = arith.constant 0 : index
        %parallel_loop3A_995 = tpu.vector_load %arg7[%parallel_loop3A_992, %parallel_loop3A_993, %parallel_loop3A_994] {strides = array<i32>} : memref<2x128x128xf32, #tpu.memory_space<vmem>>, vector<16xf32>,
        %parallel_loop3A_996 = arith.subf %parallel_loop3A_995, %gather3A_890 : vector<16xf32>
        %parallel_loop3A_997 = arith.mulf %parallel_loop3A_996, %gather3A_893 : vector<16xf32>
        %parallel_loop3A_998 = arith.constant 1 : i32
        %parallel_loop3A_999 = arith.index_cast %parallel_loop3A_998 : i32 to index
        %parallel_loop3A_1000 = arith.index_cast %parallel_loop3A_990 : i32 to index
        %parallel_loop3A_1001 = arith.constant 0 : index
        %parallel_loop3A_1002 = tpu.vector_load %arg8[%parallel_loop3A_999, %parallel_loop3A_1000, %parallel_loop3A_1001] {strides = array<i32>} : memref<2x128x128xf32, #tpu.memory_space<vmem>>, vector<16xf32>,
        tpu.vector_store %arg8[%parallel_loop3A_999, %parallel_loop3A_1000, %parallel_loop3A_1001], %parallel_loop3A_997 {strides = array<i32>} : memref<2x128x128xf32, #tpu.memory_space<vmem>>, vector<16xf32>,
        %parallel_loop3A_1003 = arith.constant 1 : i32
        %parallel_loop3A_1004 = arith.index_cast %parallel_loop3A_1003 : i32 to index
        %parallel_loop3A_1005 = arith.index_cast %parallel_loop3A_990 : i32 to index
        %parallel_loop3A_1006 = arith.constant 16 : index
        %parallel_loop3A_1007 = tpu.vector_load %arg7[%parallel_loop3A_1004, %parallel_loop3A_1005, %parallel_loop3A_1006] {strides = array<i32>} : memref<2x128x128xf32, #tpu.memory_space<vmem>>, vector<16xf32>,
        %parallel_loop3A_1008 = arith.subf %parallel_loop3A_1007, %gather3A_890 : vector<16xf32>
        %parallel_loop3A_1009 = arith.mulf %parallel_loop3A_1008, %gather3A_893 : vector<16xf32>
        %parallel_loop3A_1010 = arith.constant 1 : i32
        %parallel_loop3A_1011 = arith.index_cast %parallel_loop3A_1010 : i32 to index
        %parallel_loop3A_1012 = arith.index_cast %parallel_loop3A_990 : i32 to index
        %parallel_loop3A_1013 = arith.constant 16 : index
        %parallel_loop3A_1014 = tpu.vector_load %arg8[%parallel_loop3A_1011, %parallel_loop3A_1012, %parallel_loop3A_1013] {strides = array<i32>} : memref<2x128x128xf32, #tpu.memory_space<vmem>>, vector<16xf32>,
        tpu.vector_store %arg8[%parallel_loop3A_1011, %parallel_loop3A_1012, %parallel_loop3A_1013], %parallel_loop3A_1009 {strides = array<i32>} : memref<2x128x128xf32, #tpu.memory_space<vmem>>, vector<16xf32>,
        %parallel_loop3A_1015 = arith.constant 1 : i32
        %parallel_loop3A_1016 = arith.index_cast %parallel_loop3A_1015 : i32 to index
        %parallel_loop3A_1017 = arith.index_cast %parallel_loop3A_990 : i32 to index
        %parallel_loop3A_1018 = arith.constant 32 : index
        %parallel_loop3A_1019 = tpu.vector_load %arg7[%parallel_loop3A_1016, %parallel_loop3A_1017, %parallel_loop3A_1018] {strides = array<i32>} : memref<2x128x128xf32, #tpu.memory_space<vmem>>, vector<16xf32>,
        %parallel_loop3A_1020 = arith.subf %parallel_loop3A_1019, %gather3A_890 : vector<16xf32>
        %parallel_loop3A_1021 = arith.mulf %parallel_loop3A_1020, %gather3A_893 : vector<16xf32>
        %parallel_loop3A_1022 = arith.constant 1 : i32
        %parallel_loop3A_1023 = arith.index_cast %parallel_loop3A_1022 : i32 to index
        %parallel_loop3A_1024 = arith.index_cast %parallel_loop3A_990 : i32 to index
        %parallel_loop3A_1025 = arith.constant 32 : index
        %parallel_loop3A_1026 = tpu.vector_load %arg8[%parallel_loop3A_1023, %parallel_loop3A_1024, %parallel_loop3A_1025] {strides = array<i32>} : memref<2x128x128xf32, #tpu.memory_space<vmem>>, vector<16xf32>,
        tpu.vector_store %arg8[%parallel_loop3A_1023, %parallel_loop3A_1024, %parallel_loop3A_1025], %parallel_loop3A_1021 {strides = array<i32>} : memref<2x128x128xf32, #tpu.memory_space<vmem>>, vector<16xf32>,
        %parallel_loop3A_1027 = arith.constant 1 : i32
        %parallel_loop3A_1028 = arith.index_cast %parallel_loop3A_1027 : i32 to index
        %parallel_loop3A_1029 = arith.index_cast %parallel_loop3A_990 : i32 to index
        %parallel_loop3A_1030 = arith.constant 48 : index
        %parallel_loop3A_1031 = tpu.vector_load %arg7[%parallel_loop3A_1028, %parallel_loop3A_1029, %parallel_loop3A_1030] {strides = array<i32>} : memref<2x128x128xf32, #tpu.memory_space<vmem>>, vector<16xf32>,
        %parallel_loop3A_1032 = arith.subf %parallel_loop3A_1031, %gather3A_890 : vector<16xf32>
        %parallel_loop3A_1033 = arith.mulf %parallel_loop3A_1032, %gather3A_893 : vector<16xf32>
        %parallel_loop3A_1034 = arith.constant 1 : i32
        %parallel_loop3A_1035 = arith.index_cast %parallel_loop3A_1034 : i32 to index
        %parallel_loop3A_1036 = arith.index_cast %parallel_loop3A_990 : i32 to index
        %parallel_loop3A_1037 = arith.constant 48 : index
        %parallel_loop3A_1038 = tpu.vector_load %arg8[%parallel_loop3A_1035, %parallel_loop3A_1036, %parallel_loop3A_1037] {strides = array<i32>} : memref<2x128x128xf32, #tpu.memory_space<vmem>>, vector<16xf32>,
        tpu.vector_store %arg8[%parallel_loop3A_1035, %parallel_loop3A_1036, %parallel_loop3A_1037], %parallel_loop3A_1033 {strides = array<i32>} : memref<2x128x128xf32, #tpu.memory_space<vmem>>, vector<16xf32>,
        %parallel_loop3A_1039 = arith.constant 1 : i32
        %parallel_loop3A_1040 = arith.index_cast %parallel_loop3A_1039 : i32 to index
        %parallel_loop3A_1041 = arith.index_cast %parallel_loop3A_990 : i32 to index
        %parallel_loop3A_1042 = arith.constant 64 : index
        %parallel_loop3A_1043 = tpu.vector_load %arg7[%parallel_loop3A_1040, %parallel_loop3A_1041, %parallel_loop3A_1042] {strides = array<i32>} : memref<2x128x128xf32, #tpu.memory_space<vmem>>, vector<16xf32>,
        %parallel_loop3A_1044 = arith.subf %parallel_loop3A_1043, %gather3A_890 : vector<16xf32>
        %parallel_loop3A_1045 = arith.mulf %parallel_loop3A_1044, %gather3A_893 : vector<16xf32>
        %parallel_loop3A_1046 = arith.constant 1 : i32
        %parallel_loop3A_1047 = arith.index_cast %parallel_loop3A_1046 : i32 to index
        %parallel_loop3A_1048 = arith.index_cast %parallel_loop3A_990 : i32 to index
        %parallel_loop3A_1049 = arith.constant 64 : index
        %parallel_loop3A_1050 = tpu.vector_load %arg8[%parallel_loop3A_1047, %parallel_loop3A_1048, %parallel_loop3A_1049] {strides = array<i32>} : memref<2x128x128xf32, #tpu.memory_space<vmem>>, vector<16xf32>,
        tpu.vector_store %arg8[%parallel_loop3A_1047, %parallel_loop3A_1048, %parallel_loop3A_1049], %parallel_loop3A_1045 {strides = array<i32>} : memref<2x128x128xf32, #tpu.memory_space<vmem>>, vector<16xf32>,
        %parallel_loop3A_1051 = arith.constant 1 : i32
        %parallel_loop3A_1052 = arith.index_cast %parallel_loop3A_1051 : i32 to index
        %parallel_loop3A_1053 = arith.index_cast %parallel_loop3A_990 : i32 to index
        %parallel_loop3A_1054 = arith.constant 80 : index
        %parallel_loop3A_1055 = tpu.vector_load %arg7[%parallel_loop3A_1052, %parallel_loop3A_1053, %parallel_loop3A_1054] {strides = array<i32>} : memref<2x128x128xf32, #tpu.memory_space<vmem>>, vector<16xf32>,
        %parallel_loop3A_1056 = arith.subf %parallel_loop3A_1055, %gather3A_890 : vector<16xf32>
        %parallel_loop3A_1057 = arith.mulf %parallel_loop3A_1056, %gather3A_893 : vector<16xf32>
        %parallel_loop3A_1058 = arith.constant 1 : i32
        %parallel_loop3A_1059 = arith.index_cast %parallel_loop3A_1058 : i32 to index
        %parallel_loop3A_1060 = arith.index_cast %parallel_loop3A_990 : i32 to index
        %parallel_loop3A_1061 = arith.constant 80 : index
        %parallel_loop3A_1062 = tpu.vector_load %arg8[%parallel_loop3A_1059, %parallel_loop3A_1060, %parallel_loop3A_1061] {strides = array<i32>} : memref<2x128x128xf32, #tpu.memory_space<vmem>>, vector<16xf32>,
        tpu.vector_store %arg8[%parallel_loop3A_1059, %parallel_loop3A_1060, %parallel_loop3A_1061], %parallel_loop3A_1057 {strides = array<i32>} : memref<2x128x128xf32, #tpu.memory_space<vmem>>, vector<16xf32>,
        %parallel_loop3A_1063 = arith.constant 1 : i32
        %parallel_loop3A_1064 = arith.index_cast %parallel_loop3A_1063 : i32 to index
        %parallel_loop3A_1065 = arith.index_cast %parallel_loop3A_990 : i32 to index
        %parallel_loop3A_1066 = arith.constant 96 : index
        %parallel_loop3A_1067 = tpu.vector_load %arg7[%parallel_loop3A_1064, %parallel_loop3A_1065, %parallel_loop3A_1066] {strides = array<i32>} : memref<2x128x128xf32, #tpu.memory_space<vmem>>, vector<16xf32>,
        %parallel_loop3A_1068 = arith.subf %parallel_loop3A_1067, %gather3A_890 : vector<16xf32>
        %parallel_loop3A_1069 = arith.mulf %parallel_loop3A_1068, %gather3A_893 : vector<16xf32>
        %parallel_loop3A_1070 = arith.constant 1 : i32
        %parallel_loop3A_1071 = arith.index_cast %parallel_loop3A_1070 : i32 to index
        %parallel_loop3A_1072 = arith.index_cast %parallel_loop3A_990 : i32 to index
        %parallel_loop3A_1073 = arith.constant 96 : index
        %parallel_loop3A_1074 = tpu.vector_load %arg8[%parallel_loop3A_1071, %parallel_loop3A_1072, %parallel_loop3A_1073] {strides = array<i32>} : memref<2x128x128xf32, #tpu.memory_space<vmem>>, vector<16xf32>,
        tpu.vector_store %arg8[%parallel_loop3A_1071, %parallel_loop3A_1072, %parallel_loop3A_1073], %parallel_loop3A_1069 {strides = array<i32>} : memref<2x128x128xf32, #tpu.memory_space<vmem>>, vector<16xf32>,
        %parallel_loop3A_1075 = arith.constant 1 : i32
        %parallel_loop3A_1076 = arith.index_cast %parallel_loop3A_1075 : i32 to index
        %parallel_loop3A_1077 = arith.index_cast %parallel_loop3A_990 : i32 to index
        %parallel_loop3A_1078 = arith.constant 112 : index
        %parallel_loop3A_1079 = tpu.vector_load %arg7[%parallel_loop3A_1076, %parallel_loop3A_1077, %parallel_loop3A_1078] {strides = array<i32>} : memref<2x128x128xf32, #tpu.memory_space<vmem>>, vector<16xf32>,
        %parallel_loop3A_1080 = arith.subf %parallel_loop3A_1079, %gather3A_890 : vector<16xf32>
        %parallel_loop3A_1081 = arith.mulf %parallel_loop3A_1080, %gather3A_893 : vector<16xf32>
        %parallel_loop3A_1082 = arith.constant 1 : i32
        %parallel_loop3A_1083 = arith.index_cast %parallel_loop3A_1082 : i32 to index
        %parallel_loop3A_1084 = arith.index_cast %parallel_loop3A_990 : i32 to index
        %parallel_loop3A_1085 = arith.constant 112 : index
        %parallel_loop3A_1086 = tpu.vector_load %arg8[%parallel_loop3A_1083, %parallel_loop3A_1084, %parallel_loop3A_1085] {strides = array<i32>} : memref<2x128x128xf32, #tpu.memory_space<vmem>>, vector<16xf32>,
        tpu.vector_store %arg8[%parallel_loop3A_1083, %parallel_loop3A_1084, %parallel_loop3A_1085], %parallel_loop3A_1081 {strides = array<i32>} : memref<2x128x128xf32, #tpu.memory_space<vmem>>, vector<16xf32>,
      } {sc.loop_unroll_factor = 2 : i64, sc.parallel_access}
      %jit3A_902 = arith.constant 66 : i32
      %div3A_903 = arith.divsi %add3A_762, %jit3A_902 : i32
      %sign3A_904 = arith.constant 0 : i32
      %sign3A_905 = arith.cmpi sgt, %add3A_762, %sign3A_904 : i32
      %sign3A_906 = arith.extui %sign3A_905 : i1 to i32
      %sign3A_907 = arith.constant 0 : i32
      %sign3A_908 = arith.cmpi slt, %add3A_762, %sign3A_907 : i32
      %sign3A_909 = arith.extui %sign3A_908 : i1 to i32
      %sign3A_910 = arith.subi %sign3A_906, %sign3A_909 : i32
      %sign3A_911 = arith.constant 0 : i32
      %sign3A_912 = arith.cmpi sgt, %jit3A_902, %sign3A_911 : i32
      %sign3A_913 = arith.extui %sign3A_912 : i1 to i32
      %sign3A_914 = arith.constant 0 : i32
      %sign3A_915 = arith.cmpi slt, %jit3A_902, %sign3A_914 : i32
      %sign3A_916 = arith.extui %sign3A_915 : i1 to i32
      %sign3A_917 = arith.subi %sign3A_913, %sign3A_916 : i32
      %ne3A_918 = arith.cmpi ne, %sign3A_910, %sign3A_917 : i32
      %rem3A_919 = arith.remsi %add3A_762, %jit3A_902 : i32
      %ne3A_920 = arith.constant 0 : i32
      %ne3A_921 = arith.cmpi ne, %rem3A_919, %ne3A_920 : i32
      %and3A_922 = arith.andi %ne3A_918, %ne3A_921 : i1
      %sub3A_923 = arith.constant 1 : i32
      %sub3A_924 = arith.subi %div3A_903, %sub3A_923 : i32
      %select_n3A_925 = arith.select %and3A_922, %sub3A_924, %div3A_903 : i32
      %mul3A_926 = arith.constant 66 : i32
      %mul3A_927 = arith.muli %select_n3A_925, %mul3A_926 : i32
      %sub3A_928 = arith.subi %add3A_762, %mul3A_927 : i32
      %mul3A_929 = arith.constant 9 : i32
      %mul3A_930 = arith.muli %select_n3A_925, %mul3A_929 : i32
      %jit3A_931 = arith.constant 8 : i32
      %div3A_932 = arith.divsi %sub3A_928, %jit3A_931 : i32
      %sign3A_933 = arith.constant 0 : i32
      %sign3A_934 = arith.cmpi sgt, %sub3A_928, %sign3A_933 : i32
      %sign3A_935 = arith.extui %sign3A_934 : i1 to i32
      %sign3A_936 = arith.constant 0 : i32
      %sign3A_937 = arith.cmpi slt, %sub3A_928, %sign3A_936 : i32
      %sign3A_938 = arith.extui %sign3A_937 : i1 to i32
      %sign3A_939 = arith.subi %sign3A_935, %sign3A_938 : i32
      %sign3A_940 = arith.constant 0 : i32
      %sign3A_941 = arith.cmpi sgt, %jit3A_931, %sign3A_940 : i32
      %sign3A_942 = arith.extui %sign3A_941 : i1 to i32
      %sign3A_943 = arith.constant 0 : i32
      %sign3A_944 = arith.cmpi slt, %jit3A_931, %sign3A_943 : i32
      %sign3A_945 = arith.extui %sign3A_944 : i1 to i32
      %sign3A_946 = arith.subi %sign3A_942, %sign3A_945 : i32
      %ne3A_947 = arith.cmpi ne, %sign3A_939, %sign3A_946 : i32
      %rem3A_948 = arith.remsi %sub3A_928, %jit3A_931 : i32
      %ne3A_949 = arith.constant 0 : i32
      %ne3A_950 = arith.cmpi ne, %rem3A_948, %ne3A_949 : i32
      %and3A_951 = arith.andi %ne3A_947, %ne3A_950 : i1
      %sub3A_952 = arith.constant 1 : i32
      %sub3A_953 = arith.subi %div3A_932, %sub3A_952 : i32
      %select_n3A_954 = arith.select %and3A_951, %sub3A_953, %div3A_932 : i32
      %add3A_955 = arith.addi %mul3A_930, %select_n3A_954 : i32
      %mul3A_956 = arith.constant 128 : i32
      %mul3A_957 = arith.muli %add3A_955, %mul3A_956 : i32
      %jit3A_958 = arith.constant 8 : i32
      %eq3A_959 = arith.constant 0 : i32
      %eq3A_960 = arith.cmpi eq, %jit3A_958, %eq3A_959 : i32
      %jit3A_961 = arith.constant 1 : i32
      %select_n3A_962 = arith.select %eq3A_960, %jit3A_961, %jit3A_958 : i32
      %rem3A_963 = arith.remsi %sub3A_928, %select_n3A_962 : i32
      %ne3A_964 = arith.constant 0 : i32
      %ne3A_965 = arith.cmpi ne, %rem3A_963, %ne3A_964 : i32
      %lt3A_966 = arith.constant 0 : i32
      %lt3A_967 = arith.cmpi slt, %rem3A_963, %lt3A_966 : i32
      %lt3A_968 = arith.constant 0 : i32
      %lt3A_969 = arith.cmpi slt, %select_n3A_962, %lt3A_968 : i32
      %ne3A_970 = arith.xori %lt3A_967, %lt3A_969 : i1
      %and3A_971 = arith.andi %ne3A_970, %ne3A_965 : i1
      %add3A_972 = arith.addi %rem3A_963, %select_n3A_962 : i32
      %select_n3A_973 = arith.select %and3A_971, %add3A_972, %rem3A_963 : i32
      %dma_start3A_974 = arith.constant 1 : i32
      %dma_start3A_975 = arith.constant 0 : i32
      %dma_start3A_976 = arith.constant 0 : i32
      %dma_start3A_977 = tpu.memref_slice %arg8[%dma_start3A_974, %dma_start3A_975, %dma_start3A_976] : memref<2x128x128xf32, #tpu.memory_space<vmem>> -> memref<1x128x128xf32, #tpu.memory_space<vmem>>
      %dma_start3A_978 = tpu.memref_squeeze %dma_start3A_977 : memref<1x128x128xf32, #tpu.memory_space<vmem>> -> memref<128x128xf32, #tpu.memory_space<vmem>>
      %dma_start3A_979 = arith.constant 0 : i32
      %dma_start3A_980 = tpu.memref_slice %arg6[%mul3A_957, %select_n3A_973, %dma_start3A_979] : memref<57600x8x128xf32, #tpu.memory_space<hbm>> -> memref<128x1x128xf32, #tpu.memory_space<hbm>>
      %dma_start3A_981 = tpu.memref_squeeze %dma_start3A_980 : memref<128x1x128xf32, #tpu.memory_space<hbm>> -> memref<128x128xf32, #tpu.memory_space<hbm>>
      %dma_start3A_982 = arith.constant 0 : i32
      %dma_start3A_983 = tpu.memref_slice %arg6[%mul3A_957, %select_n3A_973, %dma_start3A_982] : memref<57600x8x128xf32, #tpu.memory_space<hbm>> -> memref<128x1x128xf32, #tpu.memory_space<hbm>>
      %dma_start3A_984 = tpu.memref_squeeze %dma_start3A_983 : memref<128x1x128xf32, #tpu.memory_space<hbm>> -> memref<128x128xf32, #tpu.memory_space<hbm>>
      %dma_start3A_985 = arith.constant 0 : i32
      %dma_start3A_986 = arith.constant 0 : i32
      %dma_start3A_987 = tpu.memref_slice %arg8[%dma_start3A_974, %dma_start3A_985, %dma_start3A_986] : memref<2x128x128xf32, #tpu.memory_space<vmem>> -> memref<1x128x128xf32, #tpu.memory_space<vmem>>
      %dma_start3A_988 = tpu.memref_squeeze %dma_start3A_987 : memref<1x128x128xf32, #tpu.memory_space<vmem>> -> memref<128x128xf32, #tpu.memory_space<vmem>>
      tpu.enqueue_dma source(%dma_start3A_988 : memref<128x128xf32, #tpu.memory_space<vmem>>) target(%dma_start3A_984 : memref<128x128xf32, #tpu.memory_space<hbm>>) target_semaphore(%arg15 : memref<!tpu.dma_semaphore, #tpu.memory_space<semaphore_mem>>)
      %while3A_989 = arith.constant 0 : i32
      scf.yield %while3A_989 : i32
    }
    %sub3A_162 = arith.constant 2 : i32
    %sub3A_163 = arith.subi %mul3A_27, %sub3A_162 : i32
    %jit3A_164 = arith.constant 2 : i32
    %div3A_165 = arith.divsi %sub3A_163, %jit3A_164 : i32
    %sign3A_166 = arith.constant 0 : i32
    %sign3A_167 = arith.cmpi sgt, %sub3A_163, %sign3A_166 : i32
    %sign3A_168 = arith.extui %sign3A_167 : i1 to i32
    %sign3A_169 = arith.constant 0 : i32
    %sign3A_170 = arith.cmpi slt, %sub3A_163, %sign3A_169 : i32
    %sign3A_171 = arith.extui %sign3A_170 : i1 to i32
    %sign3A_172 = arith.subi %sign3A_168, %sign3A_171 : i32
    %sign3A_173 = arith.constant 0 : i32
    %sign3A_174 = arith.cmpi sgt, %jit3A_164, %sign3A_173 : i32
    %sign3A_175 = arith.extui %sign3A_174 : i1 to i32
    %sign3A_176 = arith.constant 0 : i32
    %sign3A_177 = arith.cmpi slt, %jit3A_164, %sign3A_176 : i32
    %sign3A_178 = arith.extui %sign3A_177 : i1 to i32
    %sign3A_179 = arith.subi %sign3A_175, %sign3A_178 : i32
    %ne3A_180 = arith.cmpi ne, %sign3A_172, %sign3A_179 : i32
    %rem3A_181 = arith.remsi %sub3A_163, %jit3A_164 : i32
    %ne3A_182 = arith.constant 0 : i32
    %ne3A_183 = arith.cmpi ne, %rem3A_181, %ne3A_182 : i32
    %and3A_184 = arith.andi %ne3A_180, %ne3A_183 : i1
    %sub3A_185 = arith.constant 1 : i32
    %sub3A_186 = arith.subi %div3A_165, %sub3A_185 : i32
    %select_n3A_187 = arith.select %and3A_184, %sub3A_186, %div3A_165 : i32
    %mul3A_188 = arith.constant 32 : i32
    %mul3A_189 = arith.muli %select_n3A_187, %mul3A_188 : i32
    %add3A_190 = arith.addi %add3A, %mul3A_189 : i32
    %mul3A_191 = arith.constant 2 : i32
    %mul3A_192 = arith.muli %mul3A_191, %add3A_190 : i32
    %jit3A_193 = arith.constant 2 : i32
    %eq3A_194 = arith.constant 0 : i32
    %eq3A_195 = arith.cmpi eq, %jit3A_193, %eq3A_194 : i32
    %jit3A_196 = arith.constant 1 : i32
    %select_n3A_197 = arith.select %eq3A_195, %jit3A_196, %jit3A_193 : i32
    %rem3A_198 = arith.remsi %sub3A_163, %select_n3A_197 : i32
    %ne3A_199 = arith.constant 0 : i32
    %ne3A_200 = arith.cmpi ne, %rem3A_198, %ne3A_199 : i32
    %lt3A_201 = arith.constant 0 : i32
    %lt3A_202 = arith.cmpi slt, %rem3A_198, %lt3A_201 : i32
    %lt3A_203 = arith.constant 0 : i32
    %lt3A_204 = arith.cmpi slt, %select_n3A_197, %lt3A_203 : i32
    %ne3A_205 = arith.xori %lt3A_202, %lt3A_204 : i1
    %and3A_206 = arith.andi %ne3A_205, %ne3A_200 : i1
    %add3A_207 = arith.addi %rem3A_198, %select_n3A_197 : i32
    %select_n3A_208 = arith.select %and3A_206, %add3A_207, %rem3A_198 : i32
    %add3A_209 = arith.addi %mul3A_192, %select_n3A_208 : i32
    %jit3A_210 = arith.constant 66 : i32
    %div3A_211 = arith.divsi %add3A_209, %jit3A_210 : i32
    %sign3A_212 = arith.constant 0 : i32
    %sign3A_213 = arith.cmpi sgt, %add3A_209, %sign3A_212 : i32
    %sign3A_214 = arith.extui %sign3A_213 : i1 to i32
    %sign3A_215 = arith.constant 0 : i32
    %sign3A_216 = arith.cmpi slt, %add3A_209, %sign3A_215 : i32
    %sign3A_217 = arith.extui %sign3A_216 : i1 to i32
    %sign3A_218 = arith.subi %sign3A_214, %sign3A_217 : i32
    %sign3A_219 = arith.constant 0 : i32
    %sign3A_220 = arith.cmpi sgt, %jit3A_210, %sign3A_219 : i32
    %sign3A_221 = arith.extui %sign3A_220 : i1 to i32
    %sign3A_222 = arith.constant 0 : i32
    %sign3A_223 = arith.cmpi slt, %jit3A_210, %sign3A_222 : i32
    %sign3A_224 = arith.extui %sign3A_223 : i1 to i32
    %sign3A_225 = arith.subi %sign3A_221, %sign3A_224 : i32
    %ne3A_226 = arith.cmpi ne, %sign3A_218, %sign3A_225 : i32
    %rem3A_227 = arith.remsi %add3A_209, %jit3A_210 : i32
    %ne3A_228 = arith.constant 0 : i32
    %ne3A_229 = arith.cmpi ne, %rem3A_227, %ne3A_228 : i32
    %and3A_230 = arith.andi %ne3A_226, %ne3A_229 : i1
    %sub3A_231 = arith.constant 1 : i32
    %sub3A_232 = arith.subi %div3A_211, %sub3A_231 : i32
    %select_n3A_233 = arith.select %and3A_230, %sub3A_232, %div3A_211 : i32
    %mul3A_234 = arith.constant 66 : i32
    %mul3A_235 = arith.muli %select_n3A_233, %mul3A_234 : i32
    %sub3A_236 = arith.subi %add3A_209, %mul3A_235 : i32
    %mul3A_237 = arith.constant 9 : i32
    %mul3A_238 = arith.muli %select_n3A_233, %mul3A_237 : i32
    %jit3A_239 = arith.constant 8 : i32
    %div3A_240 = arith.divsi %sub3A_236, %jit3A_239 : i32
    %sign3A_241 = arith.constant 0 : i32
    %sign3A_242 = arith.cmpi sgt, %sub3A_236, %sign3A_241 : i32
    %sign3A_243 = arith.extui %sign3A_242 : i1 to i32
    %sign3A_244 = arith.constant 0 : i32
    %sign3A_245 = arith.cmpi slt, %sub3A_236, %sign3A_244 : i32
    %sign3A_246 = arith.extui %sign3A_245 : i1 to i32
    %sign3A_247 = arith.subi %sign3A_243, %sign3A_246 : i32
    %sign3A_248 = arith.constant 0 : i32
    %sign3A_249 = arith.cmpi sgt, %jit3A_239, %sign3A_248 : i32
    %sign3A_250 = arith.extui %sign3A_249 : i1 to i32
    %sign3A_251 = arith.constant 0 : i32
    %sign3A_252 = arith.cmpi slt, %jit3A_239, %sign3A_251 : i32
    %sign3A_253 = arith.extui %sign3A_252 : i1 to i32
    %sign3A_254 = arith.subi %sign3A_250, %sign3A_253 : i32
    %ne3A_255 = arith.cmpi ne, %sign3A_247, %sign3A_254 : i32
    %rem3A_256 = arith.remsi %sub3A_236, %jit3A_239 : i32
    %ne3A_257 = arith.constant 0 : i32
    %ne3A_258 = arith.cmpi ne, %rem3A_256, %ne3A_257 : i32
    %and3A_259 = arith.andi %ne3A_255, %ne3A_258 : i1
    %sub3A_260 = arith.constant 1 : i32
    %sub3A_261 = arith.subi %div3A_240, %sub3A_260 : i32
    %select_n3A_262 = arith.select %and3A_259, %sub3A_261, %div3A_240 : i32
    %add3A_263 = arith.addi %mul3A_238, %select_n3A_262 : i32
    %mul3A_264 = arith.constant 128 : i32
    %mul3A_265 = arith.muli %add3A_263, %mul3A_264 : i32
    %jit3A_266 = arith.constant 8 : i32
    %eq3A_267 = arith.constant 0 : i32
    %eq3A_268 = arith.cmpi eq, %jit3A_266, %eq3A_267 : i32
    %jit3A_269 = arith.constant 1 : i32
    %select_n3A_270 = arith.select %eq3A_268, %jit3A_269, %jit3A_266 : i32
    %rem3A_271 = arith.remsi %sub3A_236, %select_n3A_270 : i32
    %ne3A_272 = arith.constant 0 : i32
    %ne3A_273 = arith.cmpi ne, %rem3A_271, %ne3A_272 : i32
    %lt3A_274 = arith.constant 0 : i32
    %lt3A_275 = arith.cmpi slt, %rem3A_271, %lt3A_274 : i32
    %lt3A_276 = arith.constant 0 : i32
    %lt3A_277 = arith.cmpi slt, %select_n3A_270, %lt3A_276 : i32
    %ne3A_278 = arith.xori %lt3A_275, %lt3A_277 : i1
    %and3A_279 = arith.andi %ne3A_278, %ne3A_273 : i1
    %add3A_280 = arith.addi %rem3A_271, %select_n3A_270 : i32
    %select_n3A_281 = arith.select %and3A_279, %add3A_280, %rem3A_271 : i32
    %dma_wait3A = arith.constant 0 : i32
    %dma_wait3A_282 = arith.constant 0 : i32
    %dma_wait3A_283 = arith.constant 0 : i32
    %dma_wait3A_284 = tpu.memref_slice %arg8[%dma_wait3A, %dma_wait3A_282, %dma_wait3A_283] : memref<2x128x128xf32, #tpu.memory_space<vmem>> -> memref<1x128x128xf32, #tpu.memory_space<vmem>>
    %dma_wait3A_285 = tpu.memref_squeeze %dma_wait3A_284 : memref<1x128x128xf32, #tpu.memory_space<vmem>> -> memref<128x128xf32, #tpu.memory_space<vmem>>
    %dma_wait3A_286 = arith.constant 0 : i32
    %dma_wait3A_287 = tpu.memref_slice %arg6[%mul3A_265, %select_n3A_281, %dma_wait3A_286] : memref<57600x8x128xf32, #tpu.memory_space<hbm>> -> memref<128x1x128xf32, #tpu.memory_space<hbm>>
    %dma_wait3A_288 = tpu.memref_squeeze %dma_wait3A_287 : memref<128x1x128xf32, #tpu.memory_space<hbm>> -> memref<128x128xf32, #tpu.memory_space<hbm>>
    %dma_wait3A_289 = arith.constant 0 : i32
    %dma_wait3A_290 = tpu.memref_slice %arg6[%mul3A_265, %select_n3A_281, %dma_wait3A_289] : memref<57600x8x128xf32, #tpu.memory_space<hbm>> -> memref<128x1x128xf32, #tpu.memory_space<hbm>>
    %dma_wait3A_291 = tpu.memref_squeeze %dma_wait3A_290 : memref<128x1x128xf32, #tpu.memory_space<hbm>> -> memref<128x128xf32, #tpu.memory_space<hbm>>
    %dma_wait3A_292 = arith.constant 0 : i32
    %dma_wait3A_293 = arith.constant 0 : i32
    %dma_wait3A_294 = tpu.memref_slice %arg8[%dma_wait3A, %dma_wait3A_292, %dma_wait3A_293] : memref<2x128x128xf32, #tpu.memory_space<vmem>> -> memref<1x128x128xf32, #tpu.memory_space<vmem>>
    %dma_wait3A_295 = tpu.memref_squeeze %dma_wait3A_294 : memref<1x128x128xf32, #tpu.memory_space<vmem>> -> memref<128x128xf32, #tpu.memory_space<vmem>>
    tpu.wait_dma2 semaphore(%arg14 : memref<!tpu.dma_semaphore, #tpu.memory_space<semaphore_mem>>) src(%dma_wait3A_295 : memref<128x128xf32, #tpu.memory_space<vmem>>) dst(%dma_wait3A_291 : memref<128x128xf32, #tpu.memory_space<hbm>>)
    %sub3A_296 = arith.constant 1 : i32
    %sub3A_297 = arith.subi %mul3A_27, %sub3A_296 : i32
    %jit3A_298 = arith.constant 2 : i32
    %div3A_299 = arith.divsi %sub3A_297, %jit3A_298 : i32
    %sign3A_300 = arith.constant 0 : i32
    %sign3A_301 = arith.cmpi sgt, %sub3A_297, %sign3A_300 : i32
    %sign3A_302 = arith.extui %sign3A_301 : i1 to i32
    %sign3A_303 = arith.constant 0 : i32
    %sign3A_304 = arith.cmpi slt, %sub3A_297, %sign3A_303 : i32
    %sign3A_305 = arith.extui %sign3A_304 : i1 to i32
    %sign3A_306 = arith.subi %sign3A_302, %sign3A_305 : i32
    %sign3A_307 = arith.constant 0 : i32
    %sign3A_308 = arith.cmpi sgt, %jit3A_298, %sign3A_307 : i32
    %sign3A_309 = arith.extui %sign3A_308 : i1 to i32
    %sign3A_310 = arith.constant 0 : i32
    %sign3A_311 = arith.cmpi slt, %jit3A_298, %sign3A_310 : i32
    %sign3A_312 = arith.extui %sign3A_311 : i1 to i32
    %sign3A_313 = arith.subi %sign3A_309, %sign3A_312 : i32
    %ne3A_314 = arith.cmpi ne, %sign3A_306, %sign3A_313 : i32
    %rem3A_315 = arith.remsi %sub3A_297, %jit3A_298 : i32
    %ne3A_316 = arith.constant 0 : i32
    %ne3A_317 = arith.cmpi ne, %rem3A_315, %ne3A_316 : i32
    %and3A_318 = arith.andi %ne3A_314, %ne3A_317 : i1
    %sub3A_319 = arith.constant 1 : i32
    %sub3A_320 = arith.subi %div3A_299, %sub3A_319 : i32
    %select_n3A_321 = arith.select %and3A_318, %sub3A_320, %div3A_299 : i32
    %mul3A_322 = arith.constant 32 : i32
    %mul3A_323 = arith.muli %select_n3A_321, %mul3A_322 : i32
    %add3A_324 = arith.addi %add3A, %mul3A_323 : i32
    %mul3A_325 = arith.constant 2 : i32
    %mul3A_326 = arith.muli %mul3A_325, %add3A_324 : i32
    %jit3A_327 = arith.constant 2 : i32
    %eq3A_328 = arith.constant 0 : i32
    %eq3A_329 = arith.cmpi eq, %jit3A_327, %eq3A_328 : i32
    %jit3A_330 = arith.constant 1 : i32
    %select_n3A_331 = arith.select %eq3A_329, %jit3A_330, %jit3A_327 : i32
    %rem3A_332 = arith.remsi %sub3A_297, %select_n3A_331 : i32
    %ne3A_333 = arith.constant 0 : i32
    %ne3A_334 = arith.cmpi ne, %rem3A_332, %ne3A_333 : i32
    %lt3A_335 = arith.constant 0 : i32
    %lt3A_336 = arith.cmpi slt, %rem3A_332, %lt3A_335 : i32
    %lt3A_337 = arith.constant 0 : i32
    %lt3A_338 = arith.cmpi slt, %select_n3A_331, %lt3A_337 : i32
    %ne3A_339 = arith.xori %lt3A_336, %lt3A_338 : i1
    %and3A_340 = arith.andi %ne3A_339, %ne3A_334 : i1
    %add3A_341 = arith.addi %rem3A_332, %select_n3A_331 : i32
    %select_n3A_342 = arith.select %and3A_340, %add3A_341, %rem3A_332 : i32
    %add3A_343 = arith.addi %mul3A_326, %select_n3A_342 : i32
    %jit3A_344 = arith.constant 66 : i32
    %div3A_345 = arith.divsi %add3A_343, %jit3A_344 : i32
    %sign3A_346 = arith.constant 0 : i32
    %sign3A_347 = arith.cmpi sgt, %add3A_343, %sign3A_346 : i32
    %sign3A_348 = arith.extui %sign3A_347 : i1 to i32
    %sign3A_349 = arith.constant 0 : i32
    %sign3A_350 = arith.cmpi slt, %add3A_343, %sign3A_349 : i32
    %sign3A_351 = arith.extui %sign3A_350 : i1 to i32
    %sign3A_352 = arith.subi %sign3A_348, %sign3A_351 : i32
    %sign3A_353 = arith.constant 0 : i32
    %sign3A_354 = arith.cmpi sgt, %jit3A_344, %sign3A_353 : i32
    %sign3A_355 = arith.extui %sign3A_354 : i1 to i32
    %sign3A_356 = arith.constant 0 : i32
    %sign3A_357 = arith.cmpi slt, %jit3A_344, %sign3A_356 : i32
    %sign3A_358 = arith.extui %sign3A_357 : i1 to i32
    %sign3A_359 = arith.subi %sign3A_355, %sign3A_358 : i32
    %ne3A_360 = arith.cmpi ne, %sign3A_352, %sign3A_359 : i32
    %rem3A_361 = arith.remsi %add3A_343, %jit3A_344 : i32
    %ne3A_362 = arith.constant 0 : i32
    %ne3A_363 = arith.cmpi ne, %rem3A_361, %ne3A_362 : i32
    %and3A_364 = arith.andi %ne3A_360, %ne3A_363 : i1
    %sub3A_365 = arith.constant 1 : i32
    %sub3A_366 = arith.subi %div3A_345, %sub3A_365 : i32
    %select_n3A_367 = arith.select %and3A_364, %sub3A_366, %div3A_345 : i32
    %mul3A_368 = arith.constant 66 : i32
    %mul3A_369 = arith.muli %select_n3A_367, %mul3A_368 : i32
    %sub3A_370 = arith.subi %add3A_343, %mul3A_369 : i32
    %mul3A_371 = arith.constant 9 : i32
    %mul3A_372 = arith.muli %select_n3A_367, %mul3A_371 : i32
    %jit3A_373 = arith.constant 8 : i32
    %div3A_374 = arith.divsi %sub3A_370, %jit3A_373 : i32
    %sign3A_375 = arith.constant 0 : i32
    %sign3A_376 = arith.cmpi sgt, %sub3A_370, %sign3A_375 : i32
    %sign3A_377 = arith.extui %sign3A_376 : i1 to i32
    %sign3A_378 = arith.constant 0 : i32
    %sign3A_379 = arith.cmpi slt, %sub3A_370, %sign3A_378 : i32
    %sign3A_380 = arith.extui %sign3A_379 : i1 to i32
    %sign3A_381 = arith.subi %sign3A_377, %sign3A_380 : i32
    %sign3A_382 = arith.constant 0 : i32
    %sign3A_383 = arith.cmpi sgt, %jit3A_373, %sign3A_382 : i32
    %sign3A_384 = arith.extui %sign3A_383 : i1 to i32
    %sign3A_385 = arith.constant 0 : i32
    %sign3A_386 = arith.cmpi slt, %jit3A_373, %sign3A_385 : i32
    %sign3A_387 = arith.extui %sign3A_386 : i1 to i32
    %sign3A_388 = arith.subi %sign3A_384, %sign3A_387 : i32
    %ne3A_389 = arith.cmpi ne, %sign3A_381, %sign3A_388 : i32
    %rem3A_390 = arith.remsi %sub3A_370, %jit3A_373 : i32
    %ne3A_391 = arith.constant 0 : i32
    %ne3A_392 = arith.cmpi ne, %rem3A_390, %ne3A_391 : i32
    %and3A_393 = arith.andi %ne3A_389, %ne3A_392 : i1
    %sub3A_394 = arith.constant 1 : i32
    %sub3A_395 = arith.subi %div3A_374, %sub3A_394 : i32
    %select_n3A_396 = arith.select %and3A_393, %sub3A_395, %div3A_374 : i32
    %add3A_397 = arith.addi %mul3A_372, %select_n3A_396 : i32
    %mul3A_398 = arith.constant 128 : i32
    %mul3A_399 = arith.muli %add3A_397, %mul3A_398 : i32
    %jit3A_400 = arith.constant 8 : i32
    %eq3A_401 = arith.constant 0 : i32
    %eq3A_402 = arith.cmpi eq, %jit3A_400, %eq3A_401 : i32
    %jit3A_403 = arith.constant 1 : i32
    %select_n3A_404 = arith.select %eq3A_402, %jit3A_403, %jit3A_400 : i32
    %rem3A_405 = arith.remsi %sub3A_370, %select_n3A_404 : i32
    %ne3A_406 = arith.constant 0 : i32
    %ne3A_407 = arith.cmpi ne, %rem3A_405, %ne3A_406 : i32
    %lt3A_408 = arith.constant 0 : i32
    %lt3A_409 = arith.cmpi slt, %rem3A_405, %lt3A_408 : i32
    %lt3A_410 = arith.constant 0 : i32
    %lt3A_411 = arith.cmpi slt, %select_n3A_404, %lt3A_410 : i32
    %ne3A_412 = arith.xori %lt3A_409, %lt3A_411 : i1
    %and3A_413 = arith.andi %ne3A_412, %ne3A_407 : i1
    %add3A_414 = arith.addi %rem3A_405, %select_n3A_404 : i32
    %select_n3A_415 = arith.select %and3A_413, %add3A_414, %rem3A_405 : i32
    %dma_wait3A_416 = arith.constant 1 : i32
    %dma_wait3A_417 = arith.constant 0 : i32
    %dma_wait3A_418 = arith.constant 0 : i32
    %dma_wait3A_419 = tpu.memref_slice %arg8[%dma_wait3A_416, %dma_wait3A_417, %dma_wait3A_418] : memref<2x128x128xf32, #tpu.memory_space<vmem>> -> memref<1x128x128xf32, #tpu.memory_space<vmem>>
    %dma_wait3A_420 = tpu.memref_squeeze %dma_wait3A_419 : memref<1x128x128xf32, #tpu.memory_space<vmem>> -> memref<128x128xf32, #tpu.memory_space<vmem>>
    %dma_wait3A_421 = arith.constant 0 : i32
    %dma_wait3A_422 = tpu.memref_slice %arg6[%mul3A_399, %select_n3A_415, %dma_wait3A_421] : memref<57600x8x128xf32, #tpu.memory_space<hbm>> -> memref<128x1x128xf32, #tpu.memory_space<hbm>>
    %dma_wait3A_423 = tpu.memref_squeeze %dma_wait3A_422 : memref<128x1x128xf32, #tpu.memory_space<hbm>> -> memref<128x128xf32, #tpu.memory_space<hbm>>
    %dma_wait3A_424 = arith.constant 0 : i32
    %dma_wait3A_425 = tpu.memref_slice %arg6[%mul3A_399, %select_n3A_415, %dma_wait3A_424] : memref<57600x8x128xf32, #tpu.memory_space<hbm>> -> memref<128x1x128xf32, #tpu.memory_space<hbm>>
    %dma_wait3A_426 = tpu.memref_squeeze %dma_wait3A_425 : memref<128x1x128xf32, #tpu.memory_space<hbm>> -> memref<128x128xf32, #tpu.memory_space<hbm>>
    %dma_wait3A_427 = arith.constant 0 : i32
    %dma_wait3A_428 = arith.constant 0 : i32
    %dma_wait3A_429 = tpu.memref_slice %arg8[%dma_wait3A_416, %dma_wait3A_427, %dma_wait3A_428] : memref<2x128x128xf32, #tpu.memory_space<vmem>> -> memref<1x128x128xf32, #tpu.memory_space<vmem>>
    %dma_wait3A_430 = tpu.memref_squeeze %dma_wait3A_429 : memref<1x128x128xf32, #tpu.memory_space<vmem>> -> memref<128x128xf32, #tpu.memory_space<vmem>>
    tpu.wait_dma2 semaphore(%arg15 : memref<!tpu.dma_semaphore, #tpu.memory_space<semaphore_mem>>) src(%dma_wait3A_430 : memref<128x128xf32, #tpu.memory_space<vmem>>) dst(%dma_wait3A_426 : memref<128x128xf32, #tpu.memory_space<hbm>>)
    return
  }
}

</mosaic_0001>

<sc_bundles>
// kernel: kernel.3.cloned.1.call-start
scs
__scs_entry_jumppad:
0x0: {  	(pc) =	sbr.rel $0x88, $3  }
0x1: {  	(tag) =	ssettag $0x0;
	lr =	simm.s32 $0x1  }
0x2: {  	[smem:$0x3F9E] =	sst lr;
	_ =	strace $0xD0000000  }
0x3: {  	_ = 	snop  }
0x4: {  	_ = 	snop  }
0x5: {  	_ = 	snop  }
0x6: {  	_ = 	snop  }
0x7: {  	_ = 	snop  }
__scs_overlays_trampoline_lowered:
0x8: {  	[smem:$0x3FAD] =	sst s0  }
0x9: {  	[smem:$0x3FAE] =	sst s1  }
0xa: {  	[smem:$0x3FAF] =	sst s2  }
0xb: {  	[smem:$0x3FB0] =	sst s3  }
0xc: {  	[smem:$0x3FB1] =	sst s4  }
0xd: {  	[smem:$0x3FB2] =	sst s5  }
0xe: {  	[smem:$0x3FB3] =	sst s6  }
0xf: {  	[smem:$0x3FB4] =	sst s7  }
0x10: {  	[smem:$0x3FB5] =	sst s8  }
0x11: {  	[smem:$0x3FB6] =	sst s9;
	s0 =	simm.s32 @!p0 $0x0  }
0x12: {  	s1 =	sld [smem:$0x3F9C];
	s0 =	simm.s32 @p0 $0x1  }
0x13: {  	[smem:$0x3FB7] =	sst s0;
	s0 =	simm.s32 @!p1 $0x0  }
0x14: {  	s2 =	sld [smem:$0x3F9B];
	s0 =	simm.s32 @p1 $0x1  }
0x15: {  	[smem:$0x3FB8] =	sst s0;
	s0 =	simm.s32 @!p2 $0x0  }
0x16: {  	s3 =	sld [smem:$0x3FDB];
	s0 =	simm.s32 @p2 $0x1  }
0x17: {  	s4 =	simm.s32 $0x1BF5;
	[smem:$0x3FBA] =	sst s0  }
0x18: {  	s0 =	sld [smem:$0x3F9D];
	_ =	swait.ge [sflag:s4], $0x0  }
0x19: {  	s7 =	sld [smem:$0x3F9E]  }
0x1a: {  	s8 =	sadd.s32 $0xFFFFE003, lr  }
0x1b: {  	s9 =	sadd.s32 $0xFFFFFEF7, lr;
	s5 =	simm.s32 $0xFFFFFFFF;
	p2 =	slt.u32 s8, $0xFFFFF086  }
0x1c: {  	p1 =	slt.u32 s9, $0xF7A;
	s5 =	simm.s32 @!p2 $0x0  }
0x1d: {  	s5 =	simm.s32 @p1 $0x1;
	p0 =	seq.s32 s7, s2  }
0x1e: {  	s7 =	smul.u32 @!p0 $0xF7A, s2;
	p2 =	seq.s32 @!p0 s5, $0x0  }
0x1f: {  	s9 =	smul.u32 $0xF7A, s1;
	s8 =	simm.s32 @!p0 $0x1BF5;
	p2 =	por !p2, p0  }
0x20: {  	[sflag:s8] =	ssyncset.s32 @!p0 $0xFFFFF086;
	s6 =	sadd.s32 @!p0 s3, s7;
	s7 =	simm.s32 @!p0 $0x108  }
0x21: {  	s3 =	sadd.s32 s3, s9;
	s6 =	sadd.s32 @!p0 $0x88, s6;
	s7 =	simm.s32 @p2 $0x1082  }
0x22: {  	[simem:s7], [sflag:s8] =	dma.local @!p0 [hbm:s6], $0xF7A  }
0x23: {  	s9 =	sor.u32 $0xD0000000, s2;
	s6 =	simm.s32 $0x108;
	_ =	swait.ge @!p0 [sflag:s8], $0x0  }
0x24: {  	s3 =	sadd.s32 $0x88, s3;
	s6 =	simm.s32 @!p1 $0x1082;
	[sflag:s4] =	ssyncset.s32 $0xFFFFF086  }
0x25: {  	[simem:s6], [sflag:s4] =	dma.local [hbm:s3], $0xF7A  }
0x26: {  	[smem:$0x3F9E] =	sst s1;
	(tag) =	ssettag s2;
	_ =	strace s9  }
0x27: {  	s1 =	sld [smem:$0x3FAE]  }
0x28: {  	s2 =	sld [smem:$0x3FAF]  }
0x29: {  	s4 =	sld [smem:$0x3FB1]  }
0x2a: {  	p0 =	seq.s32 s5, $0x0;
	s5 =	sld [smem:$0x3FB2]  }
0x2b: {  	s6 =	sld [smem:$0x3FB3]  }
0x2c: {  	s7 =	sld [smem:$0x3FB4]  }
0x2d: {  	s3 =	simm.s32 $0x108;
	s8 =	sld [smem:$0x3FB5]  }
0x2e: {  	s3 =	simm.s32 @!p0 $0x1082;
	s9 =	sld [smem:$0x3FB6]  }
0x2f: {  	lr =	sadd.s32 s0, s3;
	s0 =	sld [smem:$0x3FAD]  }
0x30: {  	s3 =	sld [smem:$0x3FB0]  }
0x31: {  	[smem:$0x3FB9] =	sst s10  }
0x32: {  	s10 =	sld [smem:$0x3FB7];
	_ =	sdelay $0x3  }
0x33: {  	p0 =	seq.s32 s10, $0x1;
	s10 =	sld [smem:$0x3FB9];
	_ =	sdelay $0x3  }
0x34: {  	[smem:$0x3FB9] =	sst s10  }
0x35: {  	s10 =	sld [smem:$0x3FB8];
	_ =	sdelay $0x3  }
0x36: {  	p1 =	seq.s32 s10, $0x1;
	s10 =	sld [smem:$0x3FB9];
	_ =	sdelay $0x3  }
0x37: {  	[smem:$0x3FB9] =	sst s10  }
0x38: {  	s10 =	sld [smem:$0x3FBA]  }
0x39: {  	_ = 	snop;
	(pc) =	sbr.ind lr, $3  }
0x3a: {  	_ = 	snop  }
0x3b: {  	_ = 	snop  }
0x3c: {  	p2 =	seq.s32 s10, $0x1;
	s10 =	sld [smem:$0x3FB9]  }
0x3d: {  	_ =	shalt  }
0x3e: {  	_ =	shalt  }
0x3f: {  	_ =	shalt  }
0x40: {  	_ =	shalt  }
0x41: {  	_ =	shalt  }
0x42: {  	_ =	shalt  }
0x43: {  	_ =	shalt  }
0x44: {  	_ =	shalt  }
0x45: {  	_ =	shalt  }
0x46: {  	_ =	shalt  }
0x47: {  	_ =	shalt  }
0x48: {  	_ =	shalt  }
0x49: {  	_ =	shalt  }
0x4a: {  	_ =	shalt  }
0x4b: {  	_ =	shalt  }
0x4c: {  	_ =	shalt  }
0x4d: {  	_ =	shalt  }
0x4e: {  	_ =	shalt  }
0x4f: {  	_ =	shalt  }
0x50: {  	_ =	shalt  }
0x51: {  	_ =	shalt  }
0x52: {  	_ =	shalt  }
0x53: {  	_ =	shalt  }
0x54: {  	_ =	shalt  }
0x55: {  	_ =	shalt  }
0x56: {  	_ =	shalt  }
0x57: {  	_ =	shalt  }
0x58: {  	_ =	shalt  }
0x59: {  	_ =	shalt  }
0x5a: {  	_ =	shalt  }
0x5b: {  	_ =	shalt  }
0x5c: {  	_ =	shalt  }
0x5d: {  	_ =	shalt  }
0x5e: {  	_ =	shalt  }
0x5f: {  	_ =	shalt  }
0x60: {  	_ =	shalt  }
0x61: {  	_ =	shalt  }
0x62: {  	_ =	shalt  }
0x63: {  	_ =	shalt  }
0x64: {  	_ =	shalt  }
0x65: {  	_ =	shalt  }
0x66: {  	_ =	shalt  }
0x67: {  	_ =	shalt  }
0x68: {  	_ =	shalt  }
0x69: {  	_ =	shalt  }
0x6a: {  	_ =	shalt  }
0x6b: {  	_ =	shalt  }
0x6c: {  	_ =	shalt  }
0x6d: {  	_ =	shalt  }
0x6e: {  	_ =	shalt  }
0x6f: {  	_ =	shalt  }
0x70: {  	_ =	shalt  }
0x71: {  	_ =	shalt  }
0x72: {  	_ =	shalt  }
0x73: {  	_ =	shalt  }
0x74: {  	_ =	shalt  }
0x75: {  	_ =	shalt  }
0x76: {  	_ =	shalt  }
0x77: {  	_ =	shalt  }
0x78: {  	_ =	shalt  }
0x79: {  	_ =	shalt  }
0x7a: {  	_ =	shalt  }
0x7b: {  	_ =	shalt  }
0x7c: {  	_ =	shalt  }
0x7d: {  	_ =	shalt  }
0x7e: {  	_ =	shalt  }
0x7f: {  	_ =	shalt  }
0x80: {  	_ =	shalt  }
0x81: {  	_ =	shalt  }
0x82: {  	_ =	shalt  }
0x83: {  	_ =	shalt  }
0x84: {  	_ =	shalt  }
0x85: {  	_ =	shalt  }
0x86: {  	_ =	shalt  }
0x87: {  	_ =	shalt  }
.Lfunc_end0:
.L_simem_size_0:
called_computation_lowered:
.L_overlay_start_0:
0x88: {  	s2 =	sld [smem:$0x3FD9]  }
0x89: {  	s3 =	sld [smem:$0x3FFE];
	_ =	sdelay $0x1  }
0x8a: {  	s1 =	srdreg.scid  }
0x8b: {  	s0 =	sand.u32 $0x1, s1  }
0x8c: {  	s17 =	sshll.u32 s0, $0xA;
	s2 =	sadd.s32 s3, s2  }
0x8d: {  	s2 =	sadd.s32 s2, s17  }
0x8e: {  	[smem:$0x3FC5] =	sst s2  }
0x8f: {  	_ = 	snop  }
0x90: {  	s2 =	sld [smem:$0x3FC9]  }
0x91: {  	s18 =	sld [smem:$0x3FD0];
	(tm) =	ssettm $0x1  }
0x92: {  	s4 =	sld [smem:$0x3FFB];
	_ =	sdelay $0x3  }
0x93: {  	_ =	strace s4  }
0x94: {  	s4 =	sld [smem:$0x3FFC];
	_ =	sdelay $0x3  }
0x95: {  	_ =	strace s4  }
0x96: {  	s4 =	sld [smem:$0x3FFD];
	_ =	sdelay $0x3  }
0x97: {  	_ =	strace s4  }
0x98: {  	_ =	strace $0x8FFFFFFF  }
0x99: {  	s19 =	sld [smem:$0x3FDB];
	_ =	sdelay $0x1  }
0x9a: {  	s5 =	simm.s32 $_scs_section_size  }
0x9b: {  	s6 =	simm.s32 $_size__tile_overlayer_lowered;
	s7 =	simm.s32 $_tile_overlayer_lowered  }
0x9c: {  	s22 =	simm.s32 $0x1BFF;
	s21 =	sshll.u32 s7, $0x1;
	s4 =	sadd.s32 s5, s19  }
0x9d: {  	s8 =	simm.s32 $0x0;
	s20 =	sshll.u32 s6, $0x1;
	s6 =	sadd.s32 s21, s4  }
0x9e: {  	[timem:s8], [sflag:s22] =	dma.local [hbm:s6], s20  }
0x9f: {  	_ =	swait.ge [sflag:s22], s20  }
0xa0: {  	s5 =	ssub.s32 $0x0, s20;
	[sflag:s22] =	ssyncset.done $0x0  }
0xa1: {  	[sflag:s22] =	ssyncadd.s32 s5;
	_ =	sdelay $0x1  }
0xa2: {  	s23 =	simm.s32 $0x1B8B  }
0xa3: {  	_ =	swait.ge [sflag:s23], $0x1  }
0xa4: {  	[sflag:s23] =	ssyncset.done $0x0  }
0xa5: {  	s25 =	simm.s32 $0x1B8E;
	s24 =	sld [smem:$0x3FFE];
	[sflag:s23] =	ssyncadd.s32 $0xFFFFFFFF  }
0xa6: {  	s26 =	simm.s32 $execute0_lowered;
	[smem:$0x3FD2] =	sst s25  }
0xa7: {  	s6 =	sshll.u32 s26, $0x1;
	_ =	strace $0x80000046;
	[dreg:$0x1] =	wrdreg $0xFFFFFFFF  }
0xa8: {  	s28 =	simm.s32 $_size_execute0_lowered;
	s4 =	sadd.s32 s4, s6;
	[dreg:$0x0] =	wrdreg $0x0  }
0xa9: {  	s6 =	sshll.u32 s28, $0x1;
	[dreg:$0x2] =	wrdreg s4  }
0xaa: {  	[dreg:$0x3] =	wrdreg s6  }
0xab: {  	[dreg:$0x4] =	wrdreg $0xC0  }
0xac: {  	_ =	task [dreg:s8], $0x5FFFF  }
0xad: {  	[dreg:$0x1] =	wrdreg $0xFFFFFFFF  }
0xae: {  	[dreg:$0x0] =	wrdreg $0x60  }
0xaf: {  	[dreg:$0x2] =	wrdreg s2  }
0xb0: {  	[dreg:$0x3] =	wrdreg s18  }
0xb1: {  	[dreg:$0x4] =	wrdreg s24  }
0xb2: {  	[dreg:$0x5] =	wrdreg $0x9  }
0xb3: {  	_ =	task.clear_ibuf [dreg:s8], $0x6FFFF;
	_ =	strace $0x90000046  }
0xb4: {  	s29 =	simm.s32 $0x9;
	_ =	strace $0x80000048  }
0xb5: {  	_ =	swait.ge [sflag:s29], $0x1  }
0xb6: {  	[sflag:s29] =	ssyncadd.s32 $0xFFFFFFFF  }
0xb7: {  	_ =	strace $0x90000048  }
0xb8: {  	_ =	sfence  }
0xb9: {  	s30 =	sld [smem:$0x0];
	_ =	sdelay $0x2  }
0xba: {  	s31 =	sshll.u32 s1, $0xD;
	s1 =	sshrl.u32 s1, $0x2  }
0xbb: {  	s3 =	sand.u32 $0x4000, s31;
	s1 =	sadd.s32 s1, s30  }
0xbc: {  	s0 =	sor.u32 s3, s0;
	s1 =	sshll.u32 s1, $0x11  }
0xbd: {  	s0 =	sor.u32 s1, s0  }
0xbe: {  	s0 =	sadd.s32 $0x8F2B, s0  }
0xbf: {  	[sflag:s0] =	ssyncadd.remote.s32 $0x1  }
0xc0: {  	_ =	sfence.sel $0xFFFF  }
0xc1: {  	[dreg:$0x0] =	wrdreg $0xFFFFFFFF;
	(pc) =	sbr.abs _section_cstart, $3  }
0xc2: {  	[dreg:$0x1] =	wrdreg $0xFFFFFFFF  }
0xc3: {  	_ =	task.clear_ibuf [dreg:s8], $0x2FFFF;
	_ =	strace $0x9FFFFFFF  }
0xc4: {  	(tm) =	ssettm $0x7FFFFFFF  }
0xc5: {  	_ =	shalt  }
tec
execute0_lowered:
.L_overlay_start_1:
0x0: {  	(tag) =	ssettag $0x1  }
0x1: {  	s1 =	rddreg [dreg:$0x0]  }
0x2: {  	s0 =	rddreg [dreg:$0x2];
	s4 =	simm.s32 $0x0  }
0x3: {  	s2 =	srdreg.scid;
	s3 =	stileid.u32;
	s14 =	simm.s32 $0x10000  }
0x4: {  	s16 =	simm.s32 $0x10080;
	s18 =	simm.s32 $0x1;
	s19 =	simm.s32 $0x80  }
0x5: {  	s20 =	simm.s32 $0x400;
	s21 =	simm.s32 $0x8000;
	s22 =	simm.s32 $0x2  }
0x6: {  	s23 =	simm.s32 $0xC000;
	s26 =	simm.s32 $0x0;
	[smem:$0x7FF] =	sst s4  }
0x7: {  	s2 =	sand.u32 $0x1, s2;
	s3 =	sshll.u32 s3, $0x1;
	s28 =	sadd.s32 $0x400, s0  }
0x8: {  	s5 =	sadd.s32 $0x600, s0;
	s7 =	sadd.s32 $0x800, s0;
	_ =	strace $0x80000047  }
0x9: {  	s3 =	sor.u32 s2, s3;
	[dreg:$0x4] =	wrdreg s28;
	s2 =	ssub.s32 $0x2, s2  }
0xa: {  	[dreg:$0x5] =	wrdreg s5;
	s29 =	ssub.s32 $0x691, s3;
	s30 =	sshrl.u32 s2, $0x1  }
0xb: {  	s9 =	sshll.u32 s3, $0x1;
	s6 =	sshrl.u32 s29, $0x4;
	s31 =	ssub.s32 s2, s30  }
0xc: {  	s13 =	sshllo.u32 s3, $0x1;
	v0 =	vmov s9;
	s8 =	sand.u32 $0x6E, s6;
	s0 =	smax.u32 s31, $0x1  }
0xd: {  	s10 =	sshrl.u32 s29, $0x5;
	v0 =	vbroadcast v0, $0x0;
	[dreg:$0x6] =	wrdreg s0;
	s12 =	sadd.s32 $0xFFFFFFFF, s8  }
.LBB2_1:
0xe: {  	s0 =	rddreg [dreg:$0x1];
	s5 =	simm.s32 $0x0;
	s2 =	simm.s32 $0x5  }
0xf: {  	[tilespmem:s14], [sflag:$0x5] =	stream.linear.gather [hbm4b:s0+s5], $0x80, $0x38;
	[tilespmem:$0x10180] =	vst v63  }
0x10: {  	_ =	swait.ge [sflag:s2], $0x80  }
0x11: {  	[sflag:s2] =	ssyncset.done $0x0  }
0x12: {  	s24 =	rddreg [dreg:$0x4];
	[sflag:s2] =	ssyncadd.s32 $0xFFFFFF80  }
0x13: {  	[tilespmem:s16], [sflag:$0x5] =	stream.linear.gather [hbm4b:s24+s5], $0x80, $0x38;
	[tilespmem:$0x10180] =	vst v63  }
0x14: {  	_ =	swait.ge [sflag:s2], $0x80  }
0x15: {  	[sflag:s2] =	ssyncset.done $0x0  }
0x16: {  	s3 =	simm.s32 $0x10100;
	s25 =	rddreg [dreg:$0x5];
	[sflag:s2] =	ssyncadd.s32 $0xFFFFFF80  }
0x17: {  	[tilespmem:s3], [sflag:$0x5] =	stream.linear.gather [hbm4b:s25+s5], $0x80, $0x38;
	[tilespmem:$0x10180] =	vst v63  }
0x18: {  	_ =	swait.ge [sflag:s2], $0x80  }
0x19: {  	[sflag:s2] =	ssyncset.done $0x0  }
0x1a: {  	[sflag:s2] =	ssyncadd.s32 $0xFFFFFF80  }
0x1b: {  	v1 =	vld.idx.msk [tilespmem:v0+s3+$0x0], $0xffff;
	_ =	sdelay $0x4  }
0x1c: {  	v1 =	vxor.u32 $0x80000000, v1  }
0x1d: {  	(xrf0) =	vmax.scan.msk.u32 $0xffff, v1;
	_ =	sdelay $0x5  }
0x1e: {  	v1, _, _ =	vpop (xrf0)  }
0x1f: {  	(v2sf) =	vpush v1, $0xF;
	_ =	sdelay $0xe  }
0x20: {  	s29 =	spop (v2sf)  }
0x21: {  	s30 =	sxor.u32 $0x80000000, s29  }
0x22: {  	s31 =	sshra.s32 s30, $0x1F  }
0x23: {  	s3 =	sshrl.u32 s31, $0x1D  }
0x24: {  	s3 =	sadd.s32 s3, s30  }
0x25: {  	p0 =	sgt.s32 s29, $0xFFFFFFFF;
	p1 =	slt.s32 s30, $0x1;
	s4 =	sand.u32 $0xFFFFFFF8, s3  }
0x26: {  	p0 =	por p0, p1;
	p6 =	sne.s32 s30, s4  }
0x27: {  	p0 =	por !p0, !p6  }
0x28: {  	s2 =	simm.s32 $0x1;
	p0 =	por !p0, !p0  }
0x29: {  	s0 =	sshll.u32 s29, $0x7;
	s3 =	sshrl.u32 s3, $0x3;
	s2 =	simm.s32 @!p0 $0x0  }
0x2a: {  	s0 =	sadd.s32 $0x400, s0;
	s2 =	ssub.s32 s3, s2  }
0x2b: {  	s0 =	sand.u32 $0x380, s0;
	s2 =	sshll.u32 s2, $0x11  }
0x2c: {  	s0 =	sor.u32 s0, s2  }
0x2d: {  	s0 =	sshrl.u32 s0, $0x3  }
0x2e: {  	s28 =	simm.s32 $0x0;
	s0 =	sadd.s32 s1, s0  }
0x2f: {  	[tilespmem:s5], [sflag:$0x1] =	stream.strided.gather [hbm4b:s0+s19], $0x4000, s20, s19, $0x38;
	[tilespmem:$0x10180] =	vst v63  }
.LBB2_2:
0x30: {  	s29 =	sshll.u32 s28, $0x1  }
0x31: {  	p0 =	sge.u32 s29, s12  }
0x32: {  	s0 =	sshra.s32 @!p0 s29, $0x1F  }
0x33: {  	s0 =	sadd.s32 @!p0 s0, s28  }
0x34: {  	s0 =	sshll.u32 @!p0 s0, $0x6  }
0x35: {  	s2 =	sshra.s32 @!p0 s0, $0x1F  }
0x36: {  	s3 =	sor.u32 @!p0 s13, s0;
	s4 =	smul.u32 @!p0 $0x3E0F83E1, s2  }
0x37: {  	s0 =	sxor.u32 @!p0 $0xFFFFFFFF, s0;
	s5 =	smulhi.u32 @!p0 $0x3E0F83E1, s3  }
0x38: {  	s0 =	sshrl.u32 @!p0 s0, $0x1F  }
0x39: {  	s0 =	sadd.s32 @!p0 s0, s2;
	s4 =	sadd.s32 @!p0 s4, s5  }
0x3a: {  	p1 =	sne.s32 @!p0 s0, $0x1;
	s2 =	sshrl.u32 @!p0 s4, $0x1F  }
0x3b: {  	s0 =	sshra.s32 @!p0 s4, $0x4;
	p1 =	por !p1, p0;
	s4 =	simm.s32 @!p0 $0x1  }
0x3c: {  	s0 =	sadd.s32 @!p0 s2, s0;
	s4 =	simm.s32 @p1 $0x0  }
0x3d: {  	s0 =	ssub.s32 @!p0 s0, s4  }
0x3e: {  	s2 =	smul.u32 @!p0 $0xFFFFFFBE, s0;
	_ =	sdelay $0x1  }
0x3f: {  	s2 =	sadd.s32 @!p0 s3, s2  }
0x40: {  	v1 =	vmov @!p0 s2;
	_ =	sdelay $0x3  }
0x41: {  	s2 =	simm.s32 @!p0 $0x10100  }
0x42: {  	v1 =	vld.idx.msk @!p0 [tilespmem:v1+s2+$0x0], $0xffff;
	_ =	sdelay $0x4  }
0x43: {  	v1 =	vxor.u32 @!p0 $0x80000000, v1  }
0x44: {  	(xrf0) =	vmax.scan.msk.u32 @!p0 $0xffff, v1;
	_ =	sdelay $0x5  }
0x45: {  	v1, _, _ =	vpop @!p0 (xrf0)  }
0x46: {  	(v2sf) =	vpush @!p0 v1, $0xF;
	_ =	sdelay $0x9  }
0x47: {  	s15 =	sshll.u32 s28, $0x6  }
0x48: {  	s2 =	sor.u32 s9, s15  }
0x49: {  	s17 =	smulhi.u32 $0x3E0F83E1, s2;
	s24 =	sshra.s32 s2, $0x1F  }
0x4a: {  	s4 =	smul.u32 $0x3E0F83E1, s24;
	_ =	sdelay $0x1  }
0x4b: {  	s3 =	sadd.s32 s4, s17;
	s5 =	spop @!p0 (v2sf)  }
0x4c: {  	s25 =	sshrl.u32 s3, $0x1F;
	s3 =	sshra.s32 s3, $0x4;
	s6 =	sxor.u32 @!p0 $0x80000000, s5  }
0x4d: {  	s3 =	sadd.s32 s25, s3;
	s11 =	sshra.s32 @!p0 s6, $0x1F  }
0x4e: {  	p3 =	slt.s32 s2, $0x1;
	s4 =	sshrl.u32 @!p0 s11, $0x1D;
	s11 =	smul.u32 $0xFFFFFFBE, s3  }
0x4f: {  	s17 =	ssub.s32 $0x0, s2;
	p1 =	sgt.s32 @!p0 s5, $0xFFFFFFFF;
	s4 =	sadd.s32 @!p0 s4, s6  }
0x50: {  	p2 =	slt.s32 @!p0 s6, $0x1;
	s15 =	sand.u32 @!p0 $0xFFFFFFF8, s4;
	p4 =	sne.s32 s11, s17  }
0x51: {  	p1 =	por @!p0 p1, p2;
	p2 =	sne.s32 @!p0 s6, s15;
	p6 =	por !p3, !p4  }
0x52: {  	s11 =	simm.s32 $0x1;
	p1 =	por @!p0 !p1, !p2;
	p2 =	por !p6, !p6  }
0x53: {  	s0 =	smul.u32 @!p0 $0xC, s0;
	s11 =	simm.s32 @!p2 $0x0  }
0x54: {  	s4 =	sshrl.u32 @!p0 s4, $0x3;
	p1 =	por @!p0 !p1, !p1;
	s31 =	ssub.s32 s3, s11  }
0x55: {  	s6 =	simm.s32 @!p0 $0x1;
	p1 =	por !p1, p0;
	s3 =	smul.u32 $0xFFFFFFBE, s31  }
0x56: {  	s5 =	sshll.u32 @!p0 s5, $0x7;
	s0 =	sadd.s32 @!p0 s0, s4;
	s6 =	simm.s32 @p1 $0x0  }
0x57: {  	s4 =	sadd.s32 @!p0 $0x400, s5;
	s0 =	ssub.s32 @!p0 s0, s6;
	s30 =	sadd.s32 s2, s3  }
0x58: {  	s4 =	sand.u32 @!p0 $0x380, s4;
	s0 =	sshll.u32 @!p0 s0, $0x11;
	v1 =	vmov s30  }
0x59: {  	s0 =	sor.u32 @!p0 s4, s0;
	v1 =	vand.u32 $0xFFFFFFFE, v1  }
0x5a: {  	s2 =	simm.s32 @!p0 $0x80;
	s0 =	sshrl.u32 @!p0 s0, $0x3;
	v1 =	vbroadcast v1, $0x0  }
0x5b: {  	s3 =	simm.s32 @!p0 $0x400;
	s4 =	simm.s32 @!p0 $0x4000;
	s0 =	sadd.s32 @!p0 s1, s0  }
0x5c: {  	[tilespmem:s4], [sflag:$0x2] =	stream.strided.gather @!p0 [hbm4b:s0+s2], $0x4000, s3, s2, $0x38;
	[tilespmem:$0x10180] =	vst v63  }
0x5d: {  	_ =	swait.ge [sflag:s18], $0x4000  }
0x5e: {  	[sflag:s18] =	ssyncset.done $0x0  }
0x5f: {  	p0 =	seq.s32 s28, $0x0;
	[sflag:s18] =	ssyncadd.s32 $0xFFFFC000  }
0x60: {  	s0 =	simm.s32 @!p0 $0x3;
	v2 =	vld.idx.msk [tilespmem:v1+s14+$0x0], $0xffff  }
0x61: {  	v1 =	vld.idx.msk [tilespmem:v1+s16+$0x0], $0xffff;
	_ =	swait.ge @!p0 [sflag:s0], $0x4000  }
0x62: {  	[sflag:s0] =	ssyncset.done @!p0 $0x0  }
0x63: {  	s24 =	simm.s32 $0x80;
	[sflag:s0] =	ssyncadd.s32 @!p0 $0xFFFFC000  }
0x64: {  	v3 =	vld [tilespmem:s24+$0x0]  }
0x65: {  	v4 =	vld [tilespmem:s24+$0xFFFFFF80];
	_ =	sdelay $0x3  }
0x66: {  	v3 =	vsub.f32 v3, v2  }
0x67: {  	v4 =	vsub.f32 v4, v2  }
0x68: {  	v3 =	vmul.f32 v3, v1  }
0x69: {  	s0 =	simm.s32 $0x8080;
	v4 =	vmul.f32 v4, v1  }
0x6a: {  	[tilespmem:s0+$0x0] =	vst v3  }
0x6b: {  	[tilespmem:s0+$0xFFFFFF80] =	vst v4;
	v3 =	vld [tilespmem:s24+$0x10]  }
0x6c: {  	v4 =	vld [tilespmem:s24+$0xFFFFFF90];
	_ =	sdelay $0x3  }
0x6d: {  	s5 =	simm.s32 $0x180;
	v3 =	vsub.f32 v3, v2  }
0x6e: {  	v5 =	vld [tilespmem:s5+$0x0];
	v4 =	vsub.f32 v4, v2  }
0x6f: {  	v6 =	vld [tilespmem:s5+$0xFFFFFF80];
	v3 =	vmul.f32 v3, v1  }
0x70: {  	v4 =	vmul.f32 v4, v1  }
0x71: {  	[tilespmem:s0+$0x10] =	vst v3  }
0x72: {  	[tilespmem:s0+$0xFFFFFF90] =	vst v4;
	v3 =	vld [tilespmem:s24+$0x20]  }
0x73: {  	v4 =	vsub.f32 v5, v2;
	v5 =	vld [tilespmem:s24+$0xFFFFFFA0]  }
0x74: {  	v6 =	vsub.f32 v6, v2  }
0x75: {  	v4 =	vmul.f32 v4, v1  }
0x76: {  	s3 =	simm.s32 $0x8180;
	v6 =	vmul.f32 v6, v1  }
0x77: {  	[tilespmem:s3+$0x0] =	vst v4;
	v3 =	vsub.f32 v3, v2  }
0x78: {  	[tilespmem:s3+$0xFFFFFF80] =	vst v6;
	v4 =	vld [tilespmem:s5+$0x10];
	v5 =	vsub.f32 v5, v2  }
0x79: {  	v6 =	vld [tilespmem:s5+$0xFFFFFF90];
	v3 =	vmul.f32 v3, v1  }
0x7a: {  	v5 =	vmul.f32 v5, v1  }
0x7b: {  	[tilespmem:s0+$0x20] =	vst v3  }
0x7c: {  	[tilespmem:s0+$0xFFFFFFA0] =	vst v5;
	v3 =	vld [tilespmem:s24+$0x30]  }
0x7d: {  	s6 =	simm.s32 $0x280;
	v4 =	vsub.f32 v4, v2;
	v5 =	vld [tilespmem:s24+$0xFFFFFFB0]  }
0x7e: {  	v7 =	vld [tilespmem:s6+$0x0];
	v6 =	vsub.f32 v6, v2  }
0x7f: {  	v8 =	vld [tilespmem:s6+$0xFFFFFF80];
	v4 =	vmul.f32 v4, v1  }
0x80: {  	v6 =	vmul.f32 v6, v1  }
0x81: {  	[tilespmem:s3+$0x10] =	vst v4;
	v3 =	vsub.f32 v3, v2  }
0x82: {  	[tilespmem:s3+$0xFFFFFF90] =	vst v6;
	v4 =	vld [tilespmem:s5+$0x20];
	v5 =	vsub.f32 v5, v2  }
0x83: {  	v6 =	vsub.f32 v7, v2;
	v7 =	vld [tilespmem:s5+$0xFFFFFFA0];
	v3 =	vmul.f32 v3, v1  }
0x84: {  	v8 =	vsub.f32 v8, v2;
	v5 =	vmul.f32 v5, v1  }
0x85: {  	v6 =	vmul.f32 v6, v1;
	[tilespmem:s0+$0x30] =	vst v3  }
0x86: {  	s2 =	simm.s32 $0x8280;
	v3 =	vmul.f32 v8, v1;
	[tilespmem:s0+$0xFFFFFFB0] =	vst v5;
	v5 =	vld [tilespmem:s24+$0x40]  }
0x87: {  	[tilespmem:s2+$0x0] =	vst v6;
	v4 =	vsub.f32 v4, v2;
	v6 =	vld [tilespmem:s24+$0xFFFFFFC0]  }
0x88: {  	v7 =	vsub.f32 v7, v2;
	[tilespmem:s2+$0xFFFFFF80] =	vst v3;
	v3 =	vld [tilespmem:s6+$0x10]  }
0x89: {  	v4 =	vmul.f32 v4, v1;
	v8 =	vld [tilespmem:s6+$0xFFFFFF90]  }
0x8a: {  	v7 =	vmul.f32 v7, v1  }
0x8b: {  	[tilespmem:s3+$0x20] =	vst v4;
	v4 =	vsub.f32 v5, v2  }
0x8c: {  	[tilespmem:s3+$0xFFFFFFA0] =	vst v7;
	v5 =	vld [tilespmem:s5+$0x30];
	v6 =	vsub.f32 v6, v2  }
0x8d: {  	s11 =	simm.s32 $0x380;
	v7 =	vld [tilespmem:s5+$0xFFFFFFB0];
	v3 =	vsub.f32 v3, v2;
	v4 =	vmul.f32 v4, v1  }
0x8e: {  	v9 =	vld [tilespmem:s11+$0x0];
	v8 =	vsub.f32 v8, v2;
	v6 =	vmul.f32 v6, v1  }
0x8f: {  	v10 =	vld [tilespmem:s11+$0xFFFFFF80];
	v3 =	vmul.f32 v3, v1;
	[tilespmem:s0+$0x40] =	vst v4  }
0x90: {  	v4 =	vmul.f32 v8, v1;
	[tilespmem:s0+$0xFFFFFFC0] =	vst v6;
	v6 =	vld [tilespmem:s24+$0x50]  }
0x91: {  	[tilespmem:s2+$0x10] =	vst v3;
	v3 =	vsub.f32 v5, v2;
	v5 =	vld [tilespmem:s24+$0xFFFFFFD0]  }
0x92: {  	v7 =	vsub.f32 v7, v2;
	[tilespmem:s2+$0xFFFFFF90] =	vst v4;
	v4 =	vld [tilespmem:s6+$0x20]  }
0x93: {  	v8 =	vsub.f32 v9, v2;
	v9 =	vld [tilespmem:s6+$0xFFFFFFA0];
	v3 =	vmul.f32 v3, v1  }
0x94: {  	v10 =	vsub.f32 v10, v2;
	v7 =	vmul.f32 v7, v1  }
0x95: {  	v8 =	vmul.f32 v8, v1;
	[tilespmem:s3+$0x30] =	vst v3;
	v3 =	vsub.f32 v6, v2  }
0x96: {  	s17 =	simm.s32 $0x8380;
	[tilespmem:s3+$0xFFFFFFB0] =	vst v7;
	v6 =	vmul.f32 v10, v1;
	v7 =	vld [tilespmem:s5+$0x40];
	v5 =	vsub.f32 v5, v2  }
0x97: {  	[tilespmem:s17+$0x0] =	vst v8;
	v8 =	vld [tilespmem:s5+$0xFFFFFFC0];
	v4 =	vsub.f32 v4, v2;
	v3 =	vmul.f32 v3, v1  }
0x98: {  	[tilespmem:s17+$0xFFFFFF80] =	vst v6;
	v6 =	vld [tilespmem:s11+$0x10];
	v9 =	vsub.f32 v9, v2;
	v5 =	vmul.f32 v5, v1  }
0x99: {  	v10 =	vld [tilespmem:s11+$0xFFFFFF90];
	v4 =	vmul.f32 v4, v1;
	[tilespmem:s0+$0x50] =	vst v3  }
0x9a: {  	v3 =	vmul.f32 v9, v1;
	[tilespmem:s0+$0xFFFFFFD0] =	vst v5;
	v5 =	vld [tilespmem:s24+$0x60]  }
0x9b: {  	[tilespmem:s2+$0x20] =	vst v4;
	v4 =	vsub.f32 v7, v2;
	v7 =	vld [tilespmem:s24+$0xFFFFFFE0]  }
0x9c: {  	v8 =	vsub.f32 v8, v2;
	[tilespmem:s2+$0xFFFFFFA0] =	vst v3;
	v3 =	vld [tilespmem:s6+$0x30]  }
0x9d: {  	s25 =	simm.s32 $0x480;
	v6 =	vsub.f32 v6, v2;
	v9 =	vld [tilespmem:s6+$0xFFFFFFB0];
	v4 =	vmul.f32 v4, v1  }
0x9e: {  	v11 =	vld [tilespmem:s25+$0x0];
	v8 =	vmul.f32 v8, v1;
	v10 =	vsub.f32 v10, v2  }
0x9f: {  	v12 =	vld [tilespmem:s25+$0xFFFFFF80];
	v6 =	vmul.f32 v6, v1;
	[tilespmem:s3+$0x40] =	vst v4;
	v4 =	vsub.f32 v5, v2  }
0xa0: {  	[tilespmem:s3+$0xFFFFFFC0] =	vst v8;
	v5 =	vmul.f32 v10, v1;
	v8 =	vld [tilespmem:s5+$0x50];
	v7 =	vsub.f32 v7, v2  }
0xa1: {  	[tilespmem:s17+$0x10] =	vst v6;
	v3 =	vsub.f32 v3, v2;
	v6 =	vld [tilespmem:s5+$0xFFFFFFD0];
	v4 =	vmul.f32 v4, v1  }
0xa2: {  	[tilespmem:s17+$0xFFFFFF90] =	vst v5;
	v5 =	vld [tilespmem:s11+$0x20];
	v9 =	vsub.f32 v9, v2;
	v7 =	vmul.f32 v7, v1  }
0xa3: {  	v10 =	vsub.f32 v11, v2;
	v11 =	vld [tilespmem:s11+$0xFFFFFFA0];
	v3 =	vmul.f32 v3, v1;
	[tilespmem:s0+$0x60] =	vst v4  }
0xa4: {  	v4 =	vsub.f32 v12, v2;
	v9 =	vmul.f32 v9, v1;
	[tilespmem:s0+$0xFFFFFFE0] =	vst v7;
	v7 =	vld [tilespmem:s24+$0x70]  }
0xa5: {  	v10 =	vmul.f32 v10, v1;
	[tilespmem:s2+$0x30] =	vst v3;
	v3 =	vsub.f32 v8, v2;
	v8 =	vld [tilespmem:s24+$0xFFFFFFF0]  }
0xa6: {  	s24 =	simm.s32 $0x8480;
	v4 =	vmul.f32 v4, v1;
	[tilespmem:s2+$0xFFFFFFB0] =	vst v9;
	v63 =	vld [tilespmem:s6+$0x40];
	v6 =	vsub.f32 v6, v2  }
0xa7: {  	[tilespmem:s24+$0x0] =	vst v10;
	v5 =	vsub.f32 v5, v2;
	v10 =	vld [tilespmem:s6+$0xFFFFFFC0];
	v3 =	vmul.f32 v3, v1  }
0xa8: {  	v13 =	vld [tilespmem:s25+$0x10];
	[tilespmem:s24+$0xFFFFFF80] =	vst v4;
	v4 =	vsub.f32 v11, v2;
	v6 =	vmul.f32 v6, v1  }
0xa9: {  	v9 =	vld [tilespmem:s25+$0xFFFFFF90];
	v11 =	vmul.f32 v5, v1;
	[tilespmem:s3+$0x50] =	vst v3;
	v3 =	vsub.f32 v7, v2  }
0xaa: {  	v7 =	vmul.f32 v4, v1;
	[tilespmem:s3+$0xFFFFFFD0] =	vst v6;
	v5 =	vld [tilespmem:s5+$0x60];
	v8 =	vsub.f32 v8, v2  }
0xab: {  	[tilespmem:s17+$0x20] =	vst v11;
	v12 =	vsub.f32 v63, v2;
	v4 =	vld [tilespmem:s5+$0xFFFFFFE0];
	v14 =	vmul.f32 v3, v1  }
0xac: {  	[tilespmem:s17+$0xFFFFFFA0] =	vst v7;
	v6 =	vld [tilespmem:s11+$0x30];
	v7 =	vsub.f32 v10, v2;
	v3 =	vmul.f32 v8, v1  }
0xad: {  	s15 =	simm.s32 $0x580;
	s4 =	simm.s32 $0x8;
	v11 =	vsub.f32 v13, v2;
	v8 =	vld [tilespmem:s11+$0xFFFFFFB0];
	v10 =	vmul.f32 v12, v1;
	[tilespmem:s0+$0x70] =	vst v14  }
.LBB2_3:
0xae: {  	v12 =	vld [tilespmem:s15+$0x0];
	s4 =	sadd.s32 $0x2, s4;
	v9 =	vsub.f32 v9, v2;
	v7 =	vmul.f32 v7, v1;
	[tilespmem:s0+$0xFFFFFFF0] =	vst v3;
	s0 =	smov.u32 s3;
	s3 =	smov.u32 s2  }
0xaf: {  	s2 =	smov.u32 s17;
	s17 =	smov.u32 s24;
	v3 =	vld [tilespmem:s15+$0xFFFFFF80];
	p1 =	slt.u32 s4, $0x7E;
	v11 =	vmul.f32 v11, v1;
	[tilespmem:s3+$0x40] =	vst v10;
	v5 =	vsub.f32 v5, v2  }
0xb0: {  	v9 =	vmul.f32 v9, v1;
	[tilespmem:s3+$0xFFFFFFC0] =	vst v7;
	v7 =	vld [tilespmem:s6+$0x50];
	v4 =	vsub.f32 v4, v2  }
0xb1: {  	[tilespmem:s24+$0x10] =	vst v11;
	v6 =	vsub.f32 v6, v2;
	v10 =	vld [tilespmem:s6+$0xFFFFFFD0];
	v5 =	vmul.f32 v5, v1  }
0xb2: {  	[tilespmem:s24+$0xFFFFFF90] =	vst v9;
	v9 =	vld [tilespmem:s25+$0x20];
	v8 =	vsub.f32 v8, v2;
	v4 =	vmul.f32 v4, v1  }
0xb3: {  	v11 =	vsub.f32 v12, v2;
	v12 =	vld [tilespmem:s25+$0xFFFFFFA0];
	v6 =	vmul.f32 v6, v1;
	[tilespmem:s0+$0x60] =	vst v5  }
0xb4: {  	v3 =	vsub.f32 v3, v2;
	v5 =	vmul.f32 v8, v1;
	[tilespmem:s0+$0xFFFFFFE0] =	vst v4;
	v4 =	vld [tilespmem:s5+$0x70]  }
0xb5: {  	v8 =	vmul.f32 v11, v1;
	[tilespmem:s2+$0x30] =	vst v6;
	v6 =	vsub.f32 v7, v2;
	v7 =	vld [tilespmem:s5+$0xFFFFFFF0];
	s5 =	smov.u32 s6;
	s6 =	smov.u32 s11;
	s11 =	smov.u32 s25  }
0xb6: {  	s24 =	sadd.s32 $0x100, s24;
	s25 =	smov.u32 s15;
	v3 =	vmul.f32 v3, v1;
	[tilespmem:s2+$0xFFFFFFB0] =	vst v5;
	v11 =	vld [tilespmem:s6+$0x40];
	v5 =	vsub.f32 v10, v2  }
0xb7: {  	[tilespmem:s24+$0x0] =	vst v8;
	v8 =	vsub.f32 v9, v2;
	v10 =	vld [tilespmem:s6+$0xFFFFFFC0];
	v6 =	vmul.f32 v6, v1  }
0xb8: {  	[tilespmem:s24+$0xFFFFFF80] =	vst v3;
	v13 =	vld [tilespmem:s15+$0x10];
	v3 =	vsub.f32 v12, v2;
	v5 =	vmul.f32 v5, v1  }
.Ltmp0:
0xb9: {  	v9 =	vld [tilespmem:s15+$0xFFFFFF90];
	v8 =	vmul.f32 v8, v1;
	[tilespmem:s3+$0x50] =	vst v6;
	v6 =	vsub.f32 v4, v2;
	(pc) =	sbr.rel @p1 .LBB2_3-.Ltmp0, $4  }
0xba: {  	v3 =	vmul.f32 v3, v1;
	[tilespmem:s3+$0xFFFFFFD0] =	vst v5;
	v5 =	vld [tilespmem:s5+$0x60];
	v12 =	vsub.f32 v7, v2  }
0xbb: {  	[tilespmem:s17+$0x20] =	vst v8;
	v14 =	vsub.f32 v11, v2;
	v4 =	vld [tilespmem:s5+$0xFFFFFFE0];
	v15 =	vmul.f32 v6, v1  }
0xbc: {  	[tilespmem:s17+$0xFFFFFFA0] =	vst v3;
	v6 =	vld [tilespmem:s11+$0x30];
	v7 =	vsub.f32 v10, v2;
	v3 =	vmul.f32 v12, v1  }
0xbd: {  	s15 =	sadd.s32 $0x100, s15;
	v11 =	vsub.f32 v13, v2;
	v8 =	vld [tilespmem:s11+$0xFFFFFFB0];
	v10 =	vmul.f32 v14, v1;
	[tilespmem:s0+$0x70] =	vst v15  }
0xbe: {  	v9 =	vsub.f32 v9, v2  }
0xbf: {  	v11 =	vmul.f32 v11, v1  }
0xc0: {  	v9 =	vmul.f32 v9, v1  }
0xc1: {  	[tilespmem:s24+$0x10] =	vst v11  }
0xc2: {  	[tilespmem:s24+$0xFFFFFF90] =	vst v9;
	v9 =	vld [tilespmem:s25+$0x20]  }
0xc3: {  	v11 =	vld [tilespmem:s25+$0xFFFFFFA0];
	_ =	sdelay $0x3  }
0xc4: {  	v9 =	vsub.f32 v9, v2  }
0xc5: {  	v11 =	vsub.f32 v11, v2  }
0xc6: {  	v9 =	vmul.f32 v9, v1  }
0xc7: {  	v11 =	vmul.f32 v11, v1  }
0xc8: {  	[tilespmem:s24+$0x20] =	vst v9  }
0xc9: {  	[tilespmem:s24+$0xFFFFFFA0] =	vst v11;
	v9 =	vld [tilespmem:s25+$0x30]  }
0xca: {  	v11 =	vld [tilespmem:s25+$0xFFFFFFB0];
	_ =	sdelay $0x1  }
0xcb: {  	v6 =	vsub.f32 v6, v2  }
0xcc: {  	v8 =	vsub.f32 v8, v2  }
0xcd: {  	v6 =	vmul.f32 v6, v1;
	v9 =	vsub.f32 v9, v2  }
0xce: {  	v8 =	vmul.f32 v8, v1;
	v11 =	vsub.f32 v11, v2  }
0xcf: {  	[tilespmem:s17+$0x30] =	vst v6;
	v6 =	vmul.f32 v9, v1  }
0xd0: {  	[tilespmem:s17+$0xFFFFFFB0] =	vst v8;
	v8 =	vld [tilespmem:s11+$0x40];
	v9 =	vmul.f32 v11, v1  }
0xd1: {  	v11 =	vld [tilespmem:s11+$0xFFFFFFC0];
	[tilespmem:s24+$0x30] =	vst v6  }
0xd2: {  	[tilespmem:s24+$0xFFFFFFB0] =	vst v9;
	v6 =	vld [tilespmem:s25+$0x40]  }
0xd3: {  	v9 =	vld [tilespmem:s25+$0xFFFFFFC0];
	_ =	sdelay $0x1  }
0xd4: {  	v8 =	vsub.f32 v8, v2  }
0xd5: {  	v7 =	vmul.f32 v7, v1;
	v11 =	vsub.f32 v11, v2  }
0xd6: {  	[tilespmem:s2+$0x40] =	vst v10;
	v8 =	vmul.f32 v8, v1;
	v6 =	vsub.f32 v6, v2  }
0xd7: {  	[tilespmem:s2+$0xFFFFFFC0] =	vst v7;
	v7 =	vld [tilespmem:s6+$0x50];
	v10 =	vmul.f32 v11, v1;
	v9 =	vsub.f32 v9, v2  }
0xd8: {  	[tilespmem:s17+$0x40] =	vst v8;
	v11 =	vld [tilespmem:s6+$0xFFFFFFD0];
	v6 =	vmul.f32 v6, v1  }
0xd9: {  	v8 =	vld [tilespmem:s11+$0x50];
	[tilespmem:s17+$0xFFFFFFC0] =	vst v10;
	v9 =	vmul.f32 v9, v1  }
0xda: {  	v10 =	vld [tilespmem:s11+$0xFFFFFFD0];
	[tilespmem:s24+$0x40] =	vst v6  }
0xdb: {  	[tilespmem:s24+$0xFFFFFFC0] =	vst v9;
	v6 =	vld [tilespmem:s25+$0x50]  }
0xdc: {  	v7 =	vsub.f32 v7, v2;
	v9 =	vld [tilespmem:s25+$0xFFFFFFD0]  }
0xdd: {  	v11 =	vsub.f32 v11, v2  }
0xde: {  	v7 =	vmul.f32 v7, v1;
	v8 =	vsub.f32 v8, v2  }
0xdf: {  	v11 =	vmul.f32 v11, v1;
	v10 =	vsub.f32 v10, v2  }
0xe0: {  	[tilespmem:s2+$0x50] =	vst v7;
	v7 =	vmul.f32 v8, v1;
	v6 =	vsub.f32 v6, v2  }
0xe1: {  	v8 =	vld [tilespmem:s6+$0x60];
	[tilespmem:s2+$0xFFFFFFD0] =	vst v11;
	v10 =	vmul.f32 v10, v1;
	v9 =	vsub.f32 v9, v2  }
0xe2: {  	[tilespmem:s17+$0x50] =	vst v7;
	v11 =	vld [tilespmem:s6+$0xFFFFFFE0];
	v6 =	vmul.f32 v6, v1  }
0xe3: {  	v7 =	vld [tilespmem:s11+$0x60];
	[tilespmem:s17+$0xFFFFFFD0] =	vst v10;
	v9 =	vmul.f32 v9, v1  }
0xe4: {  	v5 =	vsub.f32 v5, v2;
	v10 =	vld [tilespmem:s11+$0xFFFFFFE0];
	[tilespmem:s24+$0x50] =	vst v6  }
0xe5: {  	v4 =	vsub.f32 v4, v2;
	[tilespmem:s24+$0xFFFFFFD0] =	vst v9;
	v6 =	vld [tilespmem:s25+$0x60]  }
0xe6: {  	v5 =	vmul.f32 v5, v1;
	v8 =	vsub.f32 v8, v2;
	v9 =	vld [tilespmem:s25+$0xFFFFFFE0]  }
0xe7: {  	v4 =	vmul.f32 v4, v1;
	v11 =	vsub.f32 v11, v2  }
0xe8: {  	[tilespmem:s3+$0x60] =	vst v5;
	v5 =	vmul.f32 v8, v1;
	v7 =	vsub.f32 v7, v2  }
0xe9: {  	[tilespmem:s3+$0xFFFFFFE0] =	vst v4;
	v4 =	vld [tilespmem:s5+$0x70];
	v8 =	vmul.f32 v11, v1;
	v10 =	vsub.f32 v10, v2  }
0xea: {  	s4 =	sadd.s32 $0x2, s29;
	[tilespmem:s2+$0x60] =	vst v5;
	v5 =	vmul.f32 v7, v1;
	v11 =	vld [tilespmem:s5+$0xFFFFFFF0];
	v6 =	vsub.f32 v6, v2  }
0xeb: {  	p1 =	sge.u32 s4, s8;
	v7 =	vld [tilespmem:s6+$0x70];
	[tilespmem:s2+$0xFFFFFFE0] =	vst v8;
	v8 =	vmul.f32 v10, v1;
	v9 =	vsub.f32 v9, v2  }
0xec: {  	s4 =	sshll.u32 @!p1 s4, $0x5;
	[tilespmem:s17+$0x60] =	vst v5;
	v10 =	vld [tilespmem:s6+$0xFFFFFFF0];
	v5 =	vmul.f32 v6, v1  }
0xed: {  	s4 =	sor.u32 @!p1 s9, s4;
	s6 =	sshra.s32 s30, $0x1F;
	[tilespmem:s17+$0xFFFFFFE0] =	vst v8;
	v6 =	vld [tilespmem:s11+$0x70];
	v8 =	vmul.f32 v9, v1  }
0xee: {  	v4 =	vsub.f32 v4, v2;
	s5 =	sshrl.u32 s6, $0x1D;
	s6 =	smulhi.u32 @!p1 $0x3E0F83E1, s4;
	v9 =	vld [tilespmem:s11+$0xFFFFFFF0];
	[tilespmem:s24+$0x60] =	vst v5  }
0xef: {  	s5 =	sadd.s32 s5, s30;
	v5 =	vsub.f32 v11, v2;
	[tilespmem:s24+$0xFFFFFFE0] =	vst v8;
	v8 =	vld [tilespmem:s25+$0x70]  }
0xf0: {  	v4 =	vmul.f32 v4, v1;
	v7 =	vsub.f32 v7, v2;
	s15 =	sand.u32 $0xFFFFFFF8, s5;
	s6 =	sshrl.u32 @!p1 s6, $0x4;
	v11 =	vld [tilespmem:s25+$0xFFFFFFF0]  }
0xf1: {  	[tilespmem:s0+$0xFFFFFFF0] =	vst v3;
	p2 =	slt.s32 s30, $0x1;
	p3 =	sne.s32 s30, s15;
	s0 =	smul.u32 @!p1 $0xFFFFFFBE, s6;
	v3 =	vmul.f32 v5, v1;
	v5 =	vsub.f32 v10, v2  }
0xf2: {  	[tilespmem:s3+$0x70] =	vst v4;
	v4 =	vmul.f32 v7, v1;
	s5 =	sshrl.u32 s5, $0x3;
	p2 =	por !p2, !p3;
	s25 =	smul.u32 $0x9, s31;
	v6 =	vsub.f32 v6, v2  }
0xf3: {  	p2 =	por !p2, !p2;
	s0 =	sadd.s32 @!p1 s4, s0;
	[tilespmem:s3+$0xFFFFFFF0] =	vst v3;
	v3 =	vmul.f32 v5, v1;
	v5 =	vsub.f32 v9, v2;
	s3 =	simm.s32 $0x1  }
0xf4: {  	[tilespmem:s2+$0x70] =	vst v4;
	s31 =	sshll.u32 s30, $0x7;
	v7 =	vmov @!p1 s0;
	s5 =	sadd.s32 s25, s5;
	v4 =	vmul.f32 v6, v1;
	s3 =	simm.s32 @!p2 $0x0;
	v6 =	vsub.f32 v8, v2  }
0xf5: {  	s11 =	sadd.s32 $0x400, s31;
	[tilespmem:s2+$0xFFFFFFF0] =	vst v3;
	v3 =	vmul.f32 v5, v1;
	s5 =	ssub.s32 s5, s3;
	v5 =	vand.u32 @!p1 $0xFFFFFFFE, v7;
	v2 =	vsub.f32 v11, v2  }
0xf6: {  	s2 =	sand.u32 $0x300, s11;
	[tilespmem:s17+$0x70] =	vst v4;
	s0 =	sshll.u32 s5, $0x11;
	v5 =	vbroadcast @!p1 v5, $0x0;
	v4 =	vmul.f32 v6, v1  }
0xf7: {  	[tilespmem:s17+$0xFFFFFFF0] =	vst v3;
	s0 =	sor.u32 s2, s0;
	v1 =	vmul.f32 v2, v1  }
0xf8: {  	s0 =	sshrl.u32 s0, $0x3;
	[tilespmem:s24+$0x70] =	vst v4  }
0xf9: {  	s0 =	sadd.s32 s7, s0;
	[tilespmem:s24+$0xFFFFFFF0] =	vst v1  }
0xfa: {  	[hbm4b:s0+s19] =	stream.strided.scatter [tilespmem:s21], [sflag:$0x3], $0x4000, s20, s19, $0x38;
	[tilespmem:$0x10180] =	vst v63  }
0xfb: {  	s0 =	simm.s32 @!p1 $0x10100  }
0xfc: {  	v1 =	vld.idx.msk @!p1 [tilespmem:v5+s0+$0x0], $0xffff;
	_ =	sdelay $0x4  }
0xfd: {  	v1 =	vxor.u32 @!p1 $0x80000000, v1  }
0xfe: {  	(xrf0) =	vmax.scan.msk.u32 @!p1 $0xffff, v1;
	_ =	sdelay $0x5  }
0xff: {  	v1, _, _ =	vpop @!p1 (xrf0)  }
0x100: {  	(v2sf) =	vpush @!p1 v1, $0xF;
	_ =	sdelay $0xc  }
0x101: {  	s15 =	sshra.s32 s29, $0x1F  }
0x102: {  	s4 =	smul.u32 @!p1 $0xC, s6;
	s6 =	sadd.s32 s15, s28  }
0x103: {  	s6 =	sshll.u32 s6, $0x6;
	s0 =	spop @!p1 (v2sf)  }
0x104: {  	s15 =	simm.s32 @!p1 $0x1;
	s17 =	sshra.s32 s6, $0x1F;
	s2 =	sxor.u32 @!p1 $0x80000000, s0  }
0x105: {  	s25 =	smul.u32 $0x3E0F83E1, s17;
	s24 =	sor.u32 s13, s6;
	s3 =	sshra.s32 @!p1 s2, $0x1F  }
0x106: {  	s6 =	sxor.u32 $0xFFFFFFFF, s6;
	s29 =	smulhi.u32 $0x3E0F83E1, s24;
	s3 =	sshrl.u32 @!p1 s3, $0x1D  }
0x107: {  	s30 =	sshrl.u32 s6, $0x1F;
	p2 =	sgt.s32 @!p1 s0, $0xFFFFFFFF;
	s3 =	sadd.s32 @!p1 s3, s2  }
0x108: {  	p3 =	slt.s32 @!p1 s2, $0x1;
	s5 =	sshrl.u32 @!p1 s3, $0x3;
	s3 =	sand.u32 @!p1 $0xFFFFFFF8, s3  }
0x109: {  	s0 =	sshll.u32 @!p1 s0, $0x7;
	p2 =	por @!p1 p2, p3;
	p3 =	sne.s32 @!p1 s2, s3  }
0x10a: {  	s0 =	sadd.s32 @!p1 $0x400, s0;
	s4 =	sadd.s32 @!p1 s4, s5;
	p2 =	por @!p1 !p2, !p3  }
0x10b: {  	s3 =	sadd.s32 s25, s29;
	s2 =	sadd.s32 s30, s17;
	p2 =	por @!p1 !p2, !p2  }
0x10c: {  	s31 =	sshrl.u32 s3, $0x1F;
	s3 =	sshra.s32 s3, $0x4;
	p2 =	por !p2, p1  }
0x10d: {  	s15 =	simm.s32 @p2 $0x0;
	p2 =	sne.s32 s2, $0x1;
	s2 =	simm.s32 $0x1  }
0x10e: {  	s3 =	sadd.s32 s31, s3;
	s4 =	ssub.s32 @!p1 s4, s15;
	s2 =	simm.s32 @!p2 $0x0  }
0x10f: {  	s0 =	sand.u32 @!p1 $0x380, s0;
	s4 =	sshll.u32 @!p1 s4, $0x11;
	s3 =	ssub.s32 s3, s2  }
0x110: {  	s0 =	sor.u32 @!p1 s0, s4;
	s2 =	smul.u32 $0xFFFFFFBE, s3  }
0x111: {  	s0 =	sshrl.u32 @!p1 s0, $0x3  }
0x112: {  	s4 =	sadd.s32 @!p1 s1, s0;
	s0 =	sadd.s32 s24, s2  }
0x113: {  	s6 =	simm.s32 @!p1 $0x0;
	s5 =	simm.s32 @!p1 $0x400;
	s2 =	simm.s32 @!p1 $0x80;
	v1 =	vmov s0  }
0x114: {  	[tilespmem:s6], [sflag:$0x1] =	stream.strided.gather @!p1 [hbm4b:s4+s2], $0x4000, s5, s2, $0x38;
	[tilespmem:$0x10180] =	vst v63  }
0x115: {  	_ =	swait.ge [sflag:s22], $0x4000  }
0x116: {  	[sflag:s22] =	ssyncset.done $0x0  }
0x117: {  	[sflag:s22] =	ssyncadd.s32 $0xFFFFC000  }
0x118: {  	s2 =	simm.s32 @!p0 $0x4;
	v2 =	vld.idx.msk [tilespmem:v1+s14+$0x0], $0xffff  }
0x119: {  	v1 =	vld.idx.msk [tilespmem:v1+s16+$0x0], $0xffff;
	_ =	swait.ge @!p0 [sflag:s2], $0x4000  }
0x11a: {  	[sflag:s2] =	ssyncset.done @!p0 $0x0  }
0x11b: {  	[sflag:s2] =	ssyncadd.s32 @!p0 $0xFFFFC000;
	s2 =	simm.s32 $0x0  }
0x11c: {  	v3 =	vld [tilespmem:s2+$0x40F0]  }
0x11d: {  	v4 =	vld [tilespmem:s2+$0x4000]  }
0x11e: {  	v5 =	vld [tilespmem:s2+$0x4010]  }
0x11f: {  	v6 =	vld [tilespmem:s2+$0x4020]  }
0x120: {  	v7 =	vld [tilespmem:s2+$0x4030]  }
0x121: {  	v8 =	vld [tilespmem:s2+$0x4040];
	v3 =	vsub.f32 v3, v2  }
0x122: {  	v9 =	vld [tilespmem:s2+$0x4050];
	v4 =	vsub.f32 v4, v2  }
0x123: {  	v10 =	vld [tilespmem:s2+$0x4060];
	v5 =	vsub.f32 v5, v2;
	v3 =	vmul.f32 v3, v1  }
0x124: {  	v11 =	vld [tilespmem:s2+$0x4070];
	v6 =	vsub.f32 v6, v2;
	v4 =	vmul.f32 v4, v1  }
0x125: {  	v12 =	vld [tilespmem:s2+$0x4080];
	v13 =	vsub.f32 v7, v2;
	v5 =	vmul.f32 v5, v1;
	[tilespmem:s2+$0xC0F0] =	vst v3  }
0x126: {  	v7 =	vld [tilespmem:s2+$0x4090];
	[tilespmem:s2+$0xC000] =	vst v4;
	v3 =	vmul.f32 v6, v1;
	v4 =	vsub.f32 v8, v2  }
0x127: {  	v9 =	vsub.f32 v9, v2;
	[tilespmem:s2+$0xC010] =	vst v5;
	v8 =	vmul.f32 v13, v1;
	v5 =	vld [tilespmem:s2+$0x40A0]  }
0x128: {  	v63 =	vsub.f32 v10, v2;
	v6 =	vld [tilespmem:s2+$0x40B0];
	[tilespmem:s2+$0xC020] =	vst v3;
	v4 =	vmul.f32 v4, v1  }
0x129: {  	v11 =	vsub.f32 v11, v2;
	v10 =	vmul.f32 v9, v1;
	[tilespmem:s2+$0xC030] =	vst v8;
	v3 =	vld [tilespmem:s2+$0x40C0]  }
0x12a: {  	s4 =	simm.s32 $0x0;
	s5 =	simm.s32 $0x400;
	v9 =	vsub.f32 v12, v2;
	v8 =	vmul.f32 v63, v1;
	[tilespmem:s2+$0xC040] =	vst v4;
	v4 =	vld [tilespmem:s2+$0x40D0]  }
.LBB2_5:
0x12b: {  	s6 =	sshra.s32 s5, $0x2;
	s4 =	sadd.s32 $0x2, s4;
	[tilespmem:s2+$0xC050] =	vst v10;
	v10 =	vmul.f32 v11, v1;
	v7 =	vsub.f32 v7, v2;
	v11 =	vld [tilespmem:s2+$0x40E0]  }
0x12c: {  	v12 =	vld [tilespmem:s6+$0x40F0];
	p0 =	slt.u32 s4, $0x7E;
	[tilespmem:s2+$0xC060] =	vst v8;
	v8 =	vmul.f32 v9, v1;
	v5 =	vsub.f32 v5, v2  }
0x12d: {  	v9 =	vld [tilespmem:s6+$0x4000];
	[tilespmem:s2+$0xC070] =	vst v10;
	v7 =	vmul.f32 v7, v1;
	v6 =	vsub.f32 v6, v2  }
0x12e: {  	v10 =	vld [tilespmem:s6+$0x4010];
	[tilespmem:s2+$0xC080] =	vst v8;
	v5 =	vmul.f32 v5, v1;
	v3 =	vsub.f32 v3, v2  }
0x12f: {  	v8 =	vld [tilespmem:s6+$0x4020];
	[tilespmem:s2+$0xC090] =	vst v7;
	v6 =	vmul.f32 v6, v1;
	v4 =	vsub.f32 v4, v2  }
0x130: {  	v7 =	vld [tilespmem:s6+$0x4030];
	[tilespmem:s2+$0xC0A0] =	vst v5;
	v3 =	vmul.f32 v3, v1;
	v5 =	vsub.f32 v11, v2  }
0x131: {  	v11 =	vld [tilespmem:s6+$0x4040];
	v12 =	vsub.f32 v12, v2;
	[tilespmem:s2+$0xC0B0] =	vst v6;
	v4 =	vmul.f32 v4, v1  }
0x132: {  	v6 =	vsub.f32 v9, v2;
	v9 =	vld [tilespmem:s6+$0x4050];
	[tilespmem:s2+$0xC0C0] =	vst v3;
	v3 =	vmul.f32 v5, v1  }
0x133: {  	v5 =	vsub.f32 v10, v2;
	v10 =	vld [tilespmem:s6+$0x4060];
	v12 =	vmul.f32 v12, v1;
	[tilespmem:s2+$0xC0D0] =	vst v4  }
0x134: {  	v4 =	vmul.f32 v6, v1;
	v6 =	vsub.f32 v8, v2;
	v8 =	vld [tilespmem:s6+$0x4070];
	[tilespmem:s2+$0xC0E0] =	vst v3;
	s2 =	smov.u32 s6  }
0x135: {  	v3 =	vmul.f32 v5, v1;
	v5 =	vsub.f32 v7, v2;
	v13 =	vld [tilespmem:s2+$0x4080];
	[tilespmem:s2+$0xC0F0] =	vst v12  }
.Ltmp1:
0x136: {  	[tilespmem:s2+$0xC000] =	vst v4;
	v4 =	vmul.f32 v6, v1;
	v6 =	vsub.f32 v11, v2;
	v7 =	vld [tilespmem:s2+$0x4090];
	(pc) =	sbr.rel @p0 .LBB2_5-.Ltmp1, $4  }
0x137: {  	[tilespmem:s2+$0xC010] =	vst v3;
	v3 =	vmul.f32 v5, v1;
	v9 =	vsub.f32 v9, v2;
	v5 =	vld [tilespmem:s2+$0x40A0]  }
0x138: {  	[tilespmem:s2+$0xC020] =	vst v4;
	v4 =	vmul.f32 v6, v1;
	v12 =	vsub.f32 v10, v2;
	v6 =	vld [tilespmem:s2+$0x40B0]  }
0x139: {  	[tilespmem:s2+$0xC030] =	vst v3;
	v10 =	vmul.f32 v9, v1;
	v11 =	vsub.f32 v8, v2;
	v3 =	vld [tilespmem:s2+$0x40C0]  }
0x13a: {  	s5 =	sadd.s32 $0x400, s5;
	[tilespmem:s2+$0xC040] =	vst v4;
	v8 =	vmul.f32 v12, v1;
	v9 =	vsub.f32 v13, v2;
	v4 =	vld [tilespmem:s2+$0x40D0]  }
0x13b: {  	[tilespmem:s2+$0xC050] =	vst v10;
	v61 =	vmul.f32 v11, v1;
	v7 =	vsub.f32 v7, v2;
	v62 =	vld [tilespmem:s2+$0x40E0]  }
0x13c: {  	s4 =	sshra.s32 s0, $0x1F;
	[tilespmem:s2+$0xC060] =	vst v8;
	v63 =	vmul.f32 v9, v1;
	v5 =	vsub.f32 v5, v2  }
0x13d: {  	s3 =	smul.u32 $0x9, s3;
	s5 =	sshrl.u32 s4, $0x1D;
	[tilespmem:s2+$0xC070] =	vst v61;
	v7 =	vmul.f32 v7, v1;
	v6 =	vsub.f32 v6, v2  }
0x13e: {  	s5 =	sadd.s32 s5, s0;
	[tilespmem:s2+$0xC080] =	vst v63;
	v5 =	vmul.f32 v5, v1;
	v3 =	vsub.f32 v3, v2  }
0x13f: {  	s28 =	sadd.s32 $0x1, s28;
	s3 =	sadd.s32 s3, s4;
	s30 =	sshrl.u32 s5, $0x3;
	[tilespmem:s2+$0xC090] =	vst v7;
	v6 =	vmul.f32 v6, v1;
	v4 =	vsub.f32 v4, v2  }
0x140: {  	s31 =	sshll.u32 s0, $0x7;
	p0 =	sne.s32 s28, s10;
	s3 =	sadd.s32 s30, s3;
	[tilespmem:s2+$0xC0A0] =	vst v5;
	v3 =	vmul.f32 v3, v1;
	v2 =	vsub.f32 v62, v2  }
.Ltmp2:
0x141: {  	s0 =	sand.u32 $0x380, s31;
	s3 =	sshll.u32 s3, $0x11;
	[tilespmem:s2+$0xC0B0] =	vst v6;
	v4 =	vmul.f32 v4, v1;
	(pc) =	sbr.rel @p0 .LBB2_2-.Ltmp2, $4  }
0x142: {  	s0 =	sor.u32 s0, s3;
	[tilespmem:s2+$0xC0C0] =	vst v3;
	v1 =	vmul.f32 v2, v1  }
0x143: {  	s0 =	sshrl.u32 s0, $0x3;
	[tilespmem:s2+$0xC0D0] =	vst v4  }
0x144: {  	s0 =	sadd.s32 s7, s0;
	[tilespmem:s2+$0xC0E0] =	vst v1  }
0x145: {  	[hbm4b:s0+s19] =	stream.strided.scatter [tilespmem:s23], [sflag:$0x4], $0x4000, s20, s19, $0x38;
	[tilespmem:$0x10180] =	vst v63  }
0x146: {  	s0 =	simm.s32 $0x3  }
0x147: {  	_ =	swait.ge [sflag:s0], $0x4000  }
0x148: {  	[sflag:s0] =	ssyncset.done $0x0  }
0x149: {  	s2 =	simm.s32 $0x4;
	[sflag:s0] =	ssyncadd.s32 $0xFFFFC000  }
0x14a: {  	_ =	swait.ge [sflag:s2], $0x4000  }
0x14b: {  	s26 =	sadd.s32 $0x1, s26;
	s31 =	rddreg [dreg:$0x6]  }
0x14c: {  	p0 =	sne.s32 s26, s31  }
.Ltmp3:
0x14d: {  	_ = 	snop;
	(pc) =	sbr.rel @p0 .LBB2_1-.Ltmp3, $3  }
0x14e: {  	_ =	sdelay $0x1  }
0x14f: {  	[sflag:s2] =	ssyncset.done $0x0  }
0x150: {  	[sflag:s2] =	ssyncadd.s32 $0xFFFFC000  }
0x151: {  	_ =	sfence.sel $0x180000  }
0x152: {  	[bflag:$0x0] =	sbarrier.arrive $0xFFFF  }
0x153: {  	_ =	strace $0x90000047  }
0x154: {  	s0 =	stileid.u32;
	[bflag:$0x2] =	sbarrier.arrive $0xFFFF  }
0x155: {  	p0 =	sne.s32 s0, $0x0;
	s0 =	rddreg [dreg:$0x3]  }
0x156: {  	s0 =	sadd.s32 @!p0 $0x100000, s0  }
0x157: {  	[sflag:s0] =	ssyncadd.tile.s32 @!p0 $0x1;
	_ =	shalt  }
.Lfunc_end2:
_tile_overlayer_lowered:
.L_overlay_start_2:
0x158: {  	(tag) =	ssettag $0x2  }
0x159: {  	s0 =	rddreg [dreg:$0x0];
	s2 =	stileid.u32  }
0x15a: {  	s1 =	rddreg [dreg:$0x1];
	p0 =	sne.s32 s2, $0x0  }
0x15b: {  	s3 =	rddreg [dreg:$0x2];
	[bflag:$0x3] =	sbarrier.arrive $0xFFFF;
	s2 =	simm.s32 @!p0 $0x1C05  }
0x15c: {  	[timem:s3], [sflag:s2] =	dma.local @!p0 [hbm:s0], s1  }
0x15d: {  	s0 =	simm.s32 @!p0 $0x5  }
0x15e: {  	_ =	swait.ge @!p0 [sflag:s0], s1  }
0x15f: {  	s1 =	ssub.s32 @!p0 $0x0, s1;
	[sflag:s0] =	ssyncset.done @!p0 $0x0  }
0x160: {  	[sflag:s0] =	ssyncadd.s32 @!p0 s1  }
0x161: {  	[bflag:$0x3] =	sbarrier.arrive $0xFFFF  }
0x162: {  	_ =	shalt  }

</sc_bundles>
